<compile_context>
chip_gen: v7x
topology: tpu7x:2x2x1
jax: 0.10.2.dev20260603
libtpu: 0.0.44.dev20260713+nightly
codegen_flags: <defaults>
</compile_context>

<pallas_src>
import functools

import jax
import jax.numpy as jnp
from jax import lax
from jax.experimental import pallas as pl
from jax.experimental.pallas import tpu as pltpu
from jax.experimental.pallas import tpu_sc as plsc

NPAD = 10112
D = 128
CH = 128
NCH = 80
NBUF = 3
CH2 = 128
NCH2 = 81
EPAD = 32 * NCH2 * CH2
ROWS_PER_TILE = 632

_mesh = plsc.VectorSubcoreMesh(core_axis_name="c", subcore_axis_name="s")


@functools.partial(
    pl.kernel,
    out_type=jax.ShapeDtypeStruct((2 * NPAD,), jnp.float32),
    mesh=_mesh,
    scratch_types=[
        pltpu.VMEM((NCH, CH), jnp.int32),
        pltpu.VMEM((CH,), jnp.float32),
        pltpu.VMEM_SHARED((NPAD,), jnp.float32),
        pltpu.SemaphoreType.DMA,
        pltpu.SemaphoreType.DMA,
    ],
)
def _deg_kernel(col_ref, ones_ref, z1_ref, out_ref, col_v, ones_v, deg_sh,
                d0, d1):
    cid = lax.axis_index("c")
    sid = lax.axis_index("s")
    pltpu.sync_copy(ones_ref, ones_v)
    pltpu.sync_copy(col_ref.at[cid * 16 + sid], col_v)
    sl_a = pl.ds(sid * 640, 640)
    sl_b = pl.ds(15 * 640, 512)

    @pl.when(sid < 15)
    def _():
        pltpu.sync_copy(z1_ref.at[sl_a], deg_sh.at[sl_a])

    @pl.when(sid == 15)
    def _():
        pltpu.sync_copy(z1_ref.at[sl_b], deg_sh.at[sl_b])

    plsc.subcore_barrier()

    def body(i, carry):
        pltpu.async_copy(ones_v, deg_sh.at[col_v.at[2 * i]], d0, add=True)
        pltpu.async_copy(ones_v, deg_sh.at[col_v.at[2 * i + 1]], d1, add=True)
        pltpu.make_async_copy(ones_v, deg_sh.at[col_v.at[2 * i]], d0).wait()
        pltpu.make_async_copy(
            ones_v, deg_sh.at[col_v.at[2 * i + 1]], d1).wait()
        return carry

    lax.fori_loop(0, NCH // 2, body, 0)
    plsc.subcore_barrier()

    @pl.when(sid < 15)
    def _():
        pltpu.sync_copy(deg_sh.at[sl_a],
                        out_ref.at[pl.ds(cid * NPAD + sid * 640, 640)])

    @pl.when(sid == 15)
    def _():
        pltpu.sync_copy(deg_sh.at[sl_b],
                        out_ref.at[pl.ds(cid * NPAD + 15 * 640, 512)])


@functools.partial(
    pl.kernel,
    out_type=jax.ShapeDtypeStruct((2, NPAD, D), jnp.float32),
    mesh=_mesh,
    scratch_types=(
        [pltpu.VMEM((CH2,), jnp.int32) for _ in range(2 * NBUF)]
        + [pltpu.VMEM((CH2, D), jnp.float32) for _ in range(NBUF)]
        + [pltpu.VMEM_SHARED((NPAD, D), jnp.float32)]
        + [pltpu.SemaphoreType.DMA for _ in range(4 * NBUF + 1)]
    ),
)
def _hop_kernel(row_ref, col_ref, g_ref, z2_ref, out_ref, *scr):
    ridx = scr[0:NBUF]
    cidx = scr[NBUF:2 * NBUF]
    rows = scr[2 * NBUF:3 * NBUF]
    acc_sh = scr[3 * NBUF]
    gir = scr[3 * NBUF + 1:3 * NBUF + 1 + NBUF]
    gic = scr[3 * NBUF + 1 + NBUF:3 * NBUF + 1 + 2 * NBUF]
    gg = scr[3 * NBUF + 1 + 2 * NBUF:3 * NBUF + 1 + 3 * NBUF]
    gs = scr[3 * NBUF + 1 + 3 * NBUF:3 * NBUF + 1 + 4 * NBUF]
    zs = scr[3 * NBUF + 1 + 4 * NBUF]
    cid = lax.axis_index("c")
    sid = lax.axis_index("s")
    wid = cid * 16 + sid
    sl = pl.ds(sid * ROWS_PER_TILE, ROWS_PER_TILE)
    pltpu.async_copy(z2_ref.at[sl], acc_sh.at[sl], zs)

    for p in range(NBUF):
        pltpu.async_copy(row_ref.at[p, wid, 0], ridx[p], gir[p])
        pltpu.async_copy(col_ref.at[p, wid, 0], cidx[p], gic[p])
    for p in range(NBUF):
        pltpu.make_async_copy(row_ref.at[p, wid, 0], ridx[p], gir[p]).wait()
        pltpu.async_copy(g_ref.at[ridx[p]], rows[p], gg[p])
    pltpu.make_async_copy(z2_ref.at[sl], acc_sh.at[sl], zs).wait()
    plsc.subcore_barrier()

    def body(i, carry):
        c = NBUF * i
        for p in range(NBUF):
            pltpu.make_async_copy(g_ref.at[ridx[p]], rows[p], gg[p]).wait()
            pltpu.make_async_copy(
                col_ref.at[c + p, wid, 0], cidx[p], gic[p]).wait()
            pltpu.async_copy(rows[p], acc_sh.at[cidx[p]], gs[p], add=True)
            pltpu.async_copy(
                row_ref.at[c + p + NBUF, wid, 0], ridx[p], gir[p])
        for p in range(NBUF):
            pltpu.make_async_copy(rows[p], acc_sh.at[cidx[p]], gs[p]).wait()
            pltpu.async_copy(
                col_ref.at[c + p + NBUF, wid, 0], cidx[p], gic[p])
            pltpu.make_async_copy(
                row_ref.at[c + p + NBUF, wid, 0], ridx[p], gir[p]).wait()
            pltpu.async_copy(g_ref.at[ridx[p]], rows[p], gg[p])
        return carry

    lax.fori_loop(0, NCH2 // NBUF - 1, body, 0)
    ce = NCH2 - NBUF
    for p in range(NBUF):
        pltpu.make_async_copy(g_ref.at[ridx[p]], rows[p], gg[p]).wait()
        pltpu.make_async_copy(
            col_ref.at[ce + p, wid, 0], cidx[p], gic[p]).wait()
        pltpu.async_copy(rows[p], acc_sh.at[cidx[p]], gs[p], add=True)
    for p in range(NBUF):
        pltpu.make_async_copy(rows[p], acc_sh.at[cidx[p]], gs[p]).wait()
    plsc.subcore_barrier()
    pltpu.sync_copy(acc_sh.at[sl], out_ref.at[cid, sl])


_BN = 632
_GRID = NPAD // _BN
NREAL = 10000


def _tc1_body(d_ref, x_ref, o_ref):
    cnt = d_ref[:, 0] + d_ref[:, 1] + 1.0
    dis = lax.rsqrt(cnt)
    r = pl.program_id(0) * _BN + lax.broadcasted_iota(jnp.int32, (_BN, 1), 0)
    o_ref[...] = jnp.where(r < NREAL, x_ref[...] * dis[:, None], 0.0)


def _tc2_body(d_ref, s_ref, g_ref, o_ref):
    cnt = d_ref[:, 0] + d_ref[:, 1] + 1.0
    inv = 1.0 / cnt
    r = pl.program_id(0) * _BN + lax.broadcasted_iota(jnp.int32, (_BN, 1), 0)
    o_ref[...] = jnp.where(
        r < NREAL, (s_ref[0] + s_ref[1] + g_ref[...]) * inv[:, None], 0.0)


def _tc3_body(d_ref, x_ref, g2_ref, s2_ref, w0_ref, b0_ref, w1_ref, b1_ref,
              w2_ref, b2_ref, wf_ref, bf_ref, o_ref):
    cnt = d_ref[:, 0] + d_ref[:, 1] + 1.0
    dis = lax.rsqrt(cnt)
    sq = jnp.sqrt(cnt)
    g2 = g2_ref[...]
    x1 = g2 * sq[:, None]
    x2 = (s2_ref[0] + s2_ref[1] + g2) * dis[:, None]
    dot = functools.partial(jnp.dot, preferred_element_type=jnp.float32)
    t0 = jnp.maximum(dot(x_ref[...], w0_ref[...]) + b0_ref[...], 0.0)
    t1 = jnp.maximum(dot(x1, w1_ref[...]) + b1_ref[...], 0.0)
    t2 = jnp.maximum(dot(x2, w2_ref[...]) + b2_ref[...], 0.0)
    wf = wf_ref[...]
    out = dot(t0, wf[:64]) + dot(t1, wf[64:128]) + dot(t2, wf[128:]) \
        + bf_ref[...]
    o_ref[...] = out


def _spec_d():
    return pl.BlockSpec((_BN, 2), lambda i: (i, 0))


def _spec_rows():
    return pl.BlockSpec((_BN, D), lambda i: (i, 0))


def _spec_pair():
    return pl.BlockSpec((2, _BN, D), lambda i: (0, i, 0))


def _spec_full(shape):
    return pl.BlockSpec(shape, lambda i: tuple(0 for _ in shape))


def kernel(x, edge_index, W0, b0, W1, b1, W2, b2, Wf, bf):
    n, d = x.shape
    f32 = jnp.float32

    e = edge_index.shape[1]
    i32 = jnp.int32
    pidx = jnp.arange(EPAD - e, dtype=i32)
    row_rs = jnp.concatenate(
        [edge_index[0], n + pidx % (NPAD - n)]).reshape(NCH2, 32, 1, CH2)
    col_rs = jnp.concatenate(
        [edge_index[1], pidx % NPAD]).reshape(NCH2, 32, 1, CH2)
    pidx2 = jnp.arange(32 * NCH * CH - e, dtype=i32)
    col_dg = jnp.concatenate(
        [edge_index[1], n + pidx2 % (NPAD - n)]).reshape(32, NCH, CH)
    z1 = jnp.zeros((NPAD,), f32)
    z2 = jnp.zeros((NPAD, D), f32)
    ones = jnp.ones((CH,), f32)

    deg2 = _deg_kernel(col_dg, ones, z1).reshape(2, NPAD).T

    g1 = pl.pallas_call(
        _tc1_body,
        grid=(_GRID,),
        in_specs=[_spec_d(), _spec_rows()],
        out_specs=_spec_rows(),
        out_shape=jax.ShapeDtypeStruct((NPAD, D), f32),
    )(deg2, x)

    s1p = _hop_kernel(row_rs, col_rs, g1, z2)

    g2 = pl.pallas_call(
        _tc2_body,
        grid=(_GRID,),
        in_specs=[_spec_d(), _spec_pair(), _spec_rows()],
        out_specs=_spec_rows(),
        out_shape=jax.ShapeDtypeStruct((NPAD, D), f32),
    )(deg2, s1p, g1)

    s2p = _hop_kernel(row_rs, col_rs, g2, z2)

    out = pl.pallas_call(
        _tc3_body,
        grid=(_GRID,),
        in_specs=[
            _spec_d(), _spec_rows(), _spec_rows(), _spec_pair(),
            _spec_full((D, 64)), _spec_full((1, 64)),
            _spec_full((D, 64)), _spec_full((1, 64)),
            _spec_full((D, 64)), _spec_full((1, 64)),
            _spec_full((192, D)), _spec_full((1, D)),
        ],
        out_specs=_spec_rows(),
        out_shape=jax.ShapeDtypeStruct((n, D), f32),
    )(deg2, x, g2, s2p, W0, b0.reshape(1, 64), W1, b1.reshape(1, 64),
      W2, b2.reshape(1, 64), Wf, bf.reshape(1, D))

    return out

# --- scband reference (transcript-rebuilt; emitter-appended) ---
"""Pipeline reference for scband-mix-hop-82231443849291 (READ-ONLY COPY).

The authoritative reference and input builder live on the scoring server;
editing this copy changes nothing except your own understanding.
"""

import jax, jax.numpy as jnp
import numpy as np

N = 10000
E = 320000
D = 128
H = 192
OUT = 128
HP = H // 3  # 64 per hop branch


def setup_inputs(seed: int = 0) -> dict:
    key = jax.random.key(seed)
    ks = jax.random.split(key, 12)
    x = jax.random.normal(ks[0], (N, D), dtype=jnp.float32)
    edge_index = jax.random.randint(ks[1], (2, E), 0, N, dtype=jnp.int32)
    # MixHopConv linears: Linear(D, H//3) for each hop in [0,1,2]
    s = 1.0 / np.sqrt(D)
    W0 = jax.random.uniform(ks[2], (D, HP), jnp.float32, -s, s)
    b0 = jax.random.uniform(ks[3], (HP,), jnp.float32, -s, s)
    W1 = jax.random.uniform(ks[4], (D, HP), jnp.float32, -s, s)
    b1 = jax.random.uniform(ks[5], (HP,), jnp.float32, -s, s)
    W2 = jax.random.uniform(ks[6], (D, HP), jnp.float32, -s, s)
    b2 = jax.random.uniform(ks[7], (HP,), jnp.float32, -s, s)
    sf = 1.0 / np.sqrt(H)
    Wf = jax.random.uniform(ks[8], (H, OUT), jnp.float32, -sf, sf)
    bf = jax.random.uniform(ks[9], (OUT,), jnp.float32, -sf, sf)
    return {"x": x, "edge_index": edge_index, "W0": W0, "b0": b0, "W1": W1,
            "b1": b1, "W2": W2, "b2": b2, "Wf": Wf, "bf": bf}


def _mixhop_conv(x, edge_index, Ws, bs):
    n = x.shape[0]
    loops = jnp.arange(n, dtype=edge_index.dtype)
    ei = jnp.concatenate([edge_index, jnp.stack([loops, loops])], axis=1)
    row, col = ei[0], ei[1]
    # symmetric normalization per GCN (degree computed on col incl. self-loops)
    deg = jnp.zeros((n,), x.dtype).at[col].add(1.0)
    deg_inv_sqrt = jnp.where(deg > 0, deg ** -0.5, 0.0)
    norm = deg_inv_sqrt[row] * deg_inv_sqrt[col]

    def prop(h):
        msg = norm[:, None] * h[row]           # gather + scale
        return jnp.zeros_like(h).at[col].add(msg)  # scatter-add

    outs = []
    # hop 0
    outs.append(x @ Ws[0] + bs[0])
    # hop 1
    x1 = prop(x)
    outs.append(x1 @ Ws[1] + bs[1])
    # hop 2 (restart from x as in reference code: x_hop reset after each branch)
    x2 = prop(prop(x))
    outs.append(x2 @ Ws[2] + bs[2])
    return jnp.concatenate(outs, axis=-1)


def reference(x, edge_index, W0, b0, W1, b1, W2, b2, Wf, bf):
    h = _mixhop_conv(x, edge_index, (W0, W1, W2), (b0, b1, b2))
    h = jax.nn.relu(h)
    # dropout in eval mode -> identity
    return h @ Wf + bf

if __name__ == "__main__":
    import jax
    _d = setup_inputs()
    print(jax.jit(kernel)(*tuple(_d.values())))

</pallas_src>

<mosaic_0001>
#map = affine_map<(d0, d1) -> (0, 0, 0)>
#map1 = affine_map<(d0, d1) -> (0)>
module attributes {stable_mosaic.version = 14 : i64} {
  func.func @_deg_kernel(%arg0: i32, %arg1: i32, %arg2: memref<32x80x128xi32, #tpu.memory_space<hbm>>, %arg3: memref<128xf32, #tpu.memory_space<hbm>>, %arg4: memref<10112xf32, #tpu.memory_space<hbm>>, %arg5: memref<20224xf32, #tpu.memory_space<hbm>>, %arg6: memref<80x128xi32, #tpu.memory_space<vmem>>, %arg7: memref<128xf32, #tpu.memory_space<vmem>>, %arg8: memref<10112xf32, #tpu.memory_space<vmem_shared>>, %arg9: memref<!tpu.dma_semaphore, #tpu.memory_space<semaphore_mem>>, %arg10: memref<!tpu.dma_semaphore, #tpu.memory_space<semaphore_mem>>) attributes {dimension_semantics = [#tpu.dimension_semantics<core_parallel>, #tpu.dimension_semantics<subcore_parallel>], iteration_bounds = array<i64: 2, 16>, scalar_prefetch = 0 : i64, scratch_operands = 5 : i64, tpu.core_type = #tpu.core_type<sc_vector_subcore>, window_params = [{transform_indices = #map}, {transform_indices = #map1}, {transform_indices = #map1}, {transform_indices = #map1}]} {
    "tpu.region"() ({
      %run_scoped3A = tpu.sem_alloc : memref<!tpu.dma_semaphore, #tpu.memory_space<semaphore_mem>>
      tpu.enqueue_dma source(%arg3 : memref<128xf32, #tpu.memory_space<hbm>>) target(%arg7 : memref<128xf32, #tpu.memory_space<vmem>>) target_semaphore(%run_scoped3A : memref<!tpu.dma_semaphore, #tpu.memory_space<semaphore_mem>>)
      tpu.wait_dma2 semaphore(%run_scoped3A : memref<!tpu.dma_semaphore, #tpu.memory_space<semaphore_mem>>) src(%arg3 : memref<128xf32, #tpu.memory_space<hbm>>) dst(%arg7 : memref<128xf32, #tpu.memory_space<vmem>>)
      tpu.yield
    }) : () -> ()
    %mul3A = arith.constant 16 : i32
    %mul3A_0 = arith.muli %arg0, %mul3A : i32
    %add3A = arith.addi %mul3A_0, %arg1 : i32
    "tpu.region"() ({
      %run_scoped3A = tpu.sem_alloc : memref<!tpu.dma_semaphore, #tpu.memory_space<semaphore_mem>>
      %dma_start3A = arith.constant 0 : i32
      %dma_start3A_25 = arith.constant 0 : i32
      %dma_start3A_26 = tpu.memref_slice %arg2[%add3A, %dma_start3A, %dma_start3A_25] : memref<32x80x128xi32, #tpu.memory_space<hbm>> -> memref<1x80x128xi32, #tpu.memory_space<hbm>>
      %dma_start3A_27 = tpu.memref_squeeze %dma_start3A_26 : memref<1x80x128xi32, #tpu.memory_space<hbm>> -> memref<80x128xi32, #tpu.memory_space<hbm>>
      %dma_start3A_28 = arith.constant 0 : i32
      %dma_start3A_29 = arith.constant 0 : i32
      %dma_start3A_30 = tpu.memref_slice %arg2[%add3A, %dma_start3A_28, %dma_start3A_29] : memref<32x80x128xi32, #tpu.memory_space<hbm>> -> memref<1x80x128xi32, #tpu.memory_space<hbm>>
      %dma_start3A_31 = tpu.memref_squeeze %dma_start3A_30 : memref<1x80x128xi32, #tpu.memory_space<hbm>> -> memref<80x128xi32, #tpu.memory_space<hbm>>
      tpu.enqueue_dma source(%dma_start3A_31 : memref<80x128xi32, #tpu.memory_space<hbm>>) target(%arg6 : memref<80x128xi32, #tpu.memory_space<vmem>>) target_semaphore(%run_scoped3A : memref<!tpu.dma_semaphore, #tpu.memory_space<semaphore_mem>>)
      %dma_wait3A = arith.constant 0 : i32
      %dma_wait3A_32 = arith.constant 0 : i32
      %dma_wait3A_33 = tpu.memref_slice %arg2[%add3A, %dma_wait3A, %dma_wait3A_32] : memref<32x80x128xi32, #tpu.memory_space<hbm>> -> memref<1x80x128xi32, #tpu.memory_space<hbm>>
      %dma_wait3A_34 = tpu.memref_squeeze %dma_wait3A_33 : memref<1x80x128xi32, #tpu.memory_space<hbm>> -> memref<80x128xi32, #tpu.memory_space<hbm>>
      %dma_wait3A_35 = arith.constant 0 : i32
      %dma_wait3A_36 = arith.constant 0 : i32
      %dma_wait3A_37 = tpu.memref_slice %arg2[%add3A, %dma_wait3A_35, %dma_wait3A_36] : memref<32x80x128xi32, #tpu.memory_space<hbm>> -> memref<1x80x128xi32, #tpu.memory_space<hbm>>
      %dma_wait3A_38 = tpu.memref_squeeze %dma_wait3A_37 : memref<1x80x128xi32, #tpu.memory_space<hbm>> -> memref<80x128xi32, #tpu.memory_space<hbm>>
      tpu.wait_dma2 semaphore(%run_scoped3A : memref<!tpu.dma_semaphore, #tpu.memory_space<semaphore_mem>>) src(%dma_wait3A_38 : memref<80x128xi32, #tpu.memory_space<hbm>>) dst(%arg6 : memref<80x128xi32, #tpu.memory_space<vmem>>)
      tpu.yield
    }) : () -> ()
    %mul3A_1 = arith.constant 640 : i32
    %mul3A_2 = arith.muli %arg1, %mul3A_1 : i32
    %lt3A = arith.constant 15 : i32
    %lt3A_3 = arith.cmpi slt, %arg1, %lt3A : i32
    %convert_element_type3A = arith.extui %lt3A_3 : i1 to i32
    %cond3A = arith.constant 0 : i32
    %cond3A_4 = arith.cmpi ne, %convert_element_type3A, %cond3A : i32
    scf.if %cond3A_4 {
      "tpu.region"() ({
        %run_scoped3A = tpu.sem_alloc : memref<!tpu.dma_semaphore, #tpu.memory_space<semaphore_mem>>
        %dma_start3A = tpu.memref_slice %arg8[%mul3A_2] : memref<10112xf32, #tpu.memory_space<vmem_shared>> -> memref<640xf32, #tpu.memory_space<vmem_shared>>
        %dma_start3A_25 = tpu.memref_slice %arg4[%mul3A_2] : memref<10112xf32, #tpu.memory_space<hbm>> -> memref<640xf32, #tpu.memory_space<hbm>>
        tpu.enqueue_dma source(%dma_start3A_25 : memref<640xf32, #tpu.memory_space<hbm>>) target(%dma_start3A : memref<640xf32, #tpu.memory_space<vmem_shared>>) target_semaphore(%run_scoped3A : memref<!tpu.dma_semaphore, #tpu.memory_space<semaphore_mem>>)
        %dma_wait3A = tpu.memref_slice %arg8[%mul3A_2] : memref<10112xf32, #tpu.memory_space<vmem_shared>> -> memref<640xf32, #tpu.memory_space<vmem_shared>>
        %dma_wait3A_26 = tpu.memref_slice %arg4[%mul3A_2] : memref<10112xf32, #tpu.memory_space<hbm>> -> memref<640xf32, #tpu.memory_space<hbm>>
        tpu.wait_dma2 semaphore(%run_scoped3A : memref<!tpu.dma_semaphore, #tpu.memory_space<semaphore_mem>>) src(%dma_wait3A_26 : memref<640xf32, #tpu.memory_space<hbm>>) dst(%dma_wait3A : memref<640xf32, #tpu.memory_space<vmem_shared>>)
        tpu.yield
      }) : () -> ()
    } else {
    }
    %eq3A = arith.constant 15 : i32
    %eq3A_5 = arith.cmpi eq, %arg1, %eq3A : i32
    %convert_element_type3A_6 = arith.extui %eq3A_5 : i1 to i32
    %cond3A_7 = arith.constant 0 : i32
    %cond3A_8 = arith.cmpi ne, %convert_element_type3A_6, %cond3A_7 : i32
    scf.if %cond3A_8 {
      "tpu.region"() ({
        %run_scoped3A = tpu.sem_alloc : memref<!tpu.dma_semaphore, #tpu.memory_space<semaphore_mem>>
        %dma_start3A = arith.constant 9600 : i32
        %dma_start3A_25 = tpu.memref_slice %arg8[%dma_start3A] : memref<10112xf32, #tpu.memory_space<vmem_shared>> -> memref<512xf32, #tpu.memory_space<vmem_shared>>
        %dma_start3A_26 = arith.constant 9600 : i32
        %dma_start3A_27 = tpu.memref_slice %arg4[%dma_start3A_26] : memref<10112xf32, #tpu.memory_space<hbm>> -> memref<512xf32, #tpu.memory_space<hbm>>
        tpu.enqueue_dma source(%dma_start3A_27 : memref<512xf32, #tpu.memory_space<hbm>>) target(%dma_start3A_25 : memref<512xf32, #tpu.memory_space<vmem_shared>>) target_semaphore(%run_scoped3A : memref<!tpu.dma_semaphore, #tpu.memory_space<semaphore_mem>>)
        %dma_wait3A = arith.constant 9600 : i32
        %dma_wait3A_28 = tpu.memref_slice %arg8[%dma_wait3A] : memref<10112xf32, #tpu.memory_space<vmem_shared>> -> memref<512xf32, #tpu.memory_space<vmem_shared>>
        %dma_wait3A_29 = arith.constant 9600 : i32
        %dma_wait3A_30 = tpu.memref_slice %arg4[%dma_wait3A_29] : memref<10112xf32, #tpu.memory_space<hbm>> -> memref<512xf32, #tpu.memory_space<hbm>>
        tpu.wait_dma2 semaphore(%run_scoped3A : memref<!tpu.dma_semaphore, #tpu.memory_space<semaphore_mem>>) src(%dma_wait3A_30 : memref<512xf32, #tpu.memory_space<hbm>>) dst(%dma_wait3A_28 : memref<512xf32, #tpu.memory_space<vmem_shared>>)
        tpu.yield
      }) : () -> ()
    } else {
    }
    %barrier3A = arith.constant 0 : index
    tpu.barrier barrier_id(%barrier3A)
    %scan3A = arith.constant 0 : i32
    %scan3A_9 = arith.constant 0 : i32
    %scan3A_10 = arith.constant 40 : i32
    %scan3A_11 = arith.addi %scan3A_9, %scan3A_10 : i32
    %scan3A_12 = arith.constant 1 : i32
    scf.for %scan3A_25 = %scan3A_9 to %scan3A_11 step %scan3A_12  : i32 {
      %mul3A_26 = arith.constant 2 : i32
      %mul3A_27 = arith.muli %mul3A_26, %scan3A_25 : i32
      %dma_start3A = arith.constant 0 : i32
      %dma_start3A_28 = tpu.memref_slice %arg6[%mul3A_27, %dma_start3A] : memref<80x128xi32, #tpu.memory_space<vmem>> -> memref<1x128xi32, #tpu.memory_space<vmem>>
      %dma_start3A_29 = tpu.memref_squeeze %dma_start3A_28 : memref<1x128xi32, #tpu.memory_space<vmem>> -> memref<128xi32, #tpu.memory_space<vmem>>
      %dma_start3A_30 = arith.constant 0 : i32
      %dma_start3A_31 = tpu.memref_slice %arg8[%dma_start3A_30] : memref<10112xf32, #tpu.memory_space<vmem_shared>> -> memref<10112xf32, #tpu.memory_space<vmem_shared>>
      tpu.enqueue_indirect_dma source(%arg7 : memref<128xf32, #tpu.memory_space<vmem>>) target(%dma_start3A_31 : memref<10112xf32, #tpu.memory_space<vmem_shared>>) offsets(%dma_start3A_29 : memref<128xi32, #tpu.memory_space<vmem>>) semaphore(%arg9 : memref<!tpu.dma_semaphore, #tpu.memory_space<semaphore_mem>>) {add = true}
      %mul3A_32 = arith.constant 2 : i32
      %mul3A_33 = arith.muli %mul3A_32, %scan3A_25 : i32
      %add3A_34 = arith.constant 1 : i32
      %add3A_35 = arith.addi %mul3A_33, %add3A_34 : i32
      %dma_start3A_36 = arith.constant 0 : i32
      %dma_start3A_37 = tpu.memref_slice %arg6[%add3A_35, %dma_start3A_36] : memref<80x128xi32, #tpu.memory_space<vmem>> -> memref<1x128xi32, #tpu.memory_space<vmem>>
      %dma_start3A_38 = tpu.memref_squeeze %dma_start3A_37 : memref<1x128xi32, #tpu.memory_space<vmem>> -> memref<128xi32, #tpu.memory_space<vmem>>
      %dma_start3A_39 = arith.constant 0 : i32
      %dma_start3A_40 = tpu.memref_slice %arg8[%dma_start3A_39] : memref<10112xf32, #tpu.memory_space<vmem_shared>> -> memref<10112xf32, #tpu.memory_space<vmem_shared>>
      tpu.enqueue_indirect_dma source(%arg7 : memref<128xf32, #tpu.memory_space<vmem>>) target(%dma_start3A_40 : memref<10112xf32, #tpu.memory_space<vmem_shared>>) offsets(%dma_start3A_38 : memref<128xi32, #tpu.memory_space<vmem>>) semaphore(%arg10 : memref<!tpu.dma_semaphore, #tpu.memory_space<semaphore_mem>>) {add = true}
      %mul3A_41 = arith.constant 2 : i32
      %mul3A_42 = arith.muli %mul3A_41, %scan3A_25 : i32
      %dma_wait3A = arith.constant 0 : i32
      %dma_wait3A_43 = tpu.memref_slice %arg6[%mul3A_42, %dma_wait3A] : memref<80x128xi32, #tpu.memory_space<vmem>> -> memref<1x128xi32, #tpu.memory_space<vmem>>
      %dma_wait3A_44 = tpu.memref_squeeze %dma_wait3A_43 : memref<1x128xi32, #tpu.memory_space<vmem>> -> memref<128xi32, #tpu.memory_space<vmem>>
      %dma_wait3A_45 = arith.constant 0 : i32
      %dma_wait3A_46 = tpu.memref_slice %arg8[%dma_wait3A_45] : memref<10112xf32, #tpu.memory_space<vmem_shared>> -> memref<10112xf32, #tpu.memory_space<vmem_shared>>
      tpu.wait_indirect_dma semaphore(%arg9 : memref<!tpu.dma_semaphore, #tpu.memory_space<semaphore_mem>>) src(%arg7 : memref<128xf32, #tpu.memory_space<vmem>>) dst(%dma_wait3A_46 : memref<10112xf32, #tpu.memory_space<vmem_shared>>)
      %mul3A_47 = arith.constant 2 : i32
      %mul3A_48 = arith.muli %mul3A_47, %scan3A_25 : i32
      %add3A_49 = arith.constant 1 : i32
      %add3A_50 = arith.addi %mul3A_48, %add3A_49 : i32
      %dma_wait3A_51 = arith.constant 0 : i32
      %dma_wait3A_52 = tpu.memref_slice %arg6[%add3A_50, %dma_wait3A_51] : memref<80x128xi32, #tpu.memory_space<vmem>> -> memref<1x128xi32, #tpu.memory_space<vmem>>
      %dma_wait3A_53 = tpu.memref_squeeze %dma_wait3A_52 : memref<1x128xi32, #tpu.memory_space<vmem>> -> memref<128xi32, #tpu.memory_space<vmem>>
      %dma_wait3A_54 = arith.constant 0 : i32
      %dma_wait3A_55 = tpu.memref_slice %arg8[%dma_wait3A_54] : memref<10112xf32, #tpu.memory_space<vmem_shared>> -> memref<10112xf32, #tpu.memory_space<vmem_shared>>
      tpu.wait_indirect_dma semaphore(%arg10 : memref<!tpu.dma_semaphore, #tpu.memory_space<semaphore_mem>>) src(%arg7 : memref<128xf32, #tpu.memory_space<vmem>>) dst(%dma_wait3A_55 : memref<10112xf32, #tpu.memory_space<vmem_shared>>)
    }
    %scan3A_13 = arith.constant 40 : i32
    %barrier3A_14 = arith.constant 0 : index
    tpu.barrier barrier_id(%barrier3A_14)
    %lt3A_15 = arith.constant 15 : i32
    %lt3A_16 = arith.cmpi slt, %arg1, %lt3A_15 : i32
    %convert_element_type3A_17 = arith.extui %lt3A_16 : i1 to i32
    %cond3A_18 = arith.constant 0 : i32
    %cond3A_19 = arith.cmpi ne, %convert_element_type3A_17, %cond3A_18 : i32
    scf.if %cond3A_19 {
      %mul3A_25 = arith.constant 10112 : i32
      %mul3A_26 = arith.muli %arg0, %mul3A_25 : i32
      %mul3A_27 = arith.constant 640 : i32
      %mul3A_28 = arith.muli %arg1, %mul3A_27 : i32
      %add3A_29 = arith.addi %mul3A_26, %mul3A_28 : i32
      "tpu.region"() ({
        %run_scoped3A = tpu.sem_alloc : memref<!tpu.dma_semaphore, #tpu.memory_space<semaphore_mem>>
        %dma_start3A = tpu.memref_slice %arg5[%add3A_29] : memref<20224xf32, #tpu.memory_space<hbm>> -> memref<640xf32, #tpu.memory_space<hbm>>
        %dma_start3A_30 = tpu.memref_slice %arg8[%mul3A_2] : memref<10112xf32, #tpu.memory_space<vmem_shared>> -> memref<640xf32, #tpu.memory_space<vmem_shared>>
        tpu.enqueue_dma source(%dma_start3A_30 : memref<640xf32, #tpu.memory_space<vmem_shared>>) target(%dma_start3A : memref<640xf32, #tpu.memory_space<hbm>>) target_semaphore(%run_scoped3A : memref<!tpu.dma_semaphore, #tpu.memory_space<semaphore_mem>>)
        %dma_wait3A = tpu.memref_slice %arg5[%add3A_29] : memref<20224xf32, #tpu.memory_space<hbm>> -> memref<640xf32, #tpu.memory_space<hbm>>
        %dma_wait3A_31 = tpu.memref_slice %arg8[%mul3A_2] : memref<10112xf32, #tpu.memory_space<vmem_shared>> -> memref<640xf32, #tpu.memory_space<vmem_shared>>
        tpu.wait_dma2 semaphore(%run_scoped3A : memref<!tpu.dma_semaphore, #tpu.memory_space<semaphore_mem>>) src(%dma_wait3A_31 : memref<640xf32, #tpu.memory_space<vmem_shared>>) dst(%dma_wait3A : memref<640xf32, #tpu.memory_space<hbm>>)
        tpu.yield
      }) : () -> ()
    } else {
    }
    %eq3A_20 = arith.constant 15 : i32
    %eq3A_21 = arith.cmpi eq, %arg1, %eq3A_20 : i32
    %convert_element_type3A_22 = arith.extui %eq3A_21 : i1 to i32
    %cond3A_23 = arith.constant 0 : i32
    %cond3A_24 = arith.cmpi ne, %convert_element_type3A_22, %cond3A_23 : i32
    scf.if %cond3A_24 {
      %mul3A_25 = arith.constant 10112 : i32
      %mul3A_26 = arith.muli %arg0, %mul3A_25 : i32
      %add3A_27 = arith.constant 9600 : i32
      %add3A_28 = arith.addi %mul3A_26, %add3A_27 : i32
      "tpu.region"() ({
        %run_scoped3A = tpu.sem_alloc : memref<!tpu.dma_semaphore, #tpu.memory_space<semaphore_mem>>
        %dma_start3A = tpu.memref_slice %arg5[%add3A_28] : memref<20224xf32, #tpu.memory_space<hbm>> -> memref<512xf32, #tpu.memory_space<hbm>>
        %dma_start3A_29 = arith.constant 9600 : i32
        %dma_start3A_30 = tpu.memref_slice %arg8[%dma_start3A_29] : memref<10112xf32, #tpu.memory_space<vmem_shared>> -> memref<512xf32, #tpu.memory_space<vmem_shared>>
        tpu.enqueue_dma source(%dma_start3A_30 : memref<512xf32, #tpu.memory_space<vmem_shared>>) target(%dma_start3A : memref<512xf32, #tpu.memory_space<hbm>>) target_semaphore(%run_scoped3A : memref<!tpu.dma_semaphore, #tpu.memory_space<semaphore_mem>>)
        %dma_wait3A = tpu.memref_slice %arg5[%add3A_28] : memref<20224xf32, #tpu.memory_space<hbm>> -> memref<512xf32, #tpu.memory_space<hbm>>
        %dma_wait3A_31 = arith.constant 9600 : i32
        %dma_wait3A_32 = tpu.memref_slice %arg8[%dma_wait3A_31] : memref<10112xf32, #tpu.memory_space<vmem_shared>> -> memref<512xf32, #tpu.memory_space<vmem_shared>>
        tpu.wait_dma2 semaphore(%run_scoped3A : memref<!tpu.dma_semaphore, #tpu.memory_space<semaphore_mem>>) src(%dma_wait3A_32 : memref<512xf32, #tpu.memory_space<vmem_shared>>) dst(%dma_wait3A : memref<512xf32, #tpu.memory_space<hbm>>)
        tpu.yield
      }) : () -> ()
    } else {
    }
    return
  }
}

#map = affine_map<(d0, d1) -> (0, 0, 0, 0)>
#map1 = affine_map<(d0, d1) -> (0, 0)>
#map2 = affine_map<(d0, d1) -> (0, 0, 0)>
module attributes {stable_mosaic.version = 14 : i64} {
  func.func @_hop_kernel(%arg0: i32, %arg1: i32, %arg2: memref<81x32x1x128xi32, #tpu.memory_space<hbm>>, %arg3: memref<81x32x1x128xi32, #tpu.memory_space<hbm>>, %arg4: memref<10112x128xf32, #tpu.memory_space<hbm>>, %arg5: memref<10112x128xf32, #tpu.memory_space<hbm>>, %arg6: memref<2x10112x128xf32, #tpu.memory_space<hbm>>, %arg7: memref<128xi32, #tpu.memory_space<vmem>>, %arg8: memref<128xi32, #tpu.memory_space<vmem>>, %arg9: memref<128xi32, #tpu.memory_space<vmem>>, %arg10: memref<128xi32, #tpu.memory_space<vmem>>, %arg11: memref<128xi32, #tpu.memory_space<vmem>>, %arg12: memref<128xi32, #tpu.memory_space<vmem>>, %arg13: memref<128x128xf32, #tpu.memory_space<vmem>>, %arg14: memref<128x128xf32, #tpu.memory_space<vmem>>, %arg15: memref<128x128xf32, #tpu.memory_space<vmem>>, %arg16: memref<10112x128xf32, #tpu.memory_space<vmem_shared>>, %arg17: memref<!tpu.dma_semaphore, #tpu.memory_space<semaphore_mem>>, %arg18: memref<!tpu.dma_semaphore, #tpu.memory_space<semaphore_mem>>, %arg19: memref<!tpu.dma_semaphore, #tpu.memory_space<semaphore_mem>>, %arg20: memref<!tpu.dma_semaphore, #tpu.memory_space<semaphore_mem>>, %arg21: memref<!tpu.dma_semaphore, #tpu.memory_space<semaphore_mem>>, %arg22: memref<!tpu.dma_semaphore, #tpu.memory_space<semaphore_mem>>, %arg23: memref<!tpu.dma_semaphore, #tpu.memory_space<semaphore_mem>>, %arg24: memref<!tpu.dma_semaphore, #tpu.memory_space<semaphore_mem>>, %arg25: memref<!tpu.dma_semaphore, #tpu.memory_space<semaphore_mem>>, %arg26: memref<!tpu.dma_semaphore, #tpu.memory_space<semaphore_mem>>, %arg27: memref<!tpu.dma_semaphore, #tpu.memory_space<semaphore_mem>>, %arg28: memref<!tpu.dma_semaphore, #tpu.memory_space<semaphore_mem>>, %arg29: memref<!tpu.dma_semaphore, #tpu.memory_space<semaphore_mem>>) attributes {dimension_semantics = [#tpu.dimension_semantics<core_parallel>, #tpu.dimension_semantics<subcore_parallel>], iteration_bounds = array<i64: 2, 16>, scalar_prefetch = 0 : i64, scratch_operands = 23 : i64, tpu.core_type = #tpu.core_type<sc_vector_subcore>, window_params = [{transform_indices = #map}, {transform_indices = #map}, {transform_indices = #map1}, {transform_indices = #map1}, {transform_indices = #map2}]} {
    %mul3A = arith.constant 16 : i32
    %mul3A_0 = arith.muli %arg0, %mul3A : i32
    %add3A = arith.addi %mul3A_0, %arg1 : i32
    %mul3A_1 = arith.constant 632 : i32
    %mul3A_2 = arith.muli %arg1, %mul3A_1 : i32
    %dma_start3A = arith.constant 0 : i32
    %dma_start3A_3 = tpu.memref_slice %arg16[%mul3A_2, %dma_start3A] : memref<10112x128xf32, #tpu.memory_space<vmem_shared>> -> memref<632x128xf32, #tpu.memory_space<vmem_shared>>
    %dma_start3A_4 = arith.constant 0 : i32
    %dma_start3A_5 = tpu.memref_slice %arg5[%mul3A_2, %dma_start3A_4] : memref<10112x128xf32, #tpu.memory_space<hbm>> -> memref<632x128xf32, #tpu.memory_space<hbm>>
    tpu.enqueue_dma source(%dma_start3A_5 : memref<632x128xf32, #tpu.memory_space<hbm>>) target(%dma_start3A_3 : memref<632x128xf32, #tpu.memory_space<vmem_shared>>) target_semaphore(%arg29 : memref<!tpu.dma_semaphore, #tpu.memory_space<semaphore_mem>>)
    %dma_start3A_6 = arith.constant 0 : i32
    %dma_start3A_7 = arith.constant 0 : i32
    %dma_start3A_8 = arith.constant 0 : i32
    %dma_start3A_9 = tpu.memref_slice %arg2[%dma_start3A_6, %add3A, %dma_start3A_7, %dma_start3A_8] : memref<81x32x1x128xi32, #tpu.memory_space<hbm>> -> memref<1x1x1x128xi32, #tpu.memory_space<hbm>>
    %dma_start3A_10 = tpu.memref_squeeze %dma_start3A_9 : memref<1x1x1x128xi32, #tpu.memory_space<hbm>> -> memref<128xi32, #tpu.memory_space<hbm>>
    %dma_start3A_11 = arith.constant 0 : i32
    %dma_start3A_12 = tpu.memref_slice %arg2[%dma_start3A_6, %add3A, %dma_start3A_7, %dma_start3A_11] : memref<81x32x1x128xi32, #tpu.memory_space<hbm>> -> memref<1x1x1x128xi32, #tpu.memory_space<hbm>>
    %dma_start3A_13 = tpu.memref_squeeze %dma_start3A_12 : memref<1x1x1x128xi32, #tpu.memory_space<hbm>> -> memref<128xi32, #tpu.memory_space<hbm>>
    tpu.enqueue_dma source(%dma_start3A_13 : memref<128xi32, #tpu.memory_space<hbm>>) target(%arg7 : memref<128xi32, #tpu.memory_space<vmem>>) target_semaphore(%arg17 : memref<!tpu.dma_semaphore, #tpu.memory_space<semaphore_mem>>)
    %dma_start3A_14 = arith.constant 0 : i32
    %dma_start3A_15 = arith.constant 0 : i32
    %dma_start3A_16 = arith.constant 0 : i32
    %dma_start3A_17 = tpu.memref_slice %arg3[%dma_start3A_14, %add3A, %dma_start3A_15, %dma_start3A_16] : memref<81x32x1x128xi32, #tpu.memory_space<hbm>> -> memref<1x1x1x128xi32, #tpu.memory_space<hbm>>
    %dma_start3A_18 = tpu.memref_squeeze %dma_start3A_17 : memref<1x1x1x128xi32, #tpu.memory_space<hbm>> -> memref<128xi32, #tpu.memory_space<hbm>>
    %dma_start3A_19 = arith.constant 0 : i32
    %dma_start3A_20 = tpu.memref_slice %arg3[%dma_start3A_14, %add3A, %dma_start3A_15, %dma_start3A_19] : memref<81x32x1x128xi32, #tpu.memory_space<hbm>> -> memref<1x1x1x128xi32, #tpu.memory_space<hbm>>
    %dma_start3A_21 = tpu.memref_squeeze %dma_start3A_20 : memref<1x1x1x128xi32, #tpu.memory_space<hbm>> -> memref<128xi32, #tpu.memory_space<hbm>>
    tpu.enqueue_dma source(%dma_start3A_21 : memref<128xi32, #tpu.memory_space<hbm>>) target(%arg10 : memref<128xi32, #tpu.memory_space<vmem>>) target_semaphore(%arg20 : memref<!tpu.dma_semaphore, #tpu.memory_space<semaphore_mem>>)
    %dma_start3A_22 = arith.constant 1 : i32
    %dma_start3A_23 = arith.constant 0 : i32
    %dma_start3A_24 = arith.constant 0 : i32
    %dma_start3A_25 = tpu.memref_slice %arg2[%dma_start3A_22, %add3A, %dma_start3A_23, %dma_start3A_24] : memref<81x32x1x128xi32, #tpu.memory_space<hbm>> -> memref<1x1x1x128xi32, #tpu.memory_space<hbm>>
    %dma_start3A_26 = tpu.memref_squeeze %dma_start3A_25 : memref<1x1x1x128xi32, #tpu.memory_space<hbm>> -> memref<128xi32, #tpu.memory_space<hbm>>
    %dma_start3A_27 = arith.constant 0 : i32
    %dma_start3A_28 = tpu.memref_slice %arg2[%dma_start3A_22, %add3A, %dma_start3A_23, %dma_start3A_27] : memref<81x32x1x128xi32, #tpu.memory_space<hbm>> -> memref<1x1x1x128xi32, #tpu.memory_space<hbm>>
    %dma_start3A_29 = tpu.memref_squeeze %dma_start3A_28 : memref<1x1x1x128xi32, #tpu.memory_space<hbm>> -> memref<128xi32, #tpu.memory_space<hbm>>
    tpu.enqueue_dma source(%dma_start3A_29 : memref<128xi32, #tpu.memory_space<hbm>>) target(%arg8 : memref<128xi32, #tpu.memory_space<vmem>>) target_semaphore(%arg18 : memref<!tpu.dma_semaphore, #tpu.memory_space<semaphore_mem>>)
    %dma_start3A_30 = arith.constant 1 : i32
    %dma_start3A_31 = arith.constant 0 : i32
    %dma_start3A_32 = arith.constant 0 : i32
    %dma_start3A_33 = tpu.memref_slice %arg3[%dma_start3A_30, %add3A, %dma_start3A_31, %dma_start3A_32] : memref<81x32x1x128xi32, #tpu.memory_space<hbm>> -> memref<1x1x1x128xi32, #tpu.memory_space<hbm>>
    %dma_start3A_34 = tpu.memref_squeeze %dma_start3A_33 : memref<1x1x1x128xi32, #tpu.memory_space<hbm>> -> memref<128xi32, #tpu.memory_space<hbm>>
    %dma_start3A_35 = arith.constant 0 : i32
    %dma_start3A_36 = tpu.memref_slice %arg3[%dma_start3A_30, %add3A, %dma_start3A_31, %dma_start3A_35] : memref<81x32x1x128xi32, #tpu.memory_space<hbm>> -> memref<1x1x1x128xi32, #tpu.memory_space<hbm>>
    %dma_start3A_37 = tpu.memref_squeeze %dma_start3A_36 : memref<1x1x1x128xi32, #tpu.memory_space<hbm>> -> memref<128xi32, #tpu.memory_space<hbm>>
    tpu.enqueue_dma source(%dma_start3A_37 : memref<128xi32, #tpu.memory_space<hbm>>) target(%arg11 : memref<128xi32, #tpu.memory_space<vmem>>) target_semaphore(%arg21 : memref<!tpu.dma_semaphore, #tpu.memory_space<semaphore_mem>>)
    %dma_start3A_38 = arith.constant 2 : i32
    %dma_start3A_39 = arith.constant 0 : i32
    %dma_start3A_40 = arith.constant 0 : i32
    %dma_start3A_41 = tpu.memref_slice %arg2[%dma_start3A_38, %add3A, %dma_start3A_39, %dma_start3A_40] : memref<81x32x1x128xi32, #tpu.memory_space<hbm>> -> memref<1x1x1x128xi32, #tpu.memory_space<hbm>>
    %dma_start3A_42 = tpu.memref_squeeze %dma_start3A_41 : memref<1x1x1x128xi32, #tpu.memory_space<hbm>> -> memref<128xi32, #tpu.memory_space<hbm>>
    %dma_start3A_43 = arith.constant 0 : i32
    %dma_start3A_44 = tpu.memref_slice %arg2[%dma_start3A_38, %add3A, %dma_start3A_39, %dma_start3A_43] : memref<81x32x1x128xi32, #tpu.memory_space<hbm>> -> memref<1x1x1x128xi32, #tpu.memory_space<hbm>>
    %dma_start3A_45 = tpu.memref_squeeze %dma_start3A_44 : memref<1x1x1x128xi32, #tpu.memory_space<hbm>> -> memref<128xi32, #tpu.memory_space<hbm>>
    tpu.enqueue_dma source(%dma_start3A_45 : memref<128xi32, #tpu.memory_space<hbm>>) target(%arg9 : memref<128xi32, #tpu.memory_space<vmem>>) target_semaphore(%arg19 : memref<!tpu.dma_semaphore, #tpu.memory_space<semaphore_mem>>)
    %dma_start3A_46 = arith.constant 2 : i32
    %dma_start3A_47 = arith.constant 0 : i32
    %dma_start3A_48 = arith.constant 0 : i32
    %dma_start3A_49 = tpu.memref_slice %arg3[%dma_start3A_46, %add3A, %dma_start3A_47, %dma_start3A_48] : memref<81x32x1x128xi32, #tpu.memory_space<hbm>> -> memref<1x1x1x128xi32, #tpu.memory_space<hbm>>
    %dma_start3A_50 = tpu.memref_squeeze %dma_start3A_49 : memref<1x1x1x128xi32, #tpu.memory_space<hbm>> -> memref<128xi32, #tpu.memory_space<hbm>>
    %dma_start3A_51 = arith.constant 0 : i32
    %dma_start3A_52 = tpu.memref_slice %arg3[%dma_start3A_46, %add3A, %dma_start3A_47, %dma_start3A_51] : memref<81x32x1x128xi32, #tpu.memory_space<hbm>> -> memref<1x1x1x128xi32, #tpu.memory_space<hbm>>
    %dma_start3A_53 = tpu.memref_squeeze %dma_start3A_52 : memref<1x1x1x128xi32, #tpu.memory_space<hbm>> -> memref<128xi32, #tpu.memory_space<hbm>>
    tpu.enqueue_dma source(%dma_start3A_53 : memref<128xi32, #tpu.memory_space<hbm>>) target(%arg12 : memref<128xi32, #tpu.memory_space<vmem>>) target_semaphore(%arg22 : memref<!tpu.dma_semaphore, #tpu.memory_space<semaphore_mem>>)
    %dma_wait3A = arith.constant 0 : i32
    %dma_wait3A_54 = arith.constant 0 : i32
    %dma_wait3A_55 = arith.constant 0 : i32
    %dma_wait3A_56 = tpu.memref_slice %arg2[%dma_wait3A, %add3A, %dma_wait3A_54, %dma_wait3A_55] : memref<81x32x1x128xi32, #tpu.memory_space<hbm>> -> memref<1x1x1x128xi32, #tpu.memory_space<hbm>>
    %dma_wait3A_57 = tpu.memref_squeeze %dma_wait3A_56 : memref<1x1x1x128xi32, #tpu.memory_space<hbm>> -> memref<128xi32, #tpu.memory_space<hbm>>
    %dma_wait3A_58 = arith.constant 0 : i32
    %dma_wait3A_59 = tpu.memref_slice %arg2[%dma_wait3A, %add3A, %dma_wait3A_54, %dma_wait3A_58] : memref<81x32x1x128xi32, #tpu.memory_space<hbm>> -> memref<1x1x1x128xi32, #tpu.memory_space<hbm>>
    %dma_wait3A_60 = tpu.memref_squeeze %dma_wait3A_59 : memref<1x1x1x128xi32, #tpu.memory_space<hbm>> -> memref<128xi32, #tpu.memory_space<hbm>>
    tpu.wait_dma2 semaphore(%arg17 : memref<!tpu.dma_semaphore, #tpu.memory_space<semaphore_mem>>) src(%dma_wait3A_60 : memref<128xi32, #tpu.memory_space<hbm>>) dst(%arg7 : memref<128xi32, #tpu.memory_space<vmem>>)
    %dma_start3A_61 = arith.constant 0 : i32
    %dma_start3A_62 = arith.constant 0 : i32
    %dma_start3A_63 = tpu.memref_slice %arg4[%dma_start3A_61, %dma_start3A_62] : memref<10112x128xf32, #tpu.memory_space<hbm>> -> memref<10112x128xf32, #tpu.memory_space<hbm>>
    tpu.enqueue_indirect_dma source(%dma_start3A_63 : memref<10112x128xf32, #tpu.memory_space<hbm>>) target(%arg13 : memref<128x128xf32, #tpu.memory_space<vmem>>) offsets(%arg7 : memref<128xi32, #tpu.memory_space<vmem>>) semaphore(%arg23 : memref<!tpu.dma_semaphore, #tpu.memory_space<semaphore_mem>>)
    %dma_wait3A_64 = arith.constant 1 : i32
    %dma_wait3A_65 = arith.constant 0 : i32
    %dma_wait3A_66 = arith.constant 0 : i32
    %dma_wait3A_67 = tpu.memref_slice %arg2[%dma_wait3A_64, %add3A, %dma_wait3A_65, %dma_wait3A_66] : memref<81x32x1x128xi32, #tpu.memory_space<hbm>> -> memref<1x1x1x128xi32, #tpu.memory_space<hbm>>
    %dma_wait3A_68 = tpu.memref_squeeze %dma_wait3A_67 : memref<1x1x1x128xi32, #tpu.memory_space<hbm>> -> memref<128xi32, #tpu.memory_space<hbm>>
    %dma_wait3A_69 = arith.constant 0 : i32
    %dma_wait3A_70 = tpu.memref_slice %arg2[%dma_wait3A_64, %add3A, %dma_wait3A_65, %dma_wait3A_69] : memref<81x32x1x128xi32, #tpu.memory_space<hbm>> -> memref<1x1x1x128xi32, #tpu.memory_space<hbm>>
    %dma_wait3A_71 = tpu.memref_squeeze %dma_wait3A_70 : memref<1x1x1x128xi32, #tpu.memory_space<hbm>> -> memref<128xi32, #tpu.memory_space<hbm>>
    tpu.wait_dma2 semaphore(%arg18 : memref<!tpu.dma_semaphore, #tpu.memory_space<semaphore_mem>>) src(%dma_wait3A_71 : memref<128xi32, #tpu.memory_space<hbm>>) dst(%arg8 : memref<128xi32, #tpu.memory_space<vmem>>)
    %dma_start3A_72 = arith.constant 0 : i32
    %dma_start3A_73 = arith.constant 0 : i32
    %dma_start3A_74 = tpu.memref_slice %arg4[%dma_start3A_72, %dma_start3A_73] : memref<10112x128xf32, #tpu.memory_space<hbm>> -> memref<10112x128xf32, #tpu.memory_space<hbm>>
    tpu.enqueue_indirect_dma source(%dma_start3A_74 : memref<10112x128xf32, #tpu.memory_space<hbm>>) target(%arg14 : memref<128x128xf32, #tpu.memory_space<vmem>>) offsets(%arg8 : memref<128xi32, #tpu.memory_space<vmem>>) semaphore(%arg24 : memref<!tpu.dma_semaphore, #tpu.memory_space<semaphore_mem>>)
    %dma_wait3A_75 = arith.constant 2 : i32
    %dma_wait3A_76 = arith.constant 0 : i32
    %dma_wait3A_77 = arith.constant 0 : i32
    %dma_wait3A_78 = tpu.memref_slice %arg2[%dma_wait3A_75, %add3A, %dma_wait3A_76, %dma_wait3A_77] : memref<81x32x1x128xi32, #tpu.memory_space<hbm>> -> memref<1x1x1x128xi32, #tpu.memory_space<hbm>>
    %dma_wait3A_79 = tpu.memref_squeeze %dma_wait3A_78 : memref<1x1x1x128xi32, #tpu.memory_space<hbm>> -> memref<128xi32, #tpu.memory_space<hbm>>
    %dma_wait3A_80 = arith.constant 0 : i32
    %dma_wait3A_81 = tpu.memref_slice %arg2[%dma_wait3A_75, %add3A, %dma_wait3A_76, %dma_wait3A_80] : memref<81x32x1x128xi32, #tpu.memory_space<hbm>> -> memref<1x1x1x128xi32, #tpu.memory_space<hbm>>
    %dma_wait3A_82 = tpu.memref_squeeze %dma_wait3A_81 : memref<1x1x1x128xi32, #tpu.memory_space<hbm>> -> memref<128xi32, #tpu.memory_space<hbm>>
    tpu.wait_dma2 semaphore(%arg19 : memref<!tpu.dma_semaphore, #tpu.memory_space<semaphore_mem>>) src(%dma_wait3A_82 : memref<128xi32, #tpu.memory_space<hbm>>) dst(%arg9 : memref<128xi32, #tpu.memory_space<vmem>>)
    %dma_start3A_83 = arith.constant 0 : i32
    %dma_start3A_84 = arith.constant 0 : i32
    %dma_start3A_85 = tpu.memref_slice %arg4[%dma_start3A_83, %dma_start3A_84] : memref<10112x128xf32, #tpu.memory_space<hbm>> -> memref<10112x128xf32, #tpu.memory_space<hbm>>
    tpu.enqueue_indirect_dma source(%dma_start3A_85 : memref<10112x128xf32, #tpu.memory_space<hbm>>) target(%arg15 : memref<128x128xf32, #tpu.memory_space<vmem>>) offsets(%arg9 : memref<128xi32, #tpu.memory_space<vmem>>) semaphore(%arg25 : memref<!tpu.dma_semaphore, #tpu.memory_space<semaphore_mem>>)
    %dma_wait3A_86 = arith.constant 0 : i32
    %dma_wait3A_87 = tpu.memref_slice %arg16[%mul3A_2, %dma_wait3A_86] : memref<10112x128xf32, #tpu.memory_space<vmem_shared>> -> memref<632x128xf32, #tpu.memory_space<vmem_shared>>
    %dma_wait3A_88 = arith.constant 0 : i32
    %dma_wait3A_89 = tpu.memref_slice %arg5[%mul3A_2, %dma_wait3A_88] : memref<10112x128xf32, #tpu.memory_space<hbm>> -> memref<632x128xf32, #tpu.memory_space<hbm>>
    tpu.wait_dma2 semaphore(%arg29 : memref<!tpu.dma_semaphore, #tpu.memory_space<semaphore_mem>>) src(%dma_wait3A_89 : memref<632x128xf32, #tpu.memory_space<hbm>>) dst(%dma_wait3A_87 : memref<632x128xf32, #tpu.memory_space<vmem_shared>>)
    %barrier3A = arith.constant 0 : index
    tpu.barrier barrier_id(%barrier3A)
    %scan3A = arith.constant 0 : i32
    %scan3A_90 = arith.constant 0 : i32
    %scan3A_91 = arith.constant 26 : i32
    %scan3A_92 = arith.addi %scan3A_90, %scan3A_91 : i32
    %scan3A_93 = arith.constant 1 : i32
    scf.for %scan3A_147 = %scan3A_90 to %scan3A_92 step %scan3A_93  : i32 {
      %mul3A_148 = arith.constant 3 : i32
      %mul3A_149 = arith.muli %mul3A_148, %scan3A_147 : i32
      %dma_wait3A_150 = arith.constant 0 : i32
      %dma_wait3A_151 = arith.constant 0 : i32
      %dma_wait3A_152 = tpu.memref_slice %arg4[%dma_wait3A_150, %dma_wait3A_151] : memref<10112x128xf32, #tpu.memory_space<hbm>> -> memref<10112x128xf32, #tpu.memory_space<hbm>>
      tpu.wait_indirect_dma semaphore(%arg23 : memref<!tpu.dma_semaphore, #tpu.memory_space<semaphore_mem>>) src(%dma_wait3A_152 : memref<10112x128xf32, #tpu.memory_space<hbm>>) dst(%arg13 : memref<128x128xf32, #tpu.memory_space<vmem>>)
      %add3A_153 = arith.constant 0 : i32
      %add3A_154 = arith.addi %mul3A_149, %add3A_153 : i32
      %dma_wait3A_155 = arith.constant 0 : i32
      %dma_wait3A_156 = arith.constant 0 : i32
      %dma_wait3A_157 = tpu.memref_slice %arg3[%add3A_154, %add3A, %dma_wait3A_155, %dma_wait3A_156] : memref<81x32x1x128xi32, #tpu.memory_space<hbm>> -> memref<1x1x1x128xi32, #tpu.memory_space<hbm>>
      %dma_wait3A_158 = tpu.memref_squeeze %dma_wait3A_157 : memref<1x1x1x128xi32, #tpu.memory_space<hbm>> -> memref<128xi32, #tpu.memory_space<hbm>>
      %dma_wait3A_159 = arith.constant 0 : i32
      %dma_wait3A_160 = tpu.memref_slice %arg3[%add3A_154, %add3A, %dma_wait3A_155, %dma_wait3A_159] : memref<81x32x1x128xi32, #tpu.memory_space<hbm>> -> memref<1x1x1x128xi32, #tpu.memory_space<hbm>>
      %dma_wait3A_161 = tpu.memref_squeeze %dma_wait3A_160 : memref<1x1x1x128xi32, #tpu.memory_space<hbm>> -> memref<128xi32, #tpu.memory_space<hbm>>
      tpu.wait_dma2 semaphore(%arg20 : memref<!tpu.dma_semaphore, #tpu.memory_space<semaphore_mem>>) src(%dma_wait3A_161 : memref<128xi32, #tpu.memory_space<hbm>>) dst(%arg10 : memref<128xi32, #tpu.memory_space<vmem>>)
      %dma_start3A_162 = arith.constant 0 : i32
      %dma_start3A_163 = arith.constant 0 : i32
      %dma_start3A_164 = tpu.memref_slice %arg16[%dma_start3A_162, %dma_start3A_163] : memref<10112x128xf32, #tpu.memory_space<vmem_shared>> -> memref<10112x128xf32, #tpu.memory_space<vmem_shared>>
      tpu.enqueue_indirect_dma source(%arg13 : memref<128x128xf32, #tpu.memory_space<vmem>>) target(%dma_start3A_164 : memref<10112x128xf32, #tpu.memory_space<vmem_shared>>) offsets(%arg10 : memref<128xi32, #tpu.memory_space<vmem>>) semaphore(%arg26 : memref<!tpu.dma_semaphore, #tpu.memory_space<semaphore_mem>>) {add = true}
      %add3A_165 = arith.constant 0 : i32
      %add3A_166 = arith.addi %mul3A_149, %add3A_165 : i32
      %add3A_167 = arith.constant 3 : i32
      %add3A_168 = arith.addi %add3A_166, %add3A_167 : i32
      %dma_start3A_169 = arith.constant 0 : i32
      %dma_start3A_170 = arith.constant 0 : i32
      %dma_start3A_171 = tpu.memref_slice %arg2[%add3A_168, %add3A, %dma_start3A_169, %dma_start3A_170] : memref<81x32x1x128xi32, #tpu.memory_space<hbm>> -> memref<1x1x1x128xi32, #tpu.memory_space<hbm>>
      %dma_start3A_172 = tpu.memref_squeeze %dma_start3A_171 : memref<1x1x1x128xi32, #tpu.memory_space<hbm>> -> memref<128xi32, #tpu.memory_space<hbm>>
      %dma_start3A_173 = arith.constant 0 : i32
      %dma_start3A_174 = tpu.memref_slice %arg2[%add3A_168, %add3A, %dma_start3A_169, %dma_start3A_173] : memref<81x32x1x128xi32, #tpu.memory_space<hbm>> -> memref<1x1x1x128xi32, #tpu.memory_space<hbm>>
      %dma_start3A_175 = tpu.memref_squeeze %dma_start3A_174 : memref<1x1x1x128xi32, #tpu.memory_space<hbm>> -> memref<128xi32, #tpu.memory_space<hbm>>
      tpu.enqueue_dma source(%dma_start3A_175 : memref<128xi32, #tpu.memory_space<hbm>>) target(%arg7 : memref<128xi32, #tpu.memory_space<vmem>>) target_semaphore(%arg17 : memref<!tpu.dma_semaphore, #tpu.memory_space<semaphore_mem>>)
      %dma_wait3A_176 = arith.constant 0 : i32
      %dma_wait3A_177 = arith.constant 0 : i32
      %dma_wait3A_178 = tpu.memref_slice %arg4[%dma_wait3A_176, %dma_wait3A_177] : memref<10112x128xf32, #tpu.memory_space<hbm>> -> memref<10112x128xf32, #tpu.memory_space<hbm>>
      tpu.wait_indirect_dma semaphore(%arg24 : memref<!tpu.dma_semaphore, #tpu.memory_space<semaphore_mem>>) src(%dma_wait3A_178 : memref<10112x128xf32, #tpu.memory_space<hbm>>) dst(%arg14 : memref<128x128xf32, #tpu.memory_space<vmem>>)
      %add3A_179 = arith.constant 1 : i32
      %add3A_180 = arith.addi %mul3A_149, %add3A_179 : i32
      %dma_wait3A_181 = arith.constant 0 : i32
      %dma_wait3A_182 = arith.constant 0 : i32
      %dma_wait3A_183 = tpu.memref_slice %arg3[%add3A_180, %add3A, %dma_wait3A_181, %dma_wait3A_182] : memref<81x32x1x128xi32, #tpu.memory_space<hbm>> -> memref<1x1x1x128xi32, #tpu.memory_space<hbm>>
      %dma_wait3A_184 = tpu.memref_squeeze %dma_wait3A_183 : memref<1x1x1x128xi32, #tpu.memory_space<hbm>> -> memref<128xi32, #tpu.memory_space<hbm>>
      %dma_wait3A_185 = arith.constant 0 : i32
      %dma_wait3A_186 = tpu.memref_slice %arg3[%add3A_180, %add3A, %dma_wait3A_181, %dma_wait3A_185] : memref<81x32x1x128xi32, #tpu.memory_space<hbm>> -> memref<1x1x1x128xi32, #tpu.memory_space<hbm>>
      %dma_wait3A_187 = tpu.memref_squeeze %dma_wait3A_186 : memref<1x1x1x128xi32, #tpu.memory_space<hbm>> -> memref<128xi32, #tpu.memory_space<hbm>>
      tpu.wait_dma2 semaphore(%arg21 : memref<!tpu.dma_semaphore, #tpu.memory_space<semaphore_mem>>) src(%dma_wait3A_187 : memref<128xi32, #tpu.memory_space<hbm>>) dst(%arg11 : memref<128xi32, #tpu.memory_space<vmem>>)
      %dma_start3A_188 = arith.constant 0 : i32
      %dma_start3A_189 = arith.constant 0 : i32
      %dma_start3A_190 = tpu.memref_slice %arg16[%dma_start3A_188, %dma_start3A_189] : memref<10112x128xf32, #tpu.memory_space<vmem_shared>> -> memref<10112x128xf32, #tpu.memory_space<vmem_shared>>
      tpu.enqueue_indirect_dma source(%arg14 : memref<128x128xf32, #tpu.memory_space<vmem>>) target(%dma_start3A_190 : memref<10112x128xf32, #tpu.memory_space<vmem_shared>>) offsets(%arg11 : memref<128xi32, #tpu.memory_space<vmem>>) semaphore(%arg27 : memref<!tpu.dma_semaphore, #tpu.memory_space<semaphore_mem>>) {add = true}
      %add3A_191 = arith.constant 1 : i32
      %add3A_192 = arith.addi %mul3A_149, %add3A_191 : i32
      %add3A_193 = arith.constant 3 : i32
      %add3A_194 = arith.addi %add3A_192, %add3A_193 : i32
      %dma_start3A_195 = arith.constant 0 : i32
      %dma_start3A_196 = arith.constant 0 : i32
      %dma_start3A_197 = tpu.memref_slice %arg2[%add3A_194, %add3A, %dma_start3A_195, %dma_start3A_196] : memref<81x32x1x128xi32, #tpu.memory_space<hbm>> -> memref<1x1x1x128xi32, #tpu.memory_space<hbm>>
      %dma_start3A_198 = tpu.memref_squeeze %dma_start3A_197 : memref<1x1x1x128xi32, #tpu.memory_space<hbm>> -> memref<128xi32, #tpu.memory_space<hbm>>
      %dma_start3A_199 = arith.constant 0 : i32
      %dma_start3A_200 = tpu.memref_slice %arg2[%add3A_194, %add3A, %dma_start3A_195, %dma_start3A_199] : memref<81x32x1x128xi32, #tpu.memory_space<hbm>> -> memref<1x1x1x128xi32, #tpu.memory_space<hbm>>
      %dma_start3A_201 = tpu.memref_squeeze %dma_start3A_200 : memref<1x1x1x128xi32, #tpu.memory_space<hbm>> -> memref<128xi32, #tpu.memory_space<hbm>>
      tpu.enqueue_dma source(%dma_start3A_201 : memref<128xi32, #tpu.memory_space<hbm>>) target(%arg8 : memref<128xi32, #tpu.memory_space<vmem>>) target_semaphore(%arg18 : memref<!tpu.dma_semaphore, #tpu.memory_space<semaphore_mem>>)
      %dma_wait3A_202 = arith.constant 0 : i32
      %dma_wait3A_203 = arith.constant 0 : i32
      %dma_wait3A_204 = tpu.memref_slice %arg4[%dma_wait3A_202, %dma_wait3A_203] : memref<10112x128xf32, #tpu.memory_space<hbm>> -> memref<10112x128xf32, #tpu.memory_space<hbm>>
      tpu.wait_indirect_dma semaphore(%arg25 : memref<!tpu.dma_semaphore, #tpu.memory_space<semaphore_mem>>) src(%dma_wait3A_204 : memref<10112x128xf32, #tpu.memory_space<hbm>>) dst(%arg15 : memref<128x128xf32, #tpu.memory_space<vmem>>)
      %add3A_205 = arith.constant 2 : i32
      %add3A_206 = arith.addi %mul3A_149, %add3A_205 : i32
      %dma_wait3A_207 = arith.constant 0 : i32
      %dma_wait3A_208 = arith.constant 0 : i32
      %dma_wait3A_209 = tpu.memref_slice %arg3[%add3A_206, %add3A, %dma_wait3A_207, %dma_wait3A_208] : memref<81x32x1x128xi32, #tpu.memory_space<hbm>> -> memref<1x1x1x128xi32, #tpu.memory_space<hbm>>
      %dma_wait3A_210 = tpu.memref_squeeze %dma_wait3A_209 : memref<1x1x1x128xi32, #tpu.memory_space<hbm>> -> memref<128xi32, #tpu.memory_space<hbm>>
      %dma_wait3A_211 = arith.constant 0 : i32
      %dma_wait3A_212 = tpu.memref_slice %arg3[%add3A_206, %add3A, %dma_wait3A_207, %dma_wait3A_211] : memref<81x32x1x128xi32, #tpu.memory_space<hbm>> -> memref<1x1x1x128xi32, #tpu.memory_space<hbm>>
      %dma_wait3A_213 = tpu.memref_squeeze %dma_wait3A_212 : memref<1x1x1x128xi32, #tpu.memory_space<hbm>> -> memref<128xi32, #tpu.memory_space<hbm>>
      tpu.wait_dma2 semaphore(%arg22 : memref<!tpu.dma_semaphore, #tpu.memory_space<semaphore_mem>>) src(%dma_wait3A_213 : memref<128xi32, #tpu.memory_space<hbm>>) dst(%arg12 : memref<128xi32, #tpu.memory_space<vmem>>)
      %dma_start3A_214 = arith.constant 0 : i32
      %dma_start3A_215 = arith.constant 0 : i32
      %dma_start3A_216 = tpu.memref_slice %arg16[%dma_start3A_214, %dma_start3A_215] : memref<10112x128xf32, #tpu.memory_space<vmem_shared>> -> memref<10112x128xf32, #tpu.memory_space<vmem_shared>>
      tpu.enqueue_indirect_dma source(%arg15 : memref<128x128xf32, #tpu.memory_space<vmem>>) target(%dma_start3A_216 : memref<10112x128xf32, #tpu.memory_space<vmem_shared>>) offsets(%arg12 : memref<128xi32, #tpu.memory_space<vmem>>) semaphore(%arg28 : memref<!tpu.dma_semaphore, #tpu.memory_space<semaphore_mem>>) {add = true}
      %add3A_217 = arith.constant 2 : i32
      %add3A_218 = arith.addi %mul3A_149, %add3A_217 : i32
      %add3A_219 = arith.constant 3 : i32
      %add3A_220 = arith.addi %add3A_218, %add3A_219 : i32
      %dma_start3A_221 = arith.constant 0 : i32
      %dma_start3A_222 = arith.constant 0 : i32
      %dma_start3A_223 = tpu.memref_slice %arg2[%add3A_220, %add3A, %dma_start3A_221, %dma_start3A_222] : memref<81x32x1x128xi32, #tpu.memory_space<hbm>> -> memref<1x1x1x128xi32, #tpu.memory_space<hbm>>
      %dma_start3A_224 = tpu.memref_squeeze %dma_start3A_223 : memref<1x1x1x128xi32, #tpu.memory_space<hbm>> -> memref<128xi32, #tpu.memory_space<hbm>>
      %dma_start3A_225 = arith.constant 0 : i32
      %dma_start3A_226 = tpu.memref_slice %arg2[%add3A_220, %add3A, %dma_start3A_221, %dma_start3A_225] : memref<81x32x1x128xi32, #tpu.memory_space<hbm>> -> memref<1x1x1x128xi32, #tpu.memory_space<hbm>>
      %dma_start3A_227 = tpu.memref_squeeze %dma_start3A_226 : memref<1x1x1x128xi32, #tpu.memory_space<hbm>> -> memref<128xi32, #tpu.memory_space<hbm>>
      tpu.enqueue_dma source(%dma_start3A_227 : memref<128xi32, #tpu.memory_space<hbm>>) target(%arg9 : memref<128xi32, #tpu.memory_space<vmem>>) target_semaphore(%arg19 : memref<!tpu.dma_semaphore, #tpu.memory_space<semaphore_mem>>)
      %dma_wait3A_228 = arith.constant 0 : i32
      %dma_wait3A_229 = arith.constant 0 : i32
      %dma_wait3A_230 = tpu.memref_slice %arg16[%dma_wait3A_228, %dma_wait3A_229] : memref<10112x128xf32, #tpu.memory_space<vmem_shared>> -> memref<10112x128xf32, #tpu.memory_space<vmem_shared>>
      tpu.wait_indirect_dma semaphore(%arg26 : memref<!tpu.dma_semaphore, #tpu.memory_space<semaphore_mem>>) src(%arg13 : memref<128x128xf32, #tpu.memory_space<vmem>>) dst(%dma_wait3A_230 : memref<10112x128xf32, #tpu.memory_space<vmem_shared>>)
      %add3A_231 = arith.constant 0 : i32
      %add3A_232 = arith.addi %mul3A_149, %add3A_231 : i32
      %add3A_233 = arith.constant 3 : i32
      %add3A_234 = arith.addi %add3A_232, %add3A_233 : i32
      %dma_start3A_235 = arith.constant 0 : i32
      %dma_start3A_236 = arith.constant 0 : i32
      %dma_start3A_237 = tpu.memref_slice %arg3[%add3A_234, %add3A, %dma_start3A_235, %dma_start3A_236] : memref<81x32x1x128xi32, #tpu.memory_space<hbm>> -> memref<1x1x1x128xi32, #tpu.memory_space<hbm>>
      %dma_start3A_238 = tpu.memref_squeeze %dma_start3A_237 : memref<1x1x1x128xi32, #tpu.memory_space<hbm>> -> memref<128xi32, #tpu.memory_space<hbm>>
      %dma_start3A_239 = arith.constant 0 : i32
      %dma_start3A_240 = tpu.memref_slice %arg3[%add3A_234, %add3A, %dma_start3A_235, %dma_start3A_239] : memref<81x32x1x128xi32, #tpu.memory_space<hbm>> -> memref<1x1x1x128xi32, #tpu.memory_space<hbm>>
      %dma_start3A_241 = tpu.memref_squeeze %dma_start3A_240 : memref<1x1x1x128xi32, #tpu.memory_space<hbm>> -> memref<128xi32, #tpu.memory_space<hbm>>
      tpu.enqueue_dma source(%dma_start3A_241 : memref<128xi32, #tpu.memory_space<hbm>>) target(%arg10 : memref<128xi32, #tpu.memory_space<vmem>>) target_semaphore(%arg20 : memref<!tpu.dma_semaphore, #tpu.memory_space<semaphore_mem>>)
      %add3A_242 = arith.constant 0 : i32
      %add3A_243 = arith.addi %mul3A_149, %add3A_242 : i32
      %add3A_244 = arith.constant 3 : i32
      %add3A_245 = arith.addi %add3A_243, %add3A_244 : i32
      %dma_wait3A_246 = arith.constant 0 : i32
      %dma_wait3A_247 = arith.constant 0 : i32
      %dma_wait3A_248 = tpu.memref_slice %arg2[%add3A_245, %add3A, %dma_wait3A_246, %dma_wait3A_247] : memref<81x32x1x128xi32, #tpu.memory_space<hbm>> -> memref<1x1x1x128xi32, #tpu.memory_space<hbm>>
      %dma_wait3A_249 = tpu.memref_squeeze %dma_wait3A_248 : memref<1x1x1x128xi32, #tpu.memory_space<hbm>> -> memref<128xi32, #tpu.memory_space<hbm>>
      %dma_wait3A_250 = arith.constant 0 : i32
      %dma_wait3A_251 = tpu.memref_slice %arg2[%add3A_245, %add3A, %dma_wait3A_246, %dma_wait3A_250] : memref<81x32x1x128xi32, #tpu.memory_space<hbm>> -> memref<1x1x1x128xi32, #tpu.memory_space<hbm>>
      %dma_wait3A_252 = tpu.memref_squeeze %dma_wait3A_251 : memref<1x1x1x128xi32, #tpu.memory_space<hbm>> -> memref<128xi32, #tpu.memory_space<hbm>>
      tpu.wait_dma2 semaphore(%arg17 : memref<!tpu.dma_semaphore, #tpu.memory_space<semaphore_mem>>) src(%dma_wait3A_252 : memref<128xi32, #tpu.memory_space<hbm>>) dst(%arg7 : memref<128xi32, #tpu.memory_space<vmem>>)
      %dma_start3A_253 = arith.constant 0 : i32
      %dma_start3A_254 = arith.constant 0 : i32
      %dma_start3A_255 = tpu.memref_slice %arg4[%dma_start3A_253, %dma_start3A_254] : memref<10112x128xf32, #tpu.memory_space<hbm>> -> memref<10112x128xf32, #tpu.memory_space<hbm>>
      tpu.enqueue_indirect_dma source(%dma_start3A_255 : memref<10112x128xf32, #tpu.memory_space<hbm>>) target(%arg13 : memref<128x128xf32, #tpu.memory_space<vmem>>) offsets(%arg7 : memref<128xi32, #tpu.memory_space<vmem>>) semaphore(%arg23 : memref<!tpu.dma_semaphore, #tpu.memory_space<semaphore_mem>>)
      %dma_wait3A_256 = arith.constant 0 : i32
      %dma_wait3A_257 = arith.constant 0 : i32
      %dma_wait3A_258 = tpu.memref_slice %arg16[%dma_wait3A_256, %dma_wait3A_257] : memref<10112x128xf32, #tpu.memory_space<vmem_shared>> -> memref<10112x128xf32, #tpu.memory_space<vmem_shared>>
      tpu.wait_indirect_dma semaphore(%arg27 : memref<!tpu.dma_semaphore, #tpu.memory_space<semaphore_mem>>) src(%arg14 : memref<128x128xf32, #tpu.memory_space<vmem>>) dst(%dma_wait3A_258 : memref<10112x128xf32, #tpu.memory_space<vmem_shared>>)
      %add3A_259 = arith.constant 1 : i32
      %add3A_260 = arith.addi %mul3A_149, %add3A_259 : i32
      %add3A_261 = arith.constant 3 : i32
      %add3A_262 = arith.addi %add3A_260, %add3A_261 : i32
      %dma_start3A_263 = arith.constant 0 : i32
      %dma_start3A_264 = arith.constant 0 : i32
      %dma_start3A_265 = tpu.memref_slice %arg3[%add3A_262, %add3A, %dma_start3A_263, %dma_start3A_264] : memref<81x32x1x128xi32, #tpu.memory_space<hbm>> -> memref<1x1x1x128xi32, #tpu.memory_space<hbm>>
      %dma_start3A_266 = tpu.memref_squeeze %dma_start3A_265 : memref<1x1x1x128xi32, #tpu.memory_space<hbm>> -> memref<128xi32, #tpu.memory_space<hbm>>
      %dma_start3A_267 = arith.constant 0 : i32
      %dma_start3A_268 = tpu.memref_slice %arg3[%add3A_262, %add3A, %dma_start3A_263, %dma_start3A_267] : memref<81x32x1x128xi32, #tpu.memory_space<hbm>> -> memref<1x1x1x128xi32, #tpu.memory_space<hbm>>
      %dma_start3A_269 = tpu.memref_squeeze %dma_start3A_268 : memref<1x1x1x128xi32, #tpu.memory_space<hbm>> -> memref<128xi32, #tpu.memory_space<hbm>>
      tpu.enqueue_dma source(%dma_start3A_269 : memref<128xi32, #tpu.memory_space<hbm>>) target(%arg11 : memref<128xi32, #tpu.memory_space<vmem>>) target_semaphore(%arg21 : memref<!tpu.dma_semaphore, #tpu.memory_space<semaphore_mem>>)
      %add3A_270 = arith.constant 1 : i32
      %add3A_271 = arith.addi %mul3A_149, %add3A_270 : i32
      %add3A_272 = arith.constant 3 : i32
      %add3A_273 = arith.addi %add3A_271, %add3A_272 : i32
      %dma_wait3A_274 = arith.constant 0 : i32
      %dma_wait3A_275 = arith.constant 0 : i32
      %dma_wait3A_276 = tpu.memref_slice %arg2[%add3A_273, %add3A, %dma_wait3A_274, %dma_wait3A_275] : memref<81x32x1x128xi32, #tpu.memory_space<hbm>> -> memref<1x1x1x128xi32, #tpu.memory_space<hbm>>
      %dma_wait3A_277 = tpu.memref_squeeze %dma_wait3A_276 : memref<1x1x1x128xi32, #tpu.memory_space<hbm>> -> memref<128xi32, #tpu.memory_space<hbm>>
      %dma_wait3A_278 = arith.constant 0 : i32
      %dma_wait3A_279 = tpu.memref_slice %arg2[%add3A_273, %add3A, %dma_wait3A_274, %dma_wait3A_278] : memref<81x32x1x128xi32, #tpu.memory_space<hbm>> -> memref<1x1x1x128xi32, #tpu.memory_space<hbm>>
      %dma_wait3A_280 = tpu.memref_squeeze %dma_wait3A_279 : memref<1x1x1x128xi32, #tpu.memory_space<hbm>> -> memref<128xi32, #tpu.memory_space<hbm>>
      tpu.wait_dma2 semaphore(%arg18 : memref<!tpu.dma_semaphore, #tpu.memory_space<semaphore_mem>>) src(%dma_wait3A_280 : memref<128xi32, #tpu.memory_space<hbm>>) dst(%arg8 : memref<128xi32, #tpu.memory_space<vmem>>)
      %dma_start3A_281 = arith.constant 0 : i32
      %dma_start3A_282 = arith.constant 0 : i32
      %dma_start3A_283 = tpu.memref_slice %arg4[%dma_start3A_281, %dma_start3A_282] : memref<10112x128xf32, #tpu.memory_space<hbm>> -> memref<10112x128xf32, #tpu.memory_space<hbm>>
      tpu.enqueue_indirect_dma source(%dma_start3A_283 : memref<10112x128xf32, #tpu.memory_space<hbm>>) target(%arg14 : memref<128x128xf32, #tpu.memory_space<vmem>>) offsets(%arg8 : memref<128xi32, #tpu.memory_space<vmem>>) semaphore(%arg24 : memref<!tpu.dma_semaphore, #tpu.memory_space<semaphore_mem>>)
      %dma_wait3A_284 = arith.constant 0 : i32
      %dma_wait3A_285 = arith.constant 0 : i32
      %dma_wait3A_286 = tpu.memref_slice %arg16[%dma_wait3A_284, %dma_wait3A_285] : memref<10112x128xf32, #tpu.memory_space<vmem_shared>> -> memref<10112x128xf32, #tpu.memory_space<vmem_shared>>
      tpu.wait_indirect_dma semaphore(%arg28 : memref<!tpu.dma_semaphore, #tpu.memory_space<semaphore_mem>>) src(%arg15 : memref<128x128xf32, #tpu.memory_space<vmem>>) dst(%dma_wait3A_286 : memref<10112x128xf32, #tpu.memory_space<vmem_shared>>)
      %add3A_287 = arith.constant 2 : i32
      %add3A_288 = arith.addi %mul3A_149, %add3A_287 : i32
      %add3A_289 = arith.constant 3 : i32
      %add3A_290 = arith.addi %add3A_288, %add3A_289 : i32
      %dma_start3A_291 = arith.constant 0 : i32
      %dma_start3A_292 = arith.constant 0 : i32
      %dma_start3A_293 = tpu.memref_slice %arg3[%add3A_290, %add3A, %dma_start3A_291, %dma_start3A_292] : memref<81x32x1x128xi32, #tpu.memory_space<hbm>> -> memref<1x1x1x128xi32, #tpu.memory_space<hbm>>
      %dma_start3A_294 = tpu.memref_squeeze %dma_start3A_293 : memref<1x1x1x128xi32, #tpu.memory_space<hbm>> -> memref<128xi32, #tpu.memory_space<hbm>>
      %dma_start3A_295 = arith.constant 0 : i32
      %dma_start3A_296 = tpu.memref_slice %arg3[%add3A_290, %add3A, %dma_start3A_291, %dma_start3A_295] : memref<81x32x1x128xi32, #tpu.memory_space<hbm>> -> memref<1x1x1x128xi32, #tpu.memory_space<hbm>>
      %dma_start3A_297 = tpu.memref_squeeze %dma_start3A_296 : memref<1x1x1x128xi32, #tpu.memory_space<hbm>> -> memref<128xi32, #tpu.memory_space<hbm>>
      tpu.enqueue_dma source(%dma_start3A_297 : memref<128xi32, #tpu.memory_space<hbm>>) target(%arg12 : memref<128xi32, #tpu.memory_space<vmem>>) target_semaphore(%arg22 : memref<!tpu.dma_semaphore, #tpu.memory_space<semaphore_mem>>)
      %add3A_298 = arith.constant 2 : i32
      %add3A_299 = arith.addi %mul3A_149, %add3A_298 : i32
      %add3A_300 = arith.constant 3 : i32
      %add3A_301 = arith.addi %add3A_299, %add3A_300 : i32
      %dma_wait3A_302 = arith.constant 0 : i32
      %dma_wait3A_303 = arith.constant 0 : i32
      %dma_wait3A_304 = tpu.memref_slice %arg2[%add3A_301, %add3A, %dma_wait3A_302, %dma_wait3A_303] : memref<81x32x1x128xi32, #tpu.memory_space<hbm>> -> memref<1x1x1x128xi32, #tpu.memory_space<hbm>>
      %dma_wait3A_305 = tpu.memref_squeeze %dma_wait3A_304 : memref<1x1x1x128xi32, #tpu.memory_space<hbm>> -> memref<128xi32, #tpu.memory_space<hbm>>
      %dma_wait3A_306 = arith.constant 0 : i32
      %dma_wait3A_307 = tpu.memref_slice %arg2[%add3A_301, %add3A, %dma_wait3A_302, %dma_wait3A_306] : memref<81x32x1x128xi32, #tpu.memory_space<hbm>> -> memref<1x1x1x128xi32, #tpu.memory_space<hbm>>
      %dma_wait3A_308 = tpu.memref_squeeze %dma_wait3A_307 : memref<1x1x1x128xi32, #tpu.memory_space<hbm>> -> memref<128xi32, #tpu.memory_space<hbm>>
      tpu.wait_dma2 semaphore(%arg19 : memref<!tpu.dma_semaphore, #tpu.memory_space<semaphore_mem>>) src(%dma_wait3A_308 : memref<128xi32, #tpu.memory_space<hbm>>) dst(%arg9 : memref<128xi32, #tpu.memory_space<vmem>>)
      %dma_start3A_309 = arith.constant 0 : i32
      %dma_start3A_310 = arith.constant 0 : i32
      %dma_start3A_311 = tpu.memref_slice %arg4[%dma_start3A_309, %dma_start3A_310] : memref<10112x128xf32, #tpu.memory_space<hbm>> -> memref<10112x128xf32, #tpu.memory_space<hbm>>
      tpu.enqueue_indirect_dma source(%dma_start3A_311 : memref<10112x128xf32, #tpu.memory_space<hbm>>) target(%arg15 : memref<128x128xf32, #tpu.memory_space<vmem>>) offsets(%arg9 : memref<128xi32, #tpu.memory_space<vmem>>) semaphore(%arg25 : memref<!tpu.dma_semaphore, #tpu.memory_space<semaphore_mem>>)
    }
    %scan3A_94 = arith.constant 26 : i32
    %dma_wait3A_95 = arith.constant 0 : i32
    %dma_wait3A_96 = arith.constant 0 : i32
    %dma_wait3A_97 = tpu.memref_slice %arg4[%dma_wait3A_95, %dma_wait3A_96] : memref<10112x128xf32, #tpu.memory_space<hbm>> -> memref<10112x128xf32, #tpu.memory_space<hbm>>
    tpu.wait_indirect_dma semaphore(%arg23 : memref<!tpu.dma_semaphore, #tpu.memory_space<semaphore_mem>>) src(%dma_wait3A_97 : memref<10112x128xf32, #tpu.memory_space<hbm>>) dst(%arg13 : memref<128x128xf32, #tpu.memory_space<vmem>>)
    %dma_wait3A_98 = arith.constant 78 : i32
    %dma_wait3A_99 = arith.constant 0 : i32
    %dma_wait3A_100 = arith.constant 0 : i32
    %dma_wait3A_101 = tpu.memref_slice %arg3[%dma_wait3A_98, %add3A, %dma_wait3A_99, %dma_wait3A_100] : memref<81x32x1x128xi32, #tpu.memory_space<hbm>> -> memref<1x1x1x128xi32, #tpu.memory_space<hbm>>
    %dma_wait3A_102 = tpu.memref_squeeze %dma_wait3A_101 : memref<1x1x1x128xi32, #tpu.memory_space<hbm>> -> memref<128xi32, #tpu.memory_space<hbm>>
    %dma_wait3A_103 = arith.constant 0 : i32
    %dma_wait3A_104 = tpu.memref_slice %arg3[%dma_wait3A_98, %add3A, %dma_wait3A_99, %dma_wait3A_103] : memref<81x32x1x128xi32, #tpu.memory_space<hbm>> -> memref<1x1x1x128xi32, #tpu.memory_space<hbm>>
    %dma_wait3A_105 = tpu.memref_squeeze %dma_wait3A_104 : memref<1x1x1x128xi32, #tpu.memory_space<hbm>> -> memref<128xi32, #tpu.memory_space<hbm>>
    tpu.wait_dma2 semaphore(%arg20 : memref<!tpu.dma_semaphore, #tpu.memory_space<semaphore_mem>>) src(%dma_wait3A_105 : memref<128xi32, #tpu.memory_space<hbm>>) dst(%arg10 : memref<128xi32, #tpu.memory_space<vmem>>)
    %dma_start3A_106 = arith.constant 0 : i32
    %dma_start3A_107 = arith.constant 0 : i32
    %dma_start3A_108 = tpu.memref_slice %arg16[%dma_start3A_106, %dma_start3A_107] : memref<10112x128xf32, #tpu.memory_space<vmem_shared>> -> memref<10112x128xf32, #tpu.memory_space<vmem_shared>>
    tpu.enqueue_indirect_dma source(%arg13 : memref<128x128xf32, #tpu.memory_space<vmem>>) target(%dma_start3A_108 : memref<10112x128xf32, #tpu.memory_space<vmem_shared>>) offsets(%arg10 : memref<128xi32, #tpu.memory_space<vmem>>) semaphore(%arg26 : memref<!tpu.dma_semaphore, #tpu.memory_space<semaphore_mem>>) {add = true}
    %dma_wait3A_109 = arith.constant 0 : i32
    %dma_wait3A_110 = arith.constant 0 : i32
    %dma_wait3A_111 = tpu.memref_slice %arg4[%dma_wait3A_109, %dma_wait3A_110] : memref<10112x128xf32, #tpu.memory_space<hbm>> -> memref<10112x128xf32, #tpu.memory_space<hbm>>
    tpu.wait_indirect_dma semaphore(%arg24 : memref<!tpu.dma_semaphore, #tpu.memory_space<semaphore_mem>>) src(%dma_wait3A_111 : memref<10112x128xf32, #tpu.memory_space<hbm>>) dst(%arg14 : memref<128x128xf32, #tpu.memory_space<vmem>>)
    %dma_wait3A_112 = arith.constant 79 : i32
    %dma_wait3A_113 = arith.constant 0 : i32
    %dma_wait3A_114 = arith.constant 0 : i32
    %dma_wait3A_115 = tpu.memref_slice %arg3[%dma_wait3A_112, %add3A, %dma_wait3A_113, %dma_wait3A_114] : memref<81x32x1x128xi32, #tpu.memory_space<hbm>> -> memref<1x1x1x128xi32, #tpu.memory_space<hbm>>
    %dma_wait3A_116 = tpu.memref_squeeze %dma_wait3A_115 : memref<1x1x1x128xi32, #tpu.memory_space<hbm>> -> memref<128xi32, #tpu.memory_space<hbm>>
    %dma_wait3A_117 = arith.constant 0 : i32
    %dma_wait3A_118 = tpu.memref_slice %arg3[%dma_wait3A_112, %add3A, %dma_wait3A_113, %dma_wait3A_117] : memref<81x32x1x128xi32, #tpu.memory_space<hbm>> -> memref<1x1x1x128xi32, #tpu.memory_space<hbm>>
    %dma_wait3A_119 = tpu.memref_squeeze %dma_wait3A_118 : memref<1x1x1x128xi32, #tpu.memory_space<hbm>> -> memref<128xi32, #tpu.memory_space<hbm>>
    tpu.wait_dma2 semaphore(%arg21 : memref<!tpu.dma_semaphore, #tpu.memory_space<semaphore_mem>>) src(%dma_wait3A_119 : memref<128xi32, #tpu.memory_space<hbm>>) dst(%arg11 : memref<128xi32, #tpu.memory_space<vmem>>)
    %dma_start3A_120 = arith.constant 0 : i32
    %dma_start3A_121 = arith.constant 0 : i32
    %dma_start3A_122 = tpu.memref_slice %arg16[%dma_start3A_120, %dma_start3A_121] : memref<10112x128xf32, #tpu.memory_space<vmem_shared>> -> memref<10112x128xf32, #tpu.memory_space<vmem_shared>>
    tpu.enqueue_indirect_dma source(%arg14 : memref<128x128xf32, #tpu.memory_space<vmem>>) target(%dma_start3A_122 : memref<10112x128xf32, #tpu.memory_space<vmem_shared>>) offsets(%arg11 : memref<128xi32, #tpu.memory_space<vmem>>) semaphore(%arg27 : memref<!tpu.dma_semaphore, #tpu.memory_space<semaphore_mem>>) {add = true}
    %dma_wait3A_123 = arith.constant 0 : i32
    %dma_wait3A_124 = arith.constant 0 : i32
    %dma_wait3A_125 = tpu.memref_slice %arg4[%dma_wait3A_123, %dma_wait3A_124] : memref<10112x128xf32, #tpu.memory_space<hbm>> -> memref<10112x128xf32, #tpu.memory_space<hbm>>
    tpu.wait_indirect_dma semaphore(%arg25 : memref<!tpu.dma_semaphore, #tpu.memory_space<semaphore_mem>>) src(%dma_wait3A_125 : memref<10112x128xf32, #tpu.memory_space<hbm>>) dst(%arg15 : memref<128x128xf32, #tpu.memory_space<vmem>>)
    %dma_wait3A_126 = arith.constant 80 : i32
    %dma_wait3A_127 = arith.constant 0 : i32
    %dma_wait3A_128 = arith.constant 0 : i32
    %dma_wait3A_129 = tpu.memref_slice %arg3[%dma_wait3A_126, %add3A, %dma_wait3A_127, %dma_wait3A_128] : memref<81x32x1x128xi32, #tpu.memory_space<hbm>> -> memref<1x1x1x128xi32, #tpu.memory_space<hbm>>
    %dma_wait3A_130 = tpu.memref_squeeze %dma_wait3A_129 : memref<1x1x1x128xi32, #tpu.memory_space<hbm>> -> memref<128xi32, #tpu.memory_space<hbm>>
    %dma_wait3A_131 = arith.constant 0 : i32
    %dma_wait3A_132 = tpu.memref_slice %arg3[%dma_wait3A_126, %add3A, %dma_wait3A_127, %dma_wait3A_131] : memref<81x32x1x128xi32, #tpu.memory_space<hbm>> -> memref<1x1x1x128xi32, #tpu.memory_space<hbm>>
    %dma_wait3A_133 = tpu.memref_squeeze %dma_wait3A_132 : memref<1x1x1x128xi32, #tpu.memory_space<hbm>> -> memref<128xi32, #tpu.memory_space<hbm>>
    tpu.wait_dma2 semaphore(%arg22 : memref<!tpu.dma_semaphore, #tpu.memory_space<semaphore_mem>>) src(%dma_wait3A_133 : memref<128xi32, #tpu.memory_space<hbm>>) dst(%arg12 : memref<128xi32, #tpu.memory_space<vmem>>)
    %dma_start3A_134 = arith.constant 0 : i32
    %dma_start3A_135 = arith.constant 0 : i32
    %dma_start3A_136 = tpu.memref_slice %arg16[%dma_start3A_134, %dma_start3A_135] : memref<10112x128xf32, #tpu.memory_space<vmem_shared>> -> memref<10112x128xf32, #tpu.memory_space<vmem_shared>>
    tpu.enqueue_indirect_dma source(%arg15 : memref<128x128xf32, #tpu.memory_space<vmem>>) target(%dma_start3A_136 : memref<10112x128xf32, #tpu.memory_space<vmem_shared>>) offsets(%arg12 : memref<128xi32, #tpu.memory_space<vmem>>) semaphore(%arg28 : memref<!tpu.dma_semaphore, #tpu.memory_space<semaphore_mem>>) {add = true}
    %dma_wait3A_137 = arith.constant 0 : i32
    %dma_wait3A_138 = arith.constant 0 : i32
    %dma_wait3A_139 = tpu.memref_slice %arg16[%dma_wait3A_137, %dma_wait3A_138] : memref<10112x128xf32, #tpu.memory_space<vmem_shared>> -> memref<10112x128xf32, #tpu.memory_space<vmem_shared>>
    tpu.wait_indirect_dma semaphore(%arg26 : memref<!tpu.dma_semaphore, #tpu.memory_space<semaphore_mem>>) src(%arg13 : memref<128x128xf32, #tpu.memory_space<vmem>>) dst(%dma_wait3A_139 : memref<10112x128xf32, #tpu.memory_space<vmem_shared>>)
    %dma_wait3A_140 = arith.constant 0 : i32
    %dma_wait3A_141 = arith.constant 0 : i32
    %dma_wait3A_142 = tpu.memref_slice %arg16[%dma_wait3A_140, %dma_wait3A_141] : memref<10112x128xf32, #tpu.memory_space<vmem_shared>> -> memref<10112x128xf32, #tpu.memory_space<vmem_shared>>
    tpu.wait_indirect_dma semaphore(%arg27 : memref<!tpu.dma_semaphore, #tpu.memory_space<semaphore_mem>>) src(%arg14 : memref<128x128xf32, #tpu.memory_space<vmem>>) dst(%dma_wait3A_142 : memref<10112x128xf32, #tpu.memory_space<vmem_shared>>)
    %dma_wait3A_143 = arith.constant 0 : i32
    %dma_wait3A_144 = arith.constant 0 : i32
    %dma_wait3A_145 = tpu.memref_slice %arg16[%dma_wait3A_143, %dma_wait3A_144] : memref<10112x128xf32, #tpu.memory_space<vmem_shared>> -> memref<10112x128xf32, #tpu.memory_space<vmem_shared>>
    tpu.wait_indirect_dma semaphore(%arg28 : memref<!tpu.dma_semaphore, #tpu.memory_space<semaphore_mem>>) src(%arg15 : memref<128x128xf32, #tpu.memory_space<vmem>>) dst(%dma_wait3A_145 : memref<10112x128xf32, #tpu.memory_space<vmem_shared>>)
    %barrier3A_146 = arith.constant 0 : index
    tpu.barrier barrier_id(%barrier3A_146)
    "tpu.region"() ({
      %run_scoped3A = tpu.sem_alloc : memref<!tpu.dma_semaphore, #tpu.memory_space<semaphore_mem>>
      %dma_start3A_147 = arith.constant 0 : i32
      %dma_start3A_148 = tpu.memref_slice %arg6[%arg0, %mul3A_2, %dma_start3A_147] : memref<2x10112x128xf32, #tpu.memory_space<hbm>> -> memref<1x632x128xf32, #tpu.memory_space<hbm>>
      %dma_start3A_149 = tpu.memref_squeeze %dma_start3A_148 : memref<1x632x128xf32, #tpu.memory_space<hbm>> -> memref<632x128xf32, #tpu.memory_space<hbm>>
      %dma_start3A_150 = arith.constant 0 : i32
      %dma_start3A_151 = tpu.memref_slice %arg16[%mul3A_2, %dma_start3A_150] : memref<10112x128xf32, #tpu.memory_space<vmem_shared>> -> memref<632x128xf32, #tpu.memory_space<vmem_shared>>
      tpu.enqueue_dma source(%dma_start3A_151 : memref<632x128xf32, #tpu.memory_space<vmem_shared>>) target(%dma_start3A_149 : memref<632x128xf32, #tpu.memory_space<hbm>>) target_semaphore(%run_scoped3A : memref<!tpu.dma_semaphore, #tpu.memory_space<semaphore_mem>>)
      %dma_wait3A_152 = arith.constant 0 : i32
      %dma_wait3A_153 = tpu.memref_slice %arg6[%arg0, %mul3A_2, %dma_wait3A_152] : memref<2x10112x128xf32, #tpu.memory_space<hbm>> -> memref<1x632x128xf32, #tpu.memory_space<hbm>>
      %dma_wait3A_154 = tpu.memref_squeeze %dma_wait3A_153 : memref<1x632x128xf32, #tpu.memory_space<hbm>> -> memref<632x128xf32, #tpu.memory_space<hbm>>
      %dma_wait3A_155 = arith.constant 0 : i32
      %dma_wait3A_156 = tpu.memref_slice %arg16[%mul3A_2, %dma_wait3A_155] : memref<10112x128xf32, #tpu.memory_space<vmem_shared>> -> memref<632x128xf32, #tpu.memory_space<vmem_shared>>
      tpu.wait_dma2 semaphore(%run_scoped3A : memref<!tpu.dma_semaphore, #tpu.memory_space<semaphore_mem>>) src(%dma_wait3A_156 : memref<632x128xf32, #tpu.memory_space<vmem_shared>>) dst(%dma_wait3A_154 : memref<632x128xf32, #tpu.memory_space<hbm>>)
      tpu.yield
    }) : () -> ()
    return
  }
}

#map = affine_map<(d0, d1) -> (0, 0, 0, 0)>
#map1 = affine_map<(d0, d1) -> (0, 0)>
#map2 = affine_map<(d0, d1) -> (0, 0, 0)>
module attributes {stable_mosaic.version = 14 : i64} {
  func.func @_hop_kernel(%arg0: i32, %arg1: i32, %arg2: memref<81x32x1x128xi32, #tpu.memory_space<hbm>>, %arg3: memref<81x32x1x128xi32, #tpu.memory_space<hbm>>, %arg4: memref<10112x128xf32, #tpu.memory_space<hbm>>, %arg5: memref<10112x128xf32, #tpu.memory_space<hbm>>, %arg6: memref<2x10112x128xf32, #tpu.memory_space<hbm>>, %arg7: memref<128xi32, #tpu.memory_space<vmem>>, %arg8: memref<128xi32, #tpu.memory_space<vmem>>, %arg9: memref<128xi32, #tpu.memory_space<vmem>>, %arg10: memref<128xi32, #tpu.memory_space<vmem>>, %arg11: memref<128xi32, #tpu.memory_space<vmem>>, %arg12: memref<128xi32, #tpu.memory_space<vmem>>, %arg13: memref<128x128xf32, #tpu.memory_space<vmem>>, %arg14: memref<128x128xf32, #tpu.memory_space<vmem>>, %arg15: memref<128x128xf32, #tpu.memory_space<vmem>>, %arg16: memref<10112x128xf32, #tpu.memory_space<vmem_shared>>, %arg17: memref<!tpu.dma_semaphore, #tpu.memory_space<semaphore_mem>>, %arg18: memref<!tpu.dma_semaphore, #tpu.memory_space<semaphore_mem>>, %arg19: memref<!tpu.dma_semaphore, #tpu.memory_space<semaphore_mem>>, %arg20: memref<!tpu.dma_semaphore, #tpu.memory_space<semaphore_mem>>, %arg21: memref<!tpu.dma_semaphore, #tpu.memory_space<semaphore_mem>>, %arg22: memref<!tpu.dma_semaphore, #tpu.memory_space<semaphore_mem>>, %arg23: memref<!tpu.dma_semaphore, #tpu.memory_space<semaphore_mem>>, %arg24: memref<!tpu.dma_semaphore, #tpu.memory_space<semaphore_mem>>, %arg25: memref<!tpu.dma_semaphore, #tpu.memory_space<semaphore_mem>>, %arg26: memref<!tpu.dma_semaphore, #tpu.memory_space<semaphore_mem>>, %arg27: memref<!tpu.dma_semaphore, #tpu.memory_space<semaphore_mem>>, %arg28: memref<!tpu.dma_semaphore, #tpu.memory_space<semaphore_mem>>, %arg29: memref<!tpu.dma_semaphore, #tpu.memory_space<semaphore_mem>>) attributes {dimension_semantics = [#tpu.dimension_semantics<core_parallel>, #tpu.dimension_semantics<subcore_parallel>], iteration_bounds = array<i64: 2, 16>, scalar_prefetch = 0 : i64, scratch_operands = 23 : i64, tpu.core_type = #tpu.core_type<sc_vector_subcore>, window_params = [{transform_indices = #map}, {transform_indices = #map}, {transform_indices = #map1}, {transform_indices = #map1}, {transform_indices = #map2}]} {
    %mul3A = arith.constant 16 : i32
    %mul3A_0 = arith.muli %arg0, %mul3A : i32
    %add3A = arith.addi %mul3A_0, %arg1 : i32
    %mul3A_1 = arith.constant 632 : i32
    %mul3A_2 = arith.muli %arg1, %mul3A_1 : i32
    %dma_start3A = arith.constant 0 : i32
    %dma_start3A_3 = tpu.memref_slice %arg16[%mul3A_2, %dma_start3A] : memref<10112x128xf32, #tpu.memory_space<vmem_shared>> -> memref<632x128xf32, #tpu.memory_space<vmem_shared>>
    %dma_start3A_4 = arith.constant 0 : i32
    %dma_start3A_5 = tpu.memref_slice %arg5[%mul3A_2, %dma_start3A_4] : memref<10112x128xf32, #tpu.memory_space<hbm>> -> memref<632x128xf32, #tpu.memory_space<hbm>>
    tpu.enqueue_dma source(%dma_start3A_5 : memref<632x128xf32, #tpu.memory_space<hbm>>) target(%dma_start3A_3 : memref<632x128xf32, #tpu.memory_space<vmem_shared>>) target_semaphore(%arg29 : memref<!tpu.dma_semaphore, #tpu.memory_space<semaphore_mem>>)
    %dma_start3A_6 = arith.constant 0 : i32
    %dma_start3A_7 = arith.constant 0 : i32
    %dma_start3A_8 = arith.constant 0 : i32
    %dma_start3A_9 = tpu.memref_slice %arg2[%dma_start3A_6, %add3A, %dma_start3A_7, %dma_start3A_8] : memref<81x32x1x128xi32, #tpu.memory_space<hbm>> -> memref<1x1x1x128xi32, #tpu.memory_space<hbm>>
    %dma_start3A_10 = tpu.memref_squeeze %dma_start3A_9 : memref<1x1x1x128xi32, #tpu.memory_space<hbm>> -> memref<128xi32, #tpu.memory_space<hbm>>
    %dma_start3A_11 = arith.constant 0 : i32
    %dma_start3A_12 = tpu.memref_slice %arg2[%dma_start3A_6, %add3A, %dma_start3A_7, %dma_start3A_11] : memref<81x32x1x128xi32, #tpu.memory_space<hbm>> -> memref<1x1x1x128xi32, #tpu.memory_space<hbm>>
    %dma_start3A_13 = tpu.memref_squeeze %dma_start3A_12 : memref<1x1x1x128xi32, #tpu.memory_space<hbm>> -> memref<128xi32, #tpu.memory_space<hbm>>
    tpu.enqueue_dma source(%dma_start3A_13 : memref<128xi32, #tpu.memory_space<hbm>>) target(%arg7 : memref<128xi32, #tpu.memory_space<vmem>>) target_semaphore(%arg17 : memref<!tpu.dma_semaphore, #tpu.memory_space<semaphore_mem>>)
    %dma_start3A_14 = arith.constant 0 : i32
    %dma_start3A_15 = arith.constant 0 : i32
    %dma_start3A_16 = arith.constant 0 : i32
    %dma_start3A_17 = tpu.memref_slice %arg3[%dma_start3A_14, %add3A, %dma_start3A_15, %dma_start3A_16] : memref<81x32x1x128xi32, #tpu.memory_space<hbm>> -> memref<1x1x1x128xi32, #tpu.memory_space<hbm>>
    %dma_start3A_18 = tpu.memref_squeeze %dma_start3A_17 : memref<1x1x1x128xi32, #tpu.memory_space<hbm>> -> memref<128xi32, #tpu.memory_space<hbm>>
    %dma_start3A_19 = arith.constant 0 : i32
    %dma_start3A_20 = tpu.memref_slice %arg3[%dma_start3A_14, %add3A, %dma_start3A_15, %dma_start3A_19] : memref<81x32x1x128xi32, #tpu.memory_space<hbm>> -> memref<1x1x1x128xi32, #tpu.memory_space<hbm>>
    %dma_start3A_21 = tpu.memref_squeeze %dma_start3A_20 : memref<1x1x1x128xi32, #tpu.memory_space<hbm>> -> memref<128xi32, #tpu.memory_space<hbm>>
    tpu.enqueue_dma source(%dma_start3A_21 : memref<128xi32, #tpu.memory_space<hbm>>) target(%arg10 : memref<128xi32, #tpu.memory_space<vmem>>) target_semaphore(%arg20 : memref<!tpu.dma_semaphore, #tpu.memory_space<semaphore_mem>>)
    %dma_start3A_22 = arith.constant 1 : i32
    %dma_start3A_23 = arith.constant 0 : i32
    %dma_start3A_24 = arith.constant 0 : i32
    %dma_start3A_25 = tpu.memref_slice %arg2[%dma_start3A_22, %add3A, %dma_start3A_23, %dma_start3A_24] : memref<81x32x1x128xi32, #tpu.memory_space<hbm>> -> memref<1x1x1x128xi32, #tpu.memory_space<hbm>>
    %dma_start3A_26 = tpu.memref_squeeze %dma_start3A_25 : memref<1x1x1x128xi32, #tpu.memory_space<hbm>> -> memref<128xi32, #tpu.memory_space<hbm>>
    %dma_start3A_27 = arith.constant 0 : i32
    %dma_start3A_28 = tpu.memref_slice %arg2[%dma_start3A_22, %add3A, %dma_start3A_23, %dma_start3A_27] : memref<81x32x1x128xi32, #tpu.memory_space<hbm>> -> memref<1x1x1x128xi32, #tpu.memory_space<hbm>>
    %dma_start3A_29 = tpu.memref_squeeze %dma_start3A_28 : memref<1x1x1x128xi32, #tpu.memory_space<hbm>> -> memref<128xi32, #tpu.memory_space<hbm>>
    tpu.enqueue_dma source(%dma_start3A_29 : memref<128xi32, #tpu.memory_space<hbm>>) target(%arg8 : memref<128xi32, #tpu.memory_space<vmem>>) target_semaphore(%arg18 : memref<!tpu.dma_semaphore, #tpu.memory_space<semaphore_mem>>)
    %dma_start3A_30 = arith.constant 1 : i32
    %dma_start3A_31 = arith.constant 0 : i32
    %dma_start3A_32 = arith.constant 0 : i32
    %dma_start3A_33 = tpu.memref_slice %arg3[%dma_start3A_30, %add3A, %dma_start3A_31, %dma_start3A_32] : memref<81x32x1x128xi32, #tpu.memory_space<hbm>> -> memref<1x1x1x128xi32, #tpu.memory_space<hbm>>
    %dma_start3A_34 = tpu.memref_squeeze %dma_start3A_33 : memref<1x1x1x128xi32, #tpu.memory_space<hbm>> -> memref<128xi32, #tpu.memory_space<hbm>>
    %dma_start3A_35 = arith.constant 0 : i32
    %dma_start3A_36 = tpu.memref_slice %arg3[%dma_start3A_30, %add3A, %dma_start3A_31, %dma_start3A_35] : memref<81x32x1x128xi32, #tpu.memory_space<hbm>> -> memref<1x1x1x128xi32, #tpu.memory_space<hbm>>
    %dma_start3A_37 = tpu.memref_squeeze %dma_start3A_36 : memref<1x1x1x128xi32, #tpu.memory_space<hbm>> -> memref<128xi32, #tpu.memory_space<hbm>>
    tpu.enqueue_dma source(%dma_start3A_37 : memref<128xi32, #tpu.memory_space<hbm>>) target(%arg11 : memref<128xi32, #tpu.memory_space<vmem>>) target_semaphore(%arg21 : memref<!tpu.dma_semaphore, #tpu.memory_space<semaphore_mem>>)
    %dma_start3A_38 = arith.constant 2 : i32
    %dma_start3A_39 = arith.constant 0 : i32
    %dma_start3A_40 = arith.constant 0 : i32
    %dma_start3A_41 = tpu.memref_slice %arg2[%dma_start3A_38, %add3A, %dma_start3A_39, %dma_start3A_40] : memref<81x32x1x128xi32, #tpu.memory_space<hbm>> -> memref<1x1x1x128xi32, #tpu.memory_space<hbm>>
    %dma_start3A_42 = tpu.memref_squeeze %dma_start3A_41 : memref<1x1x1x128xi32, #tpu.memory_space<hbm>> -> memref<128xi32, #tpu.memory_space<hbm>>
    %dma_start3A_43 = arith.constant 0 : i32
    %dma_start3A_44 = tpu.memref_slice %arg2[%dma_start3A_38, %add3A, %dma_start3A_39, %dma_start3A_43] : memref<81x32x1x128xi32, #tpu.memory_space<hbm>> -> memref<1x1x1x128xi32, #tpu.memory_space<hbm>>
    %dma_start3A_45 = tpu.memref_squeeze %dma_start3A_44 : memref<1x1x1x128xi32, #tpu.memory_space<hbm>> -> memref<128xi32, #tpu.memory_space<hbm>>
    tpu.enqueue_dma source(%dma_start3A_45 : memref<128xi32, #tpu.memory_space<hbm>>) target(%arg9 : memref<128xi32, #tpu.memory_space<vmem>>) target_semaphore(%arg19 : memref<!tpu.dma_semaphore, #tpu.memory_space<semaphore_mem>>)
    %dma_start3A_46 = arith.constant 2 : i32
    %dma_start3A_47 = arith.constant 0 : i32
    %dma_start3A_48 = arith.constant 0 : i32
    %dma_start3A_49 = tpu.memref_slice %arg3[%dma_start3A_46, %add3A, %dma_start3A_47, %dma_start3A_48] : memref<81x32x1x128xi32, #tpu.memory_space<hbm>> -> memref<1x1x1x128xi32, #tpu.memory_space<hbm>>
    %dma_start3A_50 = tpu.memref_squeeze %dma_start3A_49 : memref<1x1x1x128xi32, #tpu.memory_space<hbm>> -> memref<128xi32, #tpu.memory_space<hbm>>
    %dma_start3A_51 = arith.constant 0 : i32
    %dma_start3A_52 = tpu.memref_slice %arg3[%dma_start3A_46, %add3A, %dma_start3A_47, %dma_start3A_51] : memref<81x32x1x128xi32, #tpu.memory_space<hbm>> -> memref<1x1x1x128xi32, #tpu.memory_space<hbm>>
    %dma_start3A_53 = tpu.memref_squeeze %dma_start3A_52 : memref<1x1x1x128xi32, #tpu.memory_space<hbm>> -> memref<128xi32, #tpu.memory_space<hbm>>
    tpu.enqueue_dma source(%dma_start3A_53 : memref<128xi32, #tpu.memory_space<hbm>>) target(%arg12 : memref<128xi32, #tpu.memory_space<vmem>>) target_semaphore(%arg22 : memref<!tpu.dma_semaphore, #tpu.memory_space<semaphore_mem>>)
    %dma_wait3A = arith.constant 0 : i32
    %dma_wait3A_54 = arith.constant 0 : i32
    %dma_wait3A_55 = arith.constant 0 : i32
    %dma_wait3A_56 = tpu.memref_slice %arg2[%dma_wait3A, %add3A, %dma_wait3A_54, %dma_wait3A_55] : memref<81x32x1x128xi32, #tpu.memory_space<hbm>> -> memref<1x1x1x128xi32, #tpu.memory_space<hbm>>
    %dma_wait3A_57 = tpu.memref_squeeze %dma_wait3A_56 : memref<1x1x1x128xi32, #tpu.memory_space<hbm>> -> memref<128xi32, #tpu.memory_space<hbm>>
    %dma_wait3A_58 = arith.constant 0 : i32
    %dma_wait3A_59 = tpu.memref_slice %arg2[%dma_wait3A, %add3A, %dma_wait3A_54, %dma_wait3A_58] : memref<81x32x1x128xi32, #tpu.memory_space<hbm>> -> memref<1x1x1x128xi32, #tpu.memory_space<hbm>>
    %dma_wait3A_60 = tpu.memref_squeeze %dma_wait3A_59 : memref<1x1x1x128xi32, #tpu.memory_space<hbm>> -> memref<128xi32, #tpu.memory_space<hbm>>
    tpu.wait_dma2 semaphore(%arg17 : memref<!tpu.dma_semaphore, #tpu.memory_space<semaphore_mem>>) src(%dma_wait3A_60 : memref<128xi32, #tpu.memory_space<hbm>>) dst(%arg7 : memref<128xi32, #tpu.memory_space<vmem>>)
    %dma_start3A_61 = arith.constant 0 : i32
    %dma_start3A_62 = arith.constant 0 : i32
    %dma_start3A_63 = tpu.memref_slice %arg4[%dma_start3A_61, %dma_start3A_62] : memref<10112x128xf32, #tpu.memory_space<hbm>> -> memref<10112x128xf32, #tpu.memory_space<hbm>>
    tpu.enqueue_indirect_dma source(%dma_start3A_63 : memref<10112x128xf32, #tpu.memory_space<hbm>>) target(%arg13 : memref<128x128xf32, #tpu.memory_space<vmem>>) offsets(%arg7 : memref<128xi32, #tpu.memory_space<vmem>>) semaphore(%arg23 : memref<!tpu.dma_semaphore, #tpu.memory_space<semaphore_mem>>)
    %dma_wait3A_64 = arith.constant 1 : i32
    %dma_wait3A_65 = arith.constant 0 : i32
    %dma_wait3A_66 = arith.constant 0 : i32
    %dma_wait3A_67 = tpu.memref_slice %arg2[%dma_wait3A_64, %add3A, %dma_wait3A_65, %dma_wait3A_66] : memref<81x32x1x128xi32, #tpu.memory_space<hbm>> -> memref<1x1x1x128xi32, #tpu.memory_space<hbm>>
    %dma_wait3A_68 = tpu.memref_squeeze %dma_wait3A_67 : memref<1x1x1x128xi32, #tpu.memory_space<hbm>> -> memref<128xi32, #tpu.memory_space<hbm>>
    %dma_wait3A_69 = arith.constant 0 : i32
    %dma_wait3A_70 = tpu.memref_slice %arg2[%dma_wait3A_64, %add3A, %dma_wait3A_65, %dma_wait3A_69] : memref<81x32x1x128xi32, #tpu.memory_space<hbm>> -> memref<1x1x1x128xi32, #tpu.memory_space<hbm>>
    %dma_wait3A_71 = tpu.memref_squeeze %dma_wait3A_70 : memref<1x1x1x128xi32, #tpu.memory_space<hbm>> -> memref<128xi32, #tpu.memory_space<hbm>>
    tpu.wait_dma2 semaphore(%arg18 : memref<!tpu.dma_semaphore, #tpu.memory_space<semaphore_mem>>) src(%dma_wait3A_71 : memref<128xi32, #tpu.memory_space<hbm>>) dst(%arg8 : memref<128xi32, #tpu.memory_space<vmem>>)
    %dma_start3A_72 = arith.constant 0 : i32
    %dma_start3A_73 = arith.constant 0 : i32
    %dma_start3A_74 = tpu.memref_slice %arg4[%dma_start3A_72, %dma_start3A_73] : memref<10112x128xf32, #tpu.memory_space<hbm>> -> memref<10112x128xf32, #tpu.memory_space<hbm>>
    tpu.enqueue_indirect_dma source(%dma_start3A_74 : memref<10112x128xf32, #tpu.memory_space<hbm>>) target(%arg14 : memref<128x128xf32, #tpu.memory_space<vmem>>) offsets(%arg8 : memref<128xi32, #tpu.memory_space<vmem>>) semaphore(%arg24 : memref<!tpu.dma_semaphore, #tpu.memory_space<semaphore_mem>>)
    %dma_wait3A_75 = arith.constant 2 : i32
    %dma_wait3A_76 = arith.constant 0 : i32
    %dma_wait3A_77 = arith.constant 0 : i32
    %dma_wait3A_78 = tpu.memref_slice %arg2[%dma_wait3A_75, %add3A, %dma_wait3A_76, %dma_wait3A_77] : memref<81x32x1x128xi32, #tpu.memory_space<hbm>> -> memref<1x1x1x128xi32, #tpu.memory_space<hbm>>
    %dma_wait3A_79 = tpu.memref_squeeze %dma_wait3A_78 : memref<1x1x1x128xi32, #tpu.memory_space<hbm>> -> memref<128xi32, #tpu.memory_space<hbm>>
    %dma_wait3A_80 = arith.constant 0 : i32
    %dma_wait3A_81 = tpu.memref_slice %arg2[%dma_wait3A_75, %add3A, %dma_wait3A_76, %dma_wait3A_80] : memref<81x32x1x128xi32, #tpu.memory_space<hbm>> -> memref<1x1x1x128xi32, #tpu.memory_space<hbm>>
    %dma_wait3A_82 = tpu.memref_squeeze %dma_wait3A_81 : memref<1x1x1x128xi32, #tpu.memory_space<hbm>> -> memref<128xi32, #tpu.memory_space<hbm>>
    tpu.wait_dma2 semaphore(%arg19 : memref<!tpu.dma_semaphore, #tpu.memory_space<semaphore_mem>>) src(%dma_wait3A_82 : memref<128xi32, #tpu.memory_space<hbm>>) dst(%arg9 : memref<128xi32, #tpu.memory_space<vmem>>)
    %dma_start3A_83 = arith.constant 0 : i32
    %dma_start3A_84 = arith.constant 0 : i32
    %dma_start3A_85 = tpu.memref_slice %arg4[%dma_start3A_83, %dma_start3A_84] : memref<10112x128xf32, #tpu.memory_space<hbm>> -> memref<10112x128xf32, #tpu.memory_space<hbm>>
    tpu.enqueue_indirect_dma source(%dma_start3A_85 : memref<10112x128xf32, #tpu.memory_space<hbm>>) target(%arg15 : memref<128x128xf32, #tpu.memory_space<vmem>>) offsets(%arg9 : memref<128xi32, #tpu.memory_space<vmem>>) semaphore(%arg25 : memref<!tpu.dma_semaphore, #tpu.memory_space<semaphore_mem>>)
    %dma_wait3A_86 = arith.constant 0 : i32
    %dma_wait3A_87 = tpu.memref_slice %arg16[%mul3A_2, %dma_wait3A_86] : memref<10112x128xf32, #tpu.memory_space<vmem_shared>> -> memref<632x128xf32, #tpu.memory_space<vmem_shared>>
    %dma_wait3A_88 = arith.constant 0 : i32
    %dma_wait3A_89 = tpu.memref_slice %arg5[%mul3A_2, %dma_wait3A_88] : memref<10112x128xf32, #tpu.memory_space<hbm>> -> memref<632x128xf32, #tpu.memory_space<hbm>>
    tpu.wait_dma2 semaphore(%arg29 : memref<!tpu.dma_semaphore, #tpu.memory_space<semaphore_mem>>) src(%dma_wait3A_89 : memref<632x128xf32, #tpu.memory_space<hbm>>) dst(%dma_wait3A_87 : memref<632x128xf32, #tpu.memory_space<vmem_shared>>)
    %barrier3A = arith.constant 0 : index
    tpu.barrier barrier_id(%barrier3A)
    %scan3A = arith.constant 0 : i32
    %scan3A_90 = arith.constant 0 : i32
    %scan3A_91 = arith.constant 26 : i32
    %scan3A_92 = arith.addi %scan3A_90, %scan3A_91 : i32
    %scan3A_93 = arith.constant 1 : i32
    scf.for %scan3A_147 = %scan3A_90 to %scan3A_92 step %scan3A_93  : i32 {
      %mul3A_148 = arith.constant 3 : i32
      %mul3A_149 = arith.muli %mul3A_148, %scan3A_147 : i32
      %dma_wait3A_150 = arith.constant 0 : i32
      %dma_wait3A_151 = arith.constant 0 : i32
      %dma_wait3A_152 = tpu.memref_slice %arg4[%dma_wait3A_150, %dma_wait3A_151] : memref<10112x128xf32, #tpu.memory_space<hbm>> -> memref<10112x128xf32, #tpu.memory_space<hbm>>
      tpu.wait_indirect_dma semaphore(%arg23 : memref<!tpu.dma_semaphore, #tpu.memory_space<semaphore_mem>>) src(%dma_wait3A_152 : memref<10112x128xf32, #tpu.memory_space<hbm>>) dst(%arg13 : memref<128x128xf32, #tpu.memory_space<vmem>>)
      %add3A_153 = arith.constant 0 : i32
      %add3A_154 = arith.addi %mul3A_149, %add3A_153 : i32
      %dma_wait3A_155 = arith.constant 0 : i32
      %dma_wait3A_156 = arith.constant 0 : i32
      %dma_wait3A_157 = tpu.memref_slice %arg3[%add3A_154, %add3A, %dma_wait3A_155, %dma_wait3A_156] : memref<81x32x1x128xi32, #tpu.memory_space<hbm>> -> memref<1x1x1x128xi32, #tpu.memory_space<hbm>>
      %dma_wait3A_158 = tpu.memref_squeeze %dma_wait3A_157 : memref<1x1x1x128xi32, #tpu.memory_space<hbm>> -> memref<128xi32, #tpu.memory_space<hbm>>
      %dma_wait3A_159 = arith.constant 0 : i32
      %dma_wait3A_160 = tpu.memref_slice %arg3[%add3A_154, %add3A, %dma_wait3A_155, %dma_wait3A_159] : memref<81x32x1x128xi32, #tpu.memory_space<hbm>> -> memref<1x1x1x128xi32, #tpu.memory_space<hbm>>
      %dma_wait3A_161 = tpu.memref_squeeze %dma_wait3A_160 : memref<1x1x1x128xi32, #tpu.memory_space<hbm>> -> memref<128xi32, #tpu.memory_space<hbm>>
      tpu.wait_dma2 semaphore(%arg20 : memref<!tpu.dma_semaphore, #tpu.memory_space<semaphore_mem>>) src(%dma_wait3A_161 : memref<128xi32, #tpu.memory_space<hbm>>) dst(%arg10 : memref<128xi32, #tpu.memory_space<vmem>>)
      %dma_start3A_162 = arith.constant 0 : i32
      %dma_start3A_163 = arith.constant 0 : i32
      %dma_start3A_164 = tpu.memref_slice %arg16[%dma_start3A_162, %dma_start3A_163] : memref<10112x128xf32, #tpu.memory_space<vmem_shared>> -> memref<10112x128xf32, #tpu.memory_space<vmem_shared>>
      tpu.enqueue_indirect_dma source(%arg13 : memref<128x128xf32, #tpu.memory_space<vmem>>) target(%dma_start3A_164 : memref<10112x128xf32, #tpu.memory_space<vmem_shared>>) offsets(%arg10 : memref<128xi32, #tpu.memory_space<vmem>>) semaphore(%arg26 : memref<!tpu.dma_semaphore, #tpu.memory_space<semaphore_mem>>) {add = true}
      %add3A_165 = arith.constant 0 : i32
      %add3A_166 = arith.addi %mul3A_149, %add3A_165 : i32
      %add3A_167 = arith.constant 3 : i32
      %add3A_168 = arith.addi %add3A_166, %add3A_167 : i32
      %dma_start3A_169 = arith.constant 0 : i32
      %dma_start3A_170 = arith.constant 0 : i32
      %dma_start3A_171 = tpu.memref_slice %arg2[%add3A_168, %add3A, %dma_start3A_169, %dma_start3A_170] : memref<81x32x1x128xi32, #tpu.memory_space<hbm>> -> memref<1x1x1x128xi32, #tpu.memory_space<hbm>>
      %dma_start3A_172 = tpu.memref_squeeze %dma_start3A_171 : memref<1x1x1x128xi32, #tpu.memory_space<hbm>> -> memref<128xi32, #tpu.memory_space<hbm>>
      %dma_start3A_173 = arith.constant 0 : i32
      %dma_start3A_174 = tpu.memref_slice %arg2[%add3A_168, %add3A, %dma_start3A_169, %dma_start3A_173] : memref<81x32x1x128xi32, #tpu.memory_space<hbm>> -> memref<1x1x1x128xi32, #tpu.memory_space<hbm>>
      %dma_start3A_175 = tpu.memref_squeeze %dma_start3A_174 : memref<1x1x1x128xi32, #tpu.memory_space<hbm>> -> memref<128xi32, #tpu.memory_space<hbm>>
      tpu.enqueue_dma source(%dma_start3A_175 : memref<128xi32, #tpu.memory_space<hbm>>) target(%arg7 : memref<128xi32, #tpu.memory_space<vmem>>) target_semaphore(%arg17 : memref<!tpu.dma_semaphore, #tpu.memory_space<semaphore_mem>>)
      %dma_wait3A_176 = arith.constant 0 : i32
      %dma_wait3A_177 = arith.constant 0 : i32
      %dma_wait3A_178 = tpu.memref_slice %arg4[%dma_wait3A_176, %dma_wait3A_177] : memref<10112x128xf32, #tpu.memory_space<hbm>> -> memref<10112x128xf32, #tpu.memory_space<hbm>>
      tpu.wait_indirect_dma semaphore(%arg24 : memref<!tpu.dma_semaphore, #tpu.memory_space<semaphore_mem>>) src(%dma_wait3A_178 : memref<10112x128xf32, #tpu.memory_space<hbm>>) dst(%arg14 : memref<128x128xf32, #tpu.memory_space<vmem>>)
      %add3A_179 = arith.constant 1 : i32
      %add3A_180 = arith.addi %mul3A_149, %add3A_179 : i32
      %dma_wait3A_181 = arith.constant 0 : i32
      %dma_wait3A_182 = arith.constant 0 : i32
      %dma_wait3A_183 = tpu.memref_slice %arg3[%add3A_180, %add3A, %dma_wait3A_181, %dma_wait3A_182] : memref<81x32x1x128xi32, #tpu.memory_space<hbm>> -> memref<1x1x1x128xi32, #tpu.memory_space<hbm>>
      %dma_wait3A_184 = tpu.memref_squeeze %dma_wait3A_183 : memref<1x1x1x128xi32, #tpu.memory_space<hbm>> -> memref<128xi32, #tpu.memory_space<hbm>>
      %dma_wait3A_185 = arith.constant 0 : i32
      %dma_wait3A_186 = tpu.memref_slice %arg3[%add3A_180, %add3A, %dma_wait3A_181, %dma_wait3A_185] : memref<81x32x1x128xi32, #tpu.memory_space<hbm>> -> memref<1x1x1x128xi32, #tpu.memory_space<hbm>>
      %dma_wait3A_187 = tpu.memref_squeeze %dma_wait3A_186 : memref<1x1x1x128xi32, #tpu.memory_space<hbm>> -> memref<128xi32, #tpu.memory_space<hbm>>
      tpu.wait_dma2 semaphore(%arg21 : memref<!tpu.dma_semaphore, #tpu.memory_space<semaphore_mem>>) src(%dma_wait3A_187 : memref<128xi32, #tpu.memory_space<hbm>>) dst(%arg11 : memref<128xi32, #tpu.memory_space<vmem>>)
      %dma_start3A_188 = arith.constant 0 : i32
      %dma_start3A_189 = arith.constant 0 : i32
      %dma_start3A_190 = tpu.memref_slice %arg16[%dma_start3A_188, %dma_start3A_189] : memref<10112x128xf32, #tpu.memory_space<vmem_shared>> -> memref<10112x128xf32, #tpu.memory_space<vmem_shared>>
      tpu.enqueue_indirect_dma source(%arg14 : memref<128x128xf32, #tpu.memory_space<vmem>>) target(%dma_start3A_190 : memref<10112x128xf32, #tpu.memory_space<vmem_shared>>) offsets(%arg11 : memref<128xi32, #tpu.memory_space<vmem>>) semaphore(%arg27 : memref<!tpu.dma_semaphore, #tpu.memory_space<semaphore_mem>>) {add = true}
      %add3A_191 = arith.constant 1 : i32
      %add3A_192 = arith.addi %mul3A_149, %add3A_191 : i32
      %add3A_193 = arith.constant 3 : i32
      %add3A_194 = arith.addi %add3A_192, %add3A_193 : i32
      %dma_start3A_195 = arith.constant 0 : i32
      %dma_start3A_196 = arith.constant 0 : i32
      %dma_start3A_197 = tpu.memref_slice %arg2[%add3A_194, %add3A, %dma_start3A_195, %dma_start3A_196] : memref<81x32x1x128xi32, #tpu.memory_space<hbm>> -> memref<1x1x1x128xi32, #tpu.memory_space<hbm>>
      %dma_start3A_198 = tpu.memref_squeeze %dma_start3A_197 : memref<1x1x1x128xi32, #tpu.memory_space<hbm>> -> memref<128xi32, #tpu.memory_space<hbm>>
      %dma_start3A_199 = arith.constant 0 : i32
      %dma_start3A_200 = tpu.memref_slice %arg2[%add3A_194, %add3A, %dma_start3A_195, %dma_start3A_199] : memref<81x32x1x128xi32, #tpu.memory_space<hbm>> -> memref<1x1x1x128xi32, #tpu.memory_space<hbm>>
      %dma_start3A_201 = tpu.memref_squeeze %dma_start3A_200 : memref<1x1x1x128xi32, #tpu.memory_space<hbm>> -> memref<128xi32, #tpu.memory_space<hbm>>
      tpu.enqueue_dma source(%dma_start3A_201 : memref<128xi32, #tpu.memory_space<hbm>>) target(%arg8 : memref<128xi32, #tpu.memory_space<vmem>>) target_semaphore(%arg18 : memref<!tpu.dma_semaphore, #tpu.memory_space<semaphore_mem>>)
      %dma_wait3A_202 = arith.constant 0 : i32
      %dma_wait3A_203 = arith.constant 0 : i32
      %dma_wait3A_204 = tpu.memref_slice %arg4[%dma_wait3A_202, %dma_wait3A_203] : memref<10112x128xf32, #tpu.memory_space<hbm>> -> memref<10112x128xf32, #tpu.memory_space<hbm>>
      tpu.wait_indirect_dma semaphore(%arg25 : memref<!tpu.dma_semaphore, #tpu.memory_space<semaphore_mem>>) src(%dma_wait3A_204 : memref<10112x128xf32, #tpu.memory_space<hbm>>) dst(%arg15 : memref<128x128xf32, #tpu.memory_space<vmem>>)
      %add3A_205 = arith.constant 2 : i32
      %add3A_206 = arith.addi %mul3A_149, %add3A_205 : i32
      %dma_wait3A_207 = arith.constant 0 : i32
      %dma_wait3A_208 = arith.constant 0 : i32
      %dma_wait3A_209 = tpu.memref_slice %arg3[%add3A_206, %add3A, %dma_wait3A_207, %dma_wait3A_208] : memref<81x32x1x128xi32, #tpu.memory_space<hbm>> -> memref<1x1x1x128xi32, #tpu.memory_space<hbm>>
      %dma_wait3A_210 = tpu.memref_squeeze %dma_wait3A_209 : memref<1x1x1x128xi32, #tpu.memory_space<hbm>> -> memref<128xi32, #tpu.memory_space<hbm>>
      %dma_wait3A_211 = arith.constant 0 : i32
      %dma_wait3A_212 = tpu.memref_slice %arg3[%add3A_206, %add3A, %dma_wait3A_207, %dma_wait3A_211] : memref<81x32x1x128xi32, #tpu.memory_space<hbm>> -> memref<1x1x1x128xi32, #tpu.memory_space<hbm>>
      %dma_wait3A_213 = tpu.memref_squeeze %dma_wait3A_212 : memref<1x1x1x128xi32, #tpu.memory_space<hbm>> -> memref<128xi32, #tpu.memory_space<hbm>>
      tpu.wait_dma2 semaphore(%arg22 : memref<!tpu.dma_semaphore, #tpu.memory_space<semaphore_mem>>) src(%dma_wait3A_213 : memref<128xi32, #tpu.memory_space<hbm>>) dst(%arg12 : memref<128xi32, #tpu.memory_space<vmem>>)
      %dma_start3A_214 = arith.constant 0 : i32
      %dma_start3A_215 = arith.constant 0 : i32
      %dma_start3A_216 = tpu.memref_slice %arg16[%dma_start3A_214, %dma_start3A_215] : memref<10112x128xf32, #tpu.memory_space<vmem_shared>> -> memref<10112x128xf32, #tpu.memory_space<vmem_shared>>
      tpu.enqueue_indirect_dma source(%arg15 : memref<128x128xf32, #tpu.memory_space<vmem>>) target(%dma_start3A_216 : memref<10112x128xf32, #tpu.memory_space<vmem_shared>>) offsets(%arg12 : memref<128xi32, #tpu.memory_space<vmem>>) semaphore(%arg28 : memref<!tpu.dma_semaphore, #tpu.memory_space<semaphore_mem>>) {add = true}
      %add3A_217 = arith.constant 2 : i32
      %add3A_218 = arith.addi %mul3A_149, %add3A_217 : i32
      %add3A_219 = arith.constant 3 : i32
      %add3A_220 = arith.addi %add3A_218, %add3A_219 : i32
      %dma_start3A_221 = arith.constant 0 : i32
      %dma_start3A_222 = arith.constant 0 : i32
      %dma_start3A_223 = tpu.memref_slice %arg2[%add3A_220, %add3A, %dma_start3A_221, %dma_start3A_222] : memref<81x32x1x128xi32, #tpu.memory_space<hbm>> -> memref<1x1x1x128xi32, #tpu.memory_space<hbm>>
      %dma_start3A_224 = tpu.memref_squeeze %dma_start3A_223 : memref<1x1x1x128xi32, #tpu.memory_space<hbm>> -> memref<128xi32, #tpu.memory_space<hbm>>
      %dma_start3A_225 = arith.constant 0 : i32
      %dma_start3A_226 = tpu.memref_slice %arg2[%add3A_220, %add3A, %dma_start3A_221, %dma_start3A_225] : memref<81x32x1x128xi32, #tpu.memory_space<hbm>> -> memref<1x1x1x128xi32, #tpu.memory_space<hbm>>
      %dma_start3A_227 = tpu.memref_squeeze %dma_start3A_226 : memref<1x1x1x128xi32, #tpu.memory_space<hbm>> -> memref<128xi32, #tpu.memory_space<hbm>>
      tpu.enqueue_dma source(%dma_start3A_227 : memref<128xi32, #tpu.memory_space<hbm>>) target(%arg9 : memref<128xi32, #tpu.memory_space<vmem>>) target_semaphore(%arg19 : memref<!tpu.dma_semaphore, #tpu.memory_space<semaphore_mem>>)
      %dma_wait3A_228 = arith.constant 0 : i32
      %dma_wait3A_229 = arith.constant 0 : i32
      %dma_wait3A_230 = tpu.memref_slice %arg16[%dma_wait3A_228, %dma_wait3A_229] : memref<10112x128xf32, #tpu.memory_space<vmem_shared>> -> memref<10112x128xf32, #tpu.memory_space<vmem_shared>>
      tpu.wait_indirect_dma semaphore(%arg26 : memref<!tpu.dma_semaphore, #tpu.memory_space<semaphore_mem>>) src(%arg13 : memref<128x128xf32, #tpu.memory_space<vmem>>) dst(%dma_wait3A_230 : memref<10112x128xf32, #tpu.memory_space<vmem_shared>>)
      %add3A_231 = arith.constant 0 : i32
      %add3A_232 = arith.addi %mul3A_149, %add3A_231 : i32
      %add3A_233 = arith.constant 3 : i32
      %add3A_234 = arith.addi %add3A_232, %add3A_233 : i32
      %dma_start3A_235 = arith.constant 0 : i32
      %dma_start3A_236 = arith.constant 0 : i32
      %dma_start3A_237 = tpu.memref_slice %arg3[%add3A_234, %add3A, %dma_start3A_235, %dma_start3A_236] : memref<81x32x1x128xi32, #tpu.memory_space<hbm>> -> memref<1x1x1x128xi32, #tpu.memory_space<hbm>>
      %dma_start3A_238 = tpu.memref_squeeze %dma_start3A_237 : memref<1x1x1x128xi32, #tpu.memory_space<hbm>> -> memref<128xi32, #tpu.memory_space<hbm>>
      %dma_start3A_239 = arith.constant 0 : i32
      %dma_start3A_240 = tpu.memref_slice %arg3[%add3A_234, %add3A, %dma_start3A_235, %dma_start3A_239] : memref<81x32x1x128xi32, #tpu.memory_space<hbm>> -> memref<1x1x1x128xi32, #tpu.memory_space<hbm>>
      %dma_start3A_241 = tpu.memref_squeeze %dma_start3A_240 : memref<1x1x1x128xi32, #tpu.memory_space<hbm>> -> memref<128xi32, #tpu.memory_space<hbm>>
      tpu.enqueue_dma source(%dma_start3A_241 : memref<128xi32, #tpu.memory_space<hbm>>) target(%arg10 : memref<128xi32, #tpu.memory_space<vmem>>) target_semaphore(%arg20 : memref<!tpu.dma_semaphore, #tpu.memory_space<semaphore_mem>>)
      %add3A_242 = arith.constant 0 : i32
      %add3A_243 = arith.addi %mul3A_149, %add3A_242 : i32
      %add3A_244 = arith.constant 3 : i32
      %add3A_245 = arith.addi %add3A_243, %add3A_244 : i32
      %dma_wait3A_246 = arith.constant 0 : i32
      %dma_wait3A_247 = arith.constant 0 : i32
      %dma_wait3A_248 = tpu.memref_slice %arg2[%add3A_245, %add3A, %dma_wait3A_246, %dma_wait3A_247] : memref<81x32x1x128xi32, #tpu.memory_space<hbm>> -> memref<1x1x1x128xi32, #tpu.memory_space<hbm>>
      %dma_wait3A_249 = tpu.memref_squeeze %dma_wait3A_248 : memref<1x1x1x128xi32, #tpu.memory_space<hbm>> -> memref<128xi32, #tpu.memory_space<hbm>>
      %dma_wait3A_250 = arith.constant 0 : i32
      %dma_wait3A_251 = tpu.memref_slice %arg2[%add3A_245, %add3A, %dma_wait3A_246, %dma_wait3A_250] : memref<81x32x1x128xi32, #tpu.memory_space<hbm>> -> memref<1x1x1x128xi32, #tpu.memory_space<hbm>>
      %dma_wait3A_252 = tpu.memref_squeeze %dma_wait3A_251 : memref<1x1x1x128xi32, #tpu.memory_space<hbm>> -> memref<128xi32, #tpu.memory_space<hbm>>
      tpu.wait_dma2 semaphore(%arg17 : memref<!tpu.dma_semaphore, #tpu.memory_space<semaphore_mem>>) src(%dma_wait3A_252 : memref<128xi32, #tpu.memory_space<hbm>>) dst(%arg7 : memref<128xi32, #tpu.memory_space<vmem>>)
      %dma_start3A_253 = arith.constant 0 : i32
      %dma_start3A_254 = arith.constant 0 : i32
      %dma_start3A_255 = tpu.memref_slice %arg4[%dma_start3A_253, %dma_start3A_254] : memref<10112x128xf32, #tpu.memory_space<hbm>> -> memref<10112x128xf32, #tpu.memory_space<hbm>>
      tpu.enqueue_indirect_dma source(%dma_start3A_255 : memref<10112x128xf32, #tpu.memory_space<hbm>>) target(%arg13 : memref<128x128xf32, #tpu.memory_space<vmem>>) offsets(%arg7 : memref<128xi32, #tpu.memory_space<vmem>>) semaphore(%arg23 : memref<!tpu.dma_semaphore, #tpu.memory_space<semaphore_mem>>)
      %dma_wait3A_256 = arith.constant 0 : i32
      %dma_wait3A_257 = arith.constant 0 : i32
      %dma_wait3A_258 = tpu.memref_slice %arg16[%dma_wait3A_256, %dma_wait3A_257] : memref<10112x128xf32, #tpu.memory_space<vmem_shared>> -> memref<10112x128xf32, #tpu.memory_space<vmem_shared>>
      tpu.wait_indirect_dma semaphore(%arg27 : memref<!tpu.dma_semaphore, #tpu.memory_space<semaphore_mem>>) src(%arg14 : memref<128x128xf32, #tpu.memory_space<vmem>>) dst(%dma_wait3A_258 : memref<10112x128xf32, #tpu.memory_space<vmem_shared>>)
      %add3A_259 = arith.constant 1 : i32
      %add3A_260 = arith.addi %mul3A_149, %add3A_259 : i32
      %add3A_261 = arith.constant 3 : i32
      %add3A_262 = arith.addi %add3A_260, %add3A_261 : i32
      %dma_start3A_263 = arith.constant 0 : i32
      %dma_start3A_264 = arith.constant 0 : i32
      %dma_start3A_265 = tpu.memref_slice %arg3[%add3A_262, %add3A, %dma_start3A_263, %dma_start3A_264] : memref<81x32x1x128xi32, #tpu.memory_space<hbm>> -> memref<1x1x1x128xi32, #tpu.memory_space<hbm>>
      %dma_start3A_266 = tpu.memref_squeeze %dma_start3A_265 : memref<1x1x1x128xi32, #tpu.memory_space<hbm>> -> memref<128xi32, #tpu.memory_space<hbm>>
      %dma_start3A_267 = arith.constant 0 : i32
      %dma_start3A_268 = tpu.memref_slice %arg3[%add3A_262, %add3A, %dma_start3A_263, %dma_start3A_267] : memref<81x32x1x128xi32, #tpu.memory_space<hbm>> -> memref<1x1x1x128xi32, #tpu.memory_space<hbm>>
      %dma_start3A_269 = tpu.memref_squeeze %dma_start3A_268 : memref<1x1x1x128xi32, #tpu.memory_space<hbm>> -> memref<128xi32, #tpu.memory_space<hbm>>
      tpu.enqueue_dma source(%dma_start3A_269 : memref<128xi32, #tpu.memory_space<hbm>>) target(%arg11 : memref<128xi32, #tpu.memory_space<vmem>>) target_semaphore(%arg21 : memref<!tpu.dma_semaphore, #tpu.memory_space<semaphore_mem>>)
      %add3A_270 = arith.constant 1 : i32
      %add3A_271 = arith.addi %mul3A_149, %add3A_270 : i32
      %add3A_272 = arith.constant 3 : i32
      %add3A_273 = arith.addi %add3A_271, %add3A_272 : i32
      %dma_wait3A_274 = arith.constant 0 : i32
      %dma_wait3A_275 = arith.constant 0 : i32
      %dma_wait3A_276 = tpu.memref_slice %arg2[%add3A_273, %add3A, %dma_wait3A_274, %dma_wait3A_275] : memref<81x32x1x128xi32, #tpu.memory_space<hbm>> -> memref<1x1x1x128xi32, #tpu.memory_space<hbm>>
      %dma_wait3A_277 = tpu.memref_squeeze %dma_wait3A_276 : memref<1x1x1x128xi32, #tpu.memory_space<hbm>> -> memref<128xi32, #tpu.memory_space<hbm>>
      %dma_wait3A_278 = arith.constant 0 : i32
      %dma_wait3A_279 = tpu.memref_slice %arg2[%add3A_273, %add3A, %dma_wait3A_274, %dma_wait3A_278] : memref<81x32x1x128xi32, #tpu.memory_space<hbm>> -> memref<1x1x1x128xi32, #tpu.memory_space<hbm>>
      %dma_wait3A_280 = tpu.memref_squeeze %dma_wait3A_279 : memref<1x1x1x128xi32, #tpu.memory_space<hbm>> -> memref<128xi32, #tpu.memory_space<hbm>>
      tpu.wait_dma2 semaphore(%arg18 : memref<!tpu.dma_semaphore, #tpu.memory_space<semaphore_mem>>) src(%dma_wait3A_280 : memref<128xi32, #tpu.memory_space<hbm>>) dst(%arg8 : memref<128xi32, #tpu.memory_space<vmem>>)
      %dma_start3A_281 = arith.constant 0 : i32
      %dma_start3A_282 = arith.constant 0 : i32
      %dma_start3A_283 = tpu.memref_slice %arg4[%dma_start3A_281, %dma_start3A_282] : memref<10112x128xf32, #tpu.memory_space<hbm>> -> memref<10112x128xf32, #tpu.memory_space<hbm>>
      tpu.enqueue_indirect_dma source(%dma_start3A_283 : memref<10112x128xf32, #tpu.memory_space<hbm>>) target(%arg14 : memref<128x128xf32, #tpu.memory_space<vmem>>) offsets(%arg8 : memref<128xi32, #tpu.memory_space<vmem>>) semaphore(%arg24 : memref<!tpu.dma_semaphore, #tpu.memory_space<semaphore_mem>>)
      %dma_wait3A_284 = arith.constant 0 : i32
      %dma_wait3A_285 = arith.constant 0 : i32
      %dma_wait3A_286 = tpu.memref_slice %arg16[%dma_wait3A_284, %dma_wait3A_285] : memref<10112x128xf32, #tpu.memory_space<vmem_shared>> -> memref<10112x128xf32, #tpu.memory_space<vmem_shared>>
      tpu.wait_indirect_dma semaphore(%arg28 : memref<!tpu.dma_semaphore, #tpu.memory_space<semaphore_mem>>) src(%arg15 : memref<128x128xf32, #tpu.memory_space<vmem>>) dst(%dma_wait3A_286 : memref<10112x128xf32, #tpu.memory_space<vmem_shared>>)
      %add3A_287 = arith.constant 2 : i32
      %add3A_288 = arith.addi %mul3A_149, %add3A_287 : i32
      %add3A_289 = arith.constant 3 : i32
      %add3A_290 = arith.addi %add3A_288, %add3A_289 : i32
      %dma_start3A_291 = arith.constant 0 : i32
      %dma_start3A_292 = arith.constant 0 : i32
      %dma_start3A_293 = tpu.memref_slice %arg3[%add3A_290, %add3A, %dma_start3A_291, %dma_start3A_292] : memref<81x32x1x128xi32, #tpu.memory_space<hbm>> -> memref<1x1x1x128xi32, #tpu.memory_space<hbm>>
      %dma_start3A_294 = tpu.memref_squeeze %dma_start3A_293 : memref<1x1x1x128xi32, #tpu.memory_space<hbm>> -> memref<128xi32, #tpu.memory_space<hbm>>
      %dma_start3A_295 = arith.constant 0 : i32
      %dma_start3A_296 = tpu.memref_slice %arg3[%add3A_290, %add3A, %dma_start3A_291, %dma_start3A_295] : memref<81x32x1x128xi32, #tpu.memory_space<hbm>> -> memref<1x1x1x128xi32, #tpu.memory_space<hbm>>
      %dma_start3A_297 = tpu.memref_squeeze %dma_start3A_296 : memref<1x1x1x128xi32, #tpu.memory_space<hbm>> -> memref<128xi32, #tpu.memory_space<hbm>>
      tpu.enqueue_dma source(%dma_start3A_297 : memref<128xi32, #tpu.memory_space<hbm>>) target(%arg12 : memref<128xi32, #tpu.memory_space<vmem>>) target_semaphore(%arg22 : memref<!tpu.dma_semaphore, #tpu.memory_space<semaphore_mem>>)
      %add3A_298 = arith.constant 2 : i32
      %add3A_299 = arith.addi %mul3A_149, %add3A_298 : i32
      %add3A_300 = arith.constant 3 : i32
      %add3A_301 = arith.addi %add3A_299, %add3A_300 : i32
      %dma_wait3A_302 = arith.constant 0 : i32
      %dma_wait3A_303 = arith.constant 0 : i32
      %dma_wait3A_304 = tpu.memref_slice %arg2[%add3A_301, %add3A, %dma_wait3A_302, %dma_wait3A_303] : memref<81x32x1x128xi32, #tpu.memory_space<hbm>> -> memref<1x1x1x128xi32, #tpu.memory_space<hbm>>
      %dma_wait3A_305 = tpu.memref_squeeze %dma_wait3A_304 : memref<1x1x1x128xi32, #tpu.memory_space<hbm>> -> memref<128xi32, #tpu.memory_space<hbm>>
      %dma_wait3A_306 = arith.constant 0 : i32
      %dma_wait3A_307 = tpu.memref_slice %arg2[%add3A_301, %add3A, %dma_wait3A_302, %dma_wait3A_306] : memref<81x32x1x128xi32, #tpu.memory_space<hbm>> -> memref<1x1x1x128xi32, #tpu.memory_space<hbm>>
      %dma_wait3A_308 = tpu.memref_squeeze %dma_wait3A_307 : memref<1x1x1x128xi32, #tpu.memory_space<hbm>> -> memref<128xi32, #tpu.memory_space<hbm>>
      tpu.wait_dma2 semaphore(%arg19 : memref<!tpu.dma_semaphore, #tpu.memory_space<semaphore_mem>>) src(%dma_wait3A_308 : memref<128xi32, #tpu.memory_space<hbm>>) dst(%arg9 : memref<128xi32, #tpu.memory_space<vmem>>)
      %dma_start3A_309 = arith.constant 0 : i32
      %dma_start3A_310 = arith.constant 0 : i32
      %dma_start3A_311 = tpu.memref_slice %arg4[%dma_start3A_309, %dma_start3A_310] : memref<10112x128xf32, #tpu.memory_space<hbm>> -> memref<10112x128xf32, #tpu.memory_space<hbm>>
      tpu.enqueue_indirect_dma source(%dma_start3A_311 : memref<10112x128xf32, #tpu.memory_space<hbm>>) target(%arg15 : memref<128x128xf32, #tpu.memory_space<vmem>>) offsets(%arg9 : memref<128xi32, #tpu.memory_space<vmem>>) semaphore(%arg25 : memref<!tpu.dma_semaphore, #tpu.memory_space<semaphore_mem>>)
    }
    %scan3A_94 = arith.constant 26 : i32
    %dma_wait3A_95 = arith.constant 0 : i32
    %dma_wait3A_96 = arith.constant 0 : i32
    %dma_wait3A_97 = tpu.memref_slice %arg4[%dma_wait3A_95, %dma_wait3A_96] : memref<10112x128xf32, #tpu.memory_space<hbm>> -> memref<10112x128xf32, #tpu.memory_space<hbm>>
    tpu.wait_indirect_dma semaphore(%arg23 : memref<!tpu.dma_semaphore, #tpu.memory_space<semaphore_mem>>) src(%dma_wait3A_97 : memref<10112x128xf32, #tpu.memory_space<hbm>>) dst(%arg13 : memref<128x128xf32, #tpu.memory_space<vmem>>)
    %dma_wait3A_98 = arith.constant 78 : i32
    %dma_wait3A_99 = arith.constant 0 : i32
    %dma_wait3A_100 = arith.constant 0 : i32
    %dma_wait3A_101 = tpu.memref_slice %arg3[%dma_wait3A_98, %add3A, %dma_wait3A_99, %dma_wait3A_100] : memref<81x32x1x128xi32, #tpu.memory_space<hbm>> -> memref<1x1x1x128xi32, #tpu.memory_space<hbm>>
    %dma_wait3A_102 = tpu.memref_squeeze %dma_wait3A_101 : memref<1x1x1x128xi32, #tpu.memory_space<hbm>> -> memref<128xi32, #tpu.memory_space<hbm>>
    %dma_wait3A_103 = arith.constant 0 : i32
    %dma_wait3A_104 = tpu.memref_slice %arg3[%dma_wait3A_98, %add3A, %dma_wait3A_99, %dma_wait3A_103] : memref<81x32x1x128xi32, #tpu.memory_space<hbm>> -> memref<1x1x1x128xi32, #tpu.memory_space<hbm>>
    %dma_wait3A_105 = tpu.memref_squeeze %dma_wait3A_104 : memref<1x1x1x128xi32, #tpu.memory_space<hbm>> -> memref<128xi32, #tpu.memory_space<hbm>>
    tpu.wait_dma2 semaphore(%arg20 : memref<!tpu.dma_semaphore, #tpu.memory_space<semaphore_mem>>) src(%dma_wait3A_105 : memref<128xi32, #tpu.memory_space<hbm>>) dst(%arg10 : memref<128xi32, #tpu.memory_space<vmem>>)
    %dma_start3A_106 = arith.constant 0 : i32
    %dma_start3A_107 = arith.constant 0 : i32
    %dma_start3A_108 = tpu.memref_slice %arg16[%dma_start3A_106, %dma_start3A_107] : memref<10112x128xf32, #tpu.memory_space<vmem_shared>> -> memref<10112x128xf32, #tpu.memory_space<vmem_shared>>
    tpu.enqueue_indirect_dma source(%arg13 : memref<128x128xf32, #tpu.memory_space<vmem>>) target(%dma_start3A_108 : memref<10112x128xf32, #tpu.memory_space<vmem_shared>>) offsets(%arg10 : memref<128xi32, #tpu.memory_space<vmem>>) semaphore(%arg26 : memref<!tpu.dma_semaphore, #tpu.memory_space<semaphore_mem>>) {add = true}
    %dma_wait3A_109 = arith.constant 0 : i32
    %dma_wait3A_110 = arith.constant 0 : i32
    %dma_wait3A_111 = tpu.memref_slice %arg4[%dma_wait3A_109, %dma_wait3A_110] : memref<10112x128xf32, #tpu.memory_space<hbm>> -> memref<10112x128xf32, #tpu.memory_space<hbm>>
    tpu.wait_indirect_dma semaphore(%arg24 : memref<!tpu.dma_semaphore, #tpu.memory_space<semaphore_mem>>) src(%dma_wait3A_111 : memref<10112x128xf32, #tpu.memory_space<hbm>>) dst(%arg14 : memref<128x128xf32, #tpu.memory_space<vmem>>)
    %dma_wait3A_112 = arith.constant 79 : i32
    %dma_wait3A_113 = arith.constant 0 : i32
    %dma_wait3A_114 = arith.constant 0 : i32
    %dma_wait3A_115 = tpu.memref_slice %arg3[%dma_wait3A_112, %add3A, %dma_wait3A_113, %dma_wait3A_114] : memref<81x32x1x128xi32, #tpu.memory_space<hbm>> -> memref<1x1x1x128xi32, #tpu.memory_space<hbm>>
    %dma_wait3A_116 = tpu.memref_squeeze %dma_wait3A_115 : memref<1x1x1x128xi32, #tpu.memory_space<hbm>> -> memref<128xi32, #tpu.memory_space<hbm>>
    %dma_wait3A_117 = arith.constant 0 : i32
    %dma_wait3A_118 = tpu.memref_slice %arg3[%dma_wait3A_112, %add3A, %dma_wait3A_113, %dma_wait3A_117] : memref<81x32x1x128xi32, #tpu.memory_space<hbm>> -> memref<1x1x1x128xi32, #tpu.memory_space<hbm>>
    %dma_wait3A_119 = tpu.memref_squeeze %dma_wait3A_118 : memref<1x1x1x128xi32, #tpu.memory_space<hbm>> -> memref<128xi32, #tpu.memory_space<hbm>>
    tpu.wait_dma2 semaphore(%arg21 : memref<!tpu.dma_semaphore, #tpu.memory_space<semaphore_mem>>) src(%dma_wait3A_119 : memref<128xi32, #tpu.memory_space<hbm>>) dst(%arg11 : memref<128xi32, #tpu.memory_space<vmem>>)
    %dma_start3A_120 = arith.constant 0 : i32
    %dma_start3A_121 = arith.constant 0 : i32
    %dma_start3A_122 = tpu.memref_slice %arg16[%dma_start3A_120, %dma_start3A_121] : memref<10112x128xf32, #tpu.memory_space<vmem_shared>> -> memref<10112x128xf32, #tpu.memory_space<vmem_shared>>
    tpu.enqueue_indirect_dma source(%arg14 : memref<128x128xf32, #tpu.memory_space<vmem>>) target(%dma_start3A_122 : memref<10112x128xf32, #tpu.memory_space<vmem_shared>>) offsets(%arg11 : memref<128xi32, #tpu.memory_space<vmem>>) semaphore(%arg27 : memref<!tpu.dma_semaphore, #tpu.memory_space<semaphore_mem>>) {add = true}
    %dma_wait3A_123 = arith.constant 0 : i32
    %dma_wait3A_124 = arith.constant 0 : i32
    %dma_wait3A_125 = tpu.memref_slice %arg4[%dma_wait3A_123, %dma_wait3A_124] : memref<10112x128xf32, #tpu.memory_space<hbm>> -> memref<10112x128xf32, #tpu.memory_space<hbm>>
    tpu.wait_indirect_dma semaphore(%arg25 : memref<!tpu.dma_semaphore, #tpu.memory_space<semaphore_mem>>) src(%dma_wait3A_125 : memref<10112x128xf32, #tpu.memory_space<hbm>>) dst(%arg15 : memref<128x128xf32, #tpu.memory_space<vmem>>)
    %dma_wait3A_126 = arith.constant 80 : i32
    %dma_wait3A_127 = arith.constant 0 : i32
    %dma_wait3A_128 = arith.constant 0 : i32
    %dma_wait3A_129 = tpu.memref_slice %arg3[%dma_wait3A_126, %add3A, %dma_wait3A_127, %dma_wait3A_128] : memref<81x32x1x128xi32, #tpu.memory_space<hbm>> -> memref<1x1x1x128xi32, #tpu.memory_space<hbm>>
    %dma_wait3A_130 = tpu.memref_squeeze %dma_wait3A_129 : memref<1x1x1x128xi32, #tpu.memory_space<hbm>> -> memref<128xi32, #tpu.memory_space<hbm>>
    %dma_wait3A_131 = arith.constant 0 : i32
    %dma_wait3A_132 = tpu.memref_slice %arg3[%dma_wait3A_126, %add3A, %dma_wait3A_127, %dma_wait3A_131] : memref<81x32x1x128xi32, #tpu.memory_space<hbm>> -> memref<1x1x1x128xi32, #tpu.memory_space<hbm>>
    %dma_wait3A_133 = tpu.memref_squeeze %dma_wait3A_132 : memref<1x1x1x128xi32, #tpu.memory_space<hbm>> -> memref<128xi32, #tpu.memory_space<hbm>>
    tpu.wait_dma2 semaphore(%arg22 : memref<!tpu.dma_semaphore, #tpu.memory_space<semaphore_mem>>) src(%dma_wait3A_133 : memref<128xi32, #tpu.memory_space<hbm>>) dst(%arg12 : memref<128xi32, #tpu.memory_space<vmem>>)
    %dma_start3A_134 = arith.constant 0 : i32
    %dma_start3A_135 = arith.constant 0 : i32
    %dma_start3A_136 = tpu.memref_slice %arg16[%dma_start3A_134, %dma_start3A_135] : memref<10112x128xf32, #tpu.memory_space<vmem_shared>> -> memref<10112x128xf32, #tpu.memory_space<vmem_shared>>
    tpu.enqueue_indirect_dma source(%arg15 : memref<128x128xf32, #tpu.memory_space<vmem>>) target(%dma_start3A_136 : memref<10112x128xf32, #tpu.memory_space<vmem_shared>>) offsets(%arg12 : memref<128xi32, #tpu.memory_space<vmem>>) semaphore(%arg28 : memref<!tpu.dma_semaphore, #tpu.memory_space<semaphore_mem>>) {add = true}
    %dma_wait3A_137 = arith.constant 0 : i32
    %dma_wait3A_138 = arith.constant 0 : i32
    %dma_wait3A_139 = tpu.memref_slice %arg16[%dma_wait3A_137, %dma_wait3A_138] : memref<10112x128xf32, #tpu.memory_space<vmem_shared>> -> memref<10112x128xf32, #tpu.memory_space<vmem_shared>>
    tpu.wait_indirect_dma semaphore(%arg26 : memref<!tpu.dma_semaphore, #tpu.memory_space<semaphore_mem>>) src(%arg13 : memref<128x128xf32, #tpu.memory_space<vmem>>) dst(%dma_wait3A_139 : memref<10112x128xf32, #tpu.memory_space<vmem_shared>>)
    %dma_wait3A_140 = arith.constant 0 : i32
    %dma_wait3A_141 = arith.constant 0 : i32
    %dma_wait3A_142 = tpu.memref_slice %arg16[%dma_wait3A_140, %dma_wait3A_141] : memref<10112x128xf32, #tpu.memory_space<vmem_shared>> -> memref<10112x128xf32, #tpu.memory_space<vmem_shared>>
    tpu.wait_indirect_dma semaphore(%arg27 : memref<!tpu.dma_semaphore, #tpu.memory_space<semaphore_mem>>) src(%arg14 : memref<128x128xf32, #tpu.memory_space<vmem>>) dst(%dma_wait3A_142 : memref<10112x128xf32, #tpu.memory_space<vmem_shared>>)
    %dma_wait3A_143 = arith.constant 0 : i32
    %dma_wait3A_144 = arith.constant 0 : i32
    %dma_wait3A_145 = tpu.memref_slice %arg16[%dma_wait3A_143, %dma_wait3A_144] : memref<10112x128xf32, #tpu.memory_space<vmem_shared>> -> memref<10112x128xf32, #tpu.memory_space<vmem_shared>>
    tpu.wait_indirect_dma semaphore(%arg28 : memref<!tpu.dma_semaphore, #tpu.memory_space<semaphore_mem>>) src(%arg15 : memref<128x128xf32, #tpu.memory_space<vmem>>) dst(%dma_wait3A_145 : memref<10112x128xf32, #tpu.memory_space<vmem_shared>>)
    %barrier3A_146 = arith.constant 0 : index
    tpu.barrier barrier_id(%barrier3A_146)
    "tpu.region"() ({
      %run_scoped3A = tpu.sem_alloc : memref<!tpu.dma_semaphore, #tpu.memory_space<semaphore_mem>>
      %dma_start3A_147 = arith.constant 0 : i32
      %dma_start3A_148 = tpu.memref_slice %arg6[%arg0, %mul3A_2, %dma_start3A_147] : memref<2x10112x128xf32, #tpu.memory_space<hbm>> -> memref<1x632x128xf32, #tpu.memory_space<hbm>>
      %dma_start3A_149 = tpu.memref_squeeze %dma_start3A_148 : memref<1x632x128xf32, #tpu.memory_space<hbm>> -> memref<632x128xf32, #tpu.memory_space<hbm>>
      %dma_start3A_150 = arith.constant 0 : i32
      %dma_start3A_151 = tpu.memref_slice %arg16[%mul3A_2, %dma_start3A_150] : memref<10112x128xf32, #tpu.memory_space<vmem_shared>> -> memref<632x128xf32, #tpu.memory_space<vmem_shared>>
      tpu.enqueue_dma source(%dma_start3A_151 : memref<632x128xf32, #tpu.memory_space<vmem_shared>>) target(%dma_start3A_149 : memref<632x128xf32, #tpu.memory_space<hbm>>) target_semaphore(%run_scoped3A : memref<!tpu.dma_semaphore, #tpu.memory_space<semaphore_mem>>)
      %dma_wait3A_152 = arith.constant 0 : i32
      %dma_wait3A_153 = tpu.memref_slice %arg6[%arg0, %mul3A_2, %dma_wait3A_152] : memref<2x10112x128xf32, #tpu.memory_space<hbm>> -> memref<1x632x128xf32, #tpu.memory_space<hbm>>
      %dma_wait3A_154 = tpu.memref_squeeze %dma_wait3A_153 : memref<1x632x128xf32, #tpu.memory_space<hbm>> -> memref<632x128xf32, #tpu.memory_space<hbm>>
      %dma_wait3A_155 = arith.constant 0 : i32
      %dma_wait3A_156 = tpu.memref_slice %arg16[%mul3A_2, %dma_wait3A_155] : memref<10112x128xf32, #tpu.memory_space<vmem_shared>> -> memref<632x128xf32, #tpu.memory_space<vmem_shared>>
      tpu.wait_dma2 semaphore(%run_scoped3A : memref<!tpu.dma_semaphore, #tpu.memory_space<semaphore_mem>>) src(%dma_wait3A_156 : memref<632x128xf32, #tpu.memory_space<vmem_shared>>) dst(%dma_wait3A_154 : memref<632x128xf32, #tpu.memory_space<hbm>>)
      tpu.yield
    }) : () -> ()
    return
  }
}

module attributes {stable_mosaic.version = 14 : i64} {
  func.func @_tc1_body(%arg0: i32, %arg1: memref<632x2xf32, #tpu.memory_space<vmem>>, %arg2: memref<632x128xf32, #tpu.memory_space<vmem>>, %arg3: memref<632x128xf32, #tpu.memory_space<vmem>>) attributes {dimension_semantics = [#tpu.dimension_semantics<arbitrary>], iteration_bounds = array<i64: 16>, scalar_prefetch = 0 : i64, scratch_operands = 0 : i64, tpu.core_type = #tpu.core_type<tc>, window_params = [{transform_indices = @transform_0, window_bounds = array<i64: 632, 2>}, {transform_indices = @transform_1, window_bounds = array<i64: 632, 128>}, {transform_indices = @transform_2, window_bounds = array<i64: 632, 128>}]} {
    %get3A = arith.constant 0 : index
    %get3A_0 = arith.constant 0 : index
    %get3A_1 = vector.load %arg1[%get3A, %get3A_0] : memref<632x2xf32, #tpu.memory_space<vmem>>, vector<632x1xf32>
    %get3A_2 = vector.shape_cast %get3A_1 : vector<632x1xf32> to vector<632xf32>
    %get3A_3 = arith.constant 0 : index
    %get3A_4 = arith.constant 1 : index
    %get3A_5 = vector.load %arg1[%get3A_3, %get3A_4] : memref<632x2xf32, #tpu.memory_space<vmem>>, vector<632x1xf32>
    %get3A_6 = vector.shape_cast %get3A_5 : vector<632x1xf32> to vector<632xf32>
    %add3A = arith.addf %get3A_2, %get3A_6 : vector<632xf32>
    %add3A_7 = arith.constant 1.000000e+00 : f32
    %add3A_8 = vector.broadcast %add3A_7 : f32 to vector<632xf32>
    %add3A_9 = arith.addf %add3A, %add3A_8 : vector<632xf32>
    %rsqrt3A = math.rsqrt %add3A_9 : vector<632xf32>
    %mul3A = arith.constant 632 : i32
    %mul3A_10 = arith.muli %arg0, %mul3A : i32
    %iota3A = tpu.iota {dimensions = array<i32: 0>} : vector<632x1xi32>
    %add3A_11 = vector.broadcast %mul3A_10 : i32 to vector<632x1xi32>
    %add3A_12 = arith.addi %add3A_11, %iota3A : vector<632x1xi32>
    %lt3A = arith.constant 10000 : i32
    %lt3A_13 = vector.broadcast %lt3A : i32 to vector<632x1xi32>
    %lt3A_14 = arith.cmpi slt, %add3A_12, %lt3A_13 : vector<632x1xi32>
    %get3A_15 = arith.constant 0 : index
    %get3A_16 = arith.constant 0 : index
    %get3A_17 = vector.load %arg2[%get3A_15, %get3A_16] : memref<632x128xf32, #tpu.memory_space<vmem>>, vector<632x128xf32>
    %broadcast_in_dim3A = vector.shape_cast %rsqrt3A : vector<632xf32> to vector<632x1xf32>
    %mul3A_18 = vector.broadcast %broadcast_in_dim3A : vector<632x1xf32> to vector<632x128xf32>
    %mul3A_19 = arith.mulf %get3A_17, %mul3A_18 : vector<632x128xf32>
    %jit3A = arith.constant 0.000000e+00 : f32
    %broadcast_in_dim3A_20 = vector.shape_cast %lt3A_14 : vector<632x1xi1> to vector<632x1xi1>
    %broadcast_in_dim3A_21 = vector.broadcast %broadcast_in_dim3A_20 : vector<632x1xi1> to vector<632x128xi1>
    %broadcast_in_dim3A_22 = vector.broadcast %jit3A : f32 to vector<632x128xf32>
    %select_n3A = arith.select %broadcast_in_dim3A_21, %mul3A_19, %broadcast_in_dim3A_22 : vector<632x128xi1>, vector<632x128xf32>
    %swap3A = arith.constant 0 : index
    %swap3A_23 = arith.constant 0 : index
    %swap3A_24 = vector.load %arg3[%swap3A, %swap3A_23] : memref<632x128xf32, #tpu.memory_space<vmem>>, vector<632x128xf32>
    tpu.vector_store %arg3[%swap3A, %swap3A_23], %select_n3A {strides = array<i32>} : memref<632x128xf32, #tpu.memory_space<vmem>>, vector<632x128xf32>,
    return
  }
  func.func @transform_0(%arg0: i32) -> (i32, i32) {
    %c0_i32 = arith.constant 0 : i32
    %c0_i32_0 = arith.constant 0 : i32
    return %arg0, %c0_i32 : i32, i32
  }
  func.func @transform_1(%arg0: i32) -> (i32, i32) {
    %c0_i32 = arith.constant 0 : i32
    %c0_i32_0 = arith.constant 0 : i32
    return %arg0, %c0_i32 : i32, i32
  }
  func.func @transform_2(%arg0: i32) -> (i32, i32) {
    %c0_i32 = arith.constant 0 : i32
    %c0_i32_0 = arith.constant 0 : i32
    return %arg0, %c0_i32 : i32, i32
  }
}

module attributes {stable_mosaic.version = 14 : i64} {
  func.func @_tc2_body(%arg0: i32, %arg1: memref<632x2xf32, #tpu.memory_space<vmem>>, %arg2: memref<2x632x128xf32, #tpu.memory_space<vmem>>, %arg3: memref<632x128xf32, #tpu.memory_space<vmem>>, %arg4: memref<632x128xf32, #tpu.memory_space<vmem>>) attributes {dimension_semantics = [#tpu.dimension_semantics<arbitrary>], iteration_bounds = array<i64: 16>, scalar_prefetch = 0 : i64, scratch_operands = 0 : i64, tpu.core_type = #tpu.core_type<tc>, window_params = [{transform_indices = @transform_0, window_bounds = array<i64: 632, 2>}, {transform_indices = @transform_1, window_bounds = array<i64: 2, 632, 128>}, {transform_indices = @transform_2, window_bounds = array<i64: 632, 128>}, {transform_indices = @transform_3, window_bounds = array<i64: 632, 128>}]} {
    %get3A = arith.constant 0 : index
    %get3A_0 = arith.constant 0 : index
    %get3A_1 = vector.load %arg1[%get3A, %get3A_0] : memref<632x2xf32, #tpu.memory_space<vmem>>, vector<632x1xf32>
    %get3A_2 = vector.shape_cast %get3A_1 : vector<632x1xf32> to vector<632xf32>
    %get3A_3 = arith.constant 0 : index
    %get3A_4 = arith.constant 1 : index
    %get3A_5 = vector.load %arg1[%get3A_3, %get3A_4] : memref<632x2xf32, #tpu.memory_space<vmem>>, vector<632x1xf32>
    %get3A_6 = vector.shape_cast %get3A_5 : vector<632x1xf32> to vector<632xf32>
    %add3A = arith.addf %get3A_2, %get3A_6 : vector<632xf32>
    %add3A_7 = arith.constant 1.000000e+00 : f32
    %add3A_8 = vector.broadcast %add3A_7 : f32 to vector<632xf32>
    %add3A_9 = arith.addf %add3A, %add3A_8 : vector<632xf32>
    %div3A = arith.constant 1.000000e+00 : f32
    %div3A_10 = vector.broadcast %div3A : f32 to vector<632xf32>
    %div3A_11 = arith.divf %div3A_10, %add3A_9 : vector<632xf32>
    %mul3A = arith.constant 632 : i32
    %mul3A_12 = arith.muli %arg0, %mul3A : i32
    %iota3A = tpu.iota {dimensions = array<i32: 0>} : vector<632x1xi32>
    %add3A_13 = vector.broadcast %mul3A_12 : i32 to vector<632x1xi32>
    %add3A_14 = arith.addi %add3A_13, %iota3A : vector<632x1xi32>
    %lt3A = arith.constant 10000 : i32
    %lt3A_15 = vector.broadcast %lt3A : i32 to vector<632x1xi32>
    %lt3A_16 = arith.cmpi slt, %add3A_14, %lt3A_15 : vector<632x1xi32>
    %get3A_17 = arith.constant 0 : index
    %get3A_18 = arith.constant 0 : index
    %get3A_19 = arith.constant 0 : index
    %get3A_20 = vector.load %arg2[%get3A_17, %get3A_18, %get3A_19] : memref<2x632x128xf32, #tpu.memory_space<vmem>>, vector<1x632x128xf32>
    %get3A_21 = vector.shape_cast %get3A_20 : vector<1x632x128xf32> to vector<632x128xf32>
    %get3A_22 = arith.constant 1 : index
    %get3A_23 = arith.constant 0 : index
    %get3A_24 = arith.constant 0 : index
    %get3A_25 = vector.load %arg2[%get3A_22, %get3A_23, %get3A_24] : memref<2x632x128xf32, #tpu.memory_space<vmem>>, vector<1x632x128xf32>
    %get3A_26 = vector.shape_cast %get3A_25 : vector<1x632x128xf32> to vector<632x128xf32>
    %add3A_27 = arith.addf %get3A_21, %get3A_26 : vector<632x128xf32>
    %get3A_28 = arith.constant 0 : index
    %get3A_29 = arith.constant 0 : index
    %get3A_30 = vector.load %arg3[%get3A_28, %get3A_29] : memref<632x128xf32, #tpu.memory_space<vmem>>, vector<632x128xf32>
    %add3A_31 = arith.addf %add3A_27, %get3A_30 : vector<632x128xf32>
    %broadcast_in_dim3A = vector.shape_cast %div3A_11 : vector<632xf32> to vector<632x1xf32>
    %mul3A_32 = vector.broadcast %broadcast_in_dim3A : vector<632x1xf32> to vector<632x128xf32>
    %mul3A_33 = arith.mulf %add3A_31, %mul3A_32 : vector<632x128xf32>
    %jit3A = arith.constant 0.000000e+00 : f32
    %broadcast_in_dim3A_34 = vector.shape_cast %lt3A_16 : vector<632x1xi1> to vector<632x1xi1>
    %broadcast_in_dim3A_35 = vector.broadcast %broadcast_in_dim3A_34 : vector<632x1xi1> to vector<632x128xi1>
    %broadcast_in_dim3A_36 = vector.broadcast %jit3A : f32 to vector<632x128xf32>
    %select_n3A = arith.select %broadcast_in_dim3A_35, %mul3A_33, %broadcast_in_dim3A_36 : vector<632x128xi1>, vector<632x128xf32>
    %swap3A = arith.constant 0 : index
    %swap3A_37 = arith.constant 0 : index
    %swap3A_38 = vector.load %arg4[%swap3A, %swap3A_37] : memref<632x128xf32, #tpu.memory_space<vmem>>, vector<632x128xf32>
    tpu.vector_store %arg4[%swap3A, %swap3A_37], %select_n3A {strides = array<i32>} : memref<632x128xf32, #tpu.memory_space<vmem>>, vector<632x128xf32>,
    return
  }
  func.func @transform_0(%arg0: i32) -> (i32, i32) {
    %c0_i32 = arith.constant 0 : i32
    %c0_i32_0 = arith.constant 0 : i32
    return %arg0, %c0_i32 : i32, i32
  }
  func.func @transform_1(%arg0: i32) -> (i32, i32, i32) {
    %c0_i32 = arith.constant 0 : i32
    %c0_i32_0 = arith.constant 0 : i32
    %c0_i32_1 = arith.constant 0 : i32
    return %c0_i32, %arg0, %c0_i32_0 : i32, i32, i32
  }
  func.func @transform_2(%arg0: i32) -> (i32, i32) {
    %c0_i32 = arith.constant 0 : i32
    %c0_i32_0 = arith.constant 0 : i32
    return %arg0, %c0_i32 : i32, i32
  }
  func.func @transform_3(%arg0: i32) -> (i32, i32) {
    %c0_i32 = arith.constant 0 : i32
    %c0_i32_0 = arith.constant 0 : i32
    return %arg0, %c0_i32 : i32, i32
  }
}

module attributes {stable_mosaic.version = 14 : i64} {
  func.func @_tc3_body(%arg0: i32, %arg1: memref<632x2xf32, #tpu.memory_space<vmem>>, %arg2: memref<632x128xf32, #tpu.memory_space<vmem>>, %arg3: memref<632x128xf32, #tpu.memory_space<vmem>>, %arg4: memref<2x632x128xf32, #tpu.memory_space<vmem>>, %arg5: memref<128x64xf32, #tpu.memory_space<vmem>>, %arg6: memref<1x64xf32, #tpu.memory_space<vmem>>, %arg7: memref<128x64xf32, #tpu.memory_space<vmem>>, %arg8: memref<1x64xf32, #tpu.memory_space<vmem>>, %arg9: memref<128x64xf32, #tpu.memory_space<vmem>>, %arg10: memref<1x64xf32, #tpu.memory_space<vmem>>, %arg11: memref<192x128xf32, #tpu.memory_space<vmem>>, %arg12: memref<1x128xf32, #tpu.memory_space<vmem>>, %arg13: memref<632x128xf32, #tpu.memory_space<vmem>>) attributes {dimension_semantics = [#tpu.dimension_semantics<arbitrary>], iteration_bounds = array<i64: 16>, scalar_prefetch = 0 : i64, scratch_operands = 0 : i64, tpu.core_type = #tpu.core_type<tc>, window_params = [{transform_indices = @transform_0, window_bounds = array<i64: 632, 2>}, {transform_indices = @transform_1, window_bounds = array<i64: 632, 128>}, {transform_indices = @transform_2, window_bounds = array<i64: 632, 128>}, {transform_indices = @transform_3, window_bounds = array<i64: 2, 632, 128>}, {pipeline_mode = #tpu.pipeline_mode<synchronous>, transform_indices = @transform_4, window_bounds = array<i64: 128, 64>}, {pipeline_mode = #tpu.pipeline_mode<synchronous>, transform_indices = @transform_5, window_bounds = array<i64: 1, 64>}, {pipeline_mode = #tpu.pipeline_mode<synchronous>, transform_indices = @transform_6, window_bounds = array<i64: 128, 64>}, {pipeline_mode = #tpu.pipeline_mode<synchronous>, transform_indices = @transform_7, window_bounds = array<i64: 1, 64>}, {pipeline_mode = #tpu.pipeline_mode<synchronous>, transform_indices = @transform_8, window_bounds = array<i64: 128, 64>}, {pipeline_mode = #tpu.pipeline_mode<synchronous>, transform_indices = @transform_9, window_bounds = array<i64: 1, 64>}, {pipeline_mode = #tpu.pipeline_mode<synchronous>, transform_indices = @transform_10, window_bounds = array<i64: 192, 128>}, {pipeline_mode = #tpu.pipeline_mode<synchronous>, transform_indices = @transform_11, window_bounds = array<i64: 1, 128>}, {transform_indices = @transform_12, window_bounds = array<i64: 632, 128>}]} {
    %get3A = arith.constant 0 : index
    %get3A_0 = arith.constant 0 : index
    %get3A_1 = vector.load %arg1[%get3A, %get3A_0] : memref<632x2xf32, #tpu.memory_space<vmem>>, vector<632x1xf32>
    %get3A_2 = vector.shape_cast %get3A_1 : vector<632x1xf32> to vector<632xf32>
    %get3A_3 = arith.constant 0 : index
    %get3A_4 = arith.constant 1 : index
    %get3A_5 = vector.load %arg1[%get3A_3, %get3A_4] : memref<632x2xf32, #tpu.memory_space<vmem>>, vector<632x1xf32>
    %get3A_6 = vector.shape_cast %get3A_5 : vector<632x1xf32> to vector<632xf32>
    %add3A = arith.addf %get3A_2, %get3A_6 : vector<632xf32>
    %add3A_7 = arith.constant 1.000000e+00 : f32
    %add3A_8 = vector.broadcast %add3A_7 : f32 to vector<632xf32>
    %add3A_9 = arith.addf %add3A, %add3A_8 : vector<632xf32>
    %rsqrt3A = math.rsqrt %add3A_9 : vector<632xf32>
    %sqrt3A = math.sqrt %add3A_9 : vector<632xf32>
    %get3A_10 = arith.constant 0 : index
    %get3A_11 = arith.constant 0 : index
    %get3A_12 = vector.load %arg3[%get3A_10, %get3A_11] : memref<632x128xf32, #tpu.memory_space<vmem>>, vector<632x128xf32>
    %broadcast_in_dim3A = vector.shape_cast %sqrt3A : vector<632xf32> to vector<632x1xf32>
    %mul3A = vector.broadcast %broadcast_in_dim3A : vector<632x1xf32> to vector<632x128xf32>
    %mul3A_13 = arith.mulf %get3A_12, %mul3A : vector<632x128xf32>
    %get3A_14 = arith.constant 0 : index
    %get3A_15 = arith.constant 0 : index
    %get3A_16 = arith.constant 0 : index
    %get3A_17 = vector.load %arg4[%get3A_14, %get3A_15, %get3A_16] : memref<2x632x128xf32, #tpu.memory_space<vmem>>, vector<1x632x128xf32>
    %get3A_18 = vector.shape_cast %get3A_17 : vector<1x632x128xf32> to vector<632x128xf32>
    %get3A_19 = arith.constant 1 : index
    %get3A_20 = arith.constant 0 : index
    %get3A_21 = arith.constant 0 : index
    %get3A_22 = vector.load %arg4[%get3A_19, %get3A_20, %get3A_21] : memref<2x632x128xf32, #tpu.memory_space<vmem>>, vector<1x632x128xf32>
    %get3A_23 = vector.shape_cast %get3A_22 : vector<1x632x128xf32> to vector<632x128xf32>
    %add3A_24 = arith.addf %get3A_18, %get3A_23 : vector<632x128xf32>
    %add3A_25 = arith.addf %add3A_24, %get3A_12 : vector<632x128xf32>
    %broadcast_in_dim3A_26 = vector.shape_cast %rsqrt3A : vector<632xf32> to vector<632x1xf32>
    %mul3A_27 = vector.broadcast %broadcast_in_dim3A_26 : vector<632x1xf32> to vector<632x128xf32>
    %mul3A_28 = arith.mulf %add3A_25, %mul3A_27 : vector<632x128xf32>
    %get3A_29 = arith.constant 0 : index
    %get3A_30 = arith.constant 0 : index
    %get3A_31 = vector.load %arg2[%get3A_29, %get3A_30] : memref<632x128xf32, #tpu.memory_space<vmem>>, vector<632x128xf32>
    %get3A_32 = arith.constant 0 : index
    %get3A_33 = arith.constant 0 : index
    %get3A_34 = vector.load %arg5[%get3A_32, %get3A_33] : memref<128x64xf32, #tpu.memory_space<vmem>>, vector<128x64xf32>
    %dot_general3A = arith.constant dense<0.000000e+00> : vector<632x64xf32>
    %dot_general3A_35 = tpu.matmul %get3A_31, %get3A_34, %dot_general3A {dimension_numbers = #tpu.dot_dimension_numbers<[1], [0], [0], [1], [0, 0, 1, 1], [], []>, transpose_lhs_hint = false} : vector<632x128xf32>, vector<128x64xf32>, vector<632x64xf32> -> vector<632x64xf32>
    %get3A_36 = arith.constant 0 : index
    %get3A_37 = arith.constant 0 : index
    %get3A_38 = vector.load %arg6[%get3A_36, %get3A_37] : memref<1x64xf32, #tpu.memory_space<vmem>>, vector<1x64xf32>
    %add3A_39 = vector.broadcast %get3A_38 : vector<1x64xf32> to vector<632x64xf32>
    %add3A_40 = arith.addf %dot_general3A_35, %add3A_39 : vector<632x64xf32>
    %max3A = arith.constant 0.000000e+00 : f32
    %max3A_41 = vector.broadcast %max3A : f32 to vector<632x64xf32>
    %max3A_42 = arith.maximumf %add3A_40, %max3A_41 : vector<632x64xf32>
    %get3A_43 = arith.constant 0 : index
    %get3A_44 = arith.constant 0 : index
    %get3A_45 = vector.load %arg7[%get3A_43, %get3A_44] : memref<128x64xf32, #tpu.memory_space<vmem>>, vector<128x64xf32>
    %dot_general3A_46 = arith.constant dense<0.000000e+00> : vector<632x64xf32>
    %dot_general3A_47 = tpu.matmul %mul3A_13, %get3A_45, %dot_general3A_46 {dimension_numbers = #tpu.dot_dimension_numbers<[1], [0], [0], [1], [0, 0, 1, 1], [], []>, transpose_lhs_hint = false} : vector<632x128xf32>, vector<128x64xf32>, vector<632x64xf32> -> vector<632x64xf32>
    %get3A_48 = arith.constant 0 : index
    %get3A_49 = arith.constant 0 : index
    %get3A_50 = vector.load %arg8[%get3A_48, %get3A_49] : memref<1x64xf32, #tpu.memory_space<vmem>>, vector<1x64xf32>
    %add3A_51 = vector.broadcast %get3A_50 : vector<1x64xf32> to vector<632x64xf32>
    %add3A_52 = arith.addf %dot_general3A_47, %add3A_51 : vector<632x64xf32>
    %max3A_53 = arith.constant 0.000000e+00 : f32
    %max3A_54 = vector.broadcast %max3A_53 : f32 to vector<632x64xf32>
    %max3A_55 = arith.maximumf %add3A_52, %max3A_54 : vector<632x64xf32>
    %get3A_56 = arith.constant 0 : index
    %get3A_57 = arith.constant 0 : index
    %get3A_58 = vector.load %arg9[%get3A_56, %get3A_57] : memref<128x64xf32, #tpu.memory_space<vmem>>, vector<128x64xf32>
    %dot_general3A_59 = arith.constant dense<0.000000e+00> : vector<632x64xf32>
    %dot_general3A_60 = tpu.matmul %mul3A_28, %get3A_58, %dot_general3A_59 {dimension_numbers = #tpu.dot_dimension_numbers<[1], [0], [0], [1], [0, 0, 1, 1], [], []>, transpose_lhs_hint = false} : vector<632x128xf32>, vector<128x64xf32>, vector<632x64xf32> -> vector<632x64xf32>
    %get3A_61 = arith.constant 0 : index
    %get3A_62 = arith.constant 0 : index
    %get3A_63 = vector.load %arg10[%get3A_61, %get3A_62] : memref<1x64xf32, #tpu.memory_space<vmem>>, vector<1x64xf32>
    %add3A_64 = vector.broadcast %get3A_63 : vector<1x64xf32> to vector<632x64xf32>
    %add3A_65 = arith.addf %dot_general3A_60, %add3A_64 : vector<632x64xf32>
    %max3A_66 = arith.constant 0.000000e+00 : f32
    %max3A_67 = vector.broadcast %max3A_66 : f32 to vector<632x64xf32>
    %max3A_68 = arith.maximumf %add3A_65, %max3A_67 : vector<632x64xf32>
    %get3A_69 = arith.constant 0 : index
    %get3A_70 = arith.constant 0 : index
    %get3A_71 = vector.load %arg11[%get3A_69, %get3A_70] : memref<192x128xf32, #tpu.memory_space<vmem>>, vector<192x128xf32>
    %slice3A = vector.extract_strided_slice %get3A_71 {offsets = [0, 0], sizes = [64, 128], strides = [1, 1]} : vector<192x128xf32> to vector<64x128xf32>
    %dot_general3A_72 = arith.constant dense<0.000000e+00> : vector<632x128xf32>
    %dot_general3A_73 = tpu.matmul %max3A_42, %slice3A, %dot_general3A_72 {dimension_numbers = #tpu.dot_dimension_numbers<[1], [0], [0], [1], [0, 0, 1, 1], [], []>, transpose_lhs_hint = false} : vector<632x64xf32>, vector<64x128xf32>, vector<632x128xf32> -> vector<632x128xf32>
    %slice3A_74 = vector.extract_strided_slice %get3A_71 {offsets = [64, 0], sizes = [64, 128], strides = [1, 1]} : vector<192x128xf32> to vector<64x128xf32>
    %dot_general3A_75 = arith.constant dense<0.000000e+00> : vector<632x128xf32>
    %dot_general3A_76 = tpu.matmul %max3A_55, %slice3A_74, %dot_general3A_75 {dimension_numbers = #tpu.dot_dimension_numbers<[1], [0], [0], [1], [0, 0, 1, 1], [], []>, transpose_lhs_hint = false} : vector<632x64xf32>, vector<64x128xf32>, vector<632x128xf32> -> vector<632x128xf32>
    %add3A_77 = arith.addf %dot_general3A_73, %dot_general3A_76 : vector<632x128xf32>
    %slice3A_78 = vector.extract_strided_slice %get3A_71 {offsets = [128, 0], sizes = [64, 128], strides = [1, 1]} : vector<192x128xf32> to vector<64x128xf32>
    %dot_general3A_79 = arith.constant dense<0.000000e+00> : vector<632x128xf32>
    %dot_general3A_80 = tpu.matmul %max3A_68, %slice3A_78, %dot_general3A_79 {dimension_numbers = #tpu.dot_dimension_numbers<[1], [0], [0], [1], [0, 0, 1, 1], [], []>, transpose_lhs_hint = false} : vector<632x64xf32>, vector<64x128xf32>, vector<632x128xf32> -> vector<632x128xf32>
    %add3A_81 = arith.addf %add3A_77, %dot_general3A_80 : vector<632x128xf32>
    %get3A_82 = arith.constant 0 : index
    %get3A_83 = arith.constant 0 : index
    %get3A_84 = vector.load %arg12[%get3A_82, %get3A_83] : memref<1x128xf32, #tpu.memory_space<vmem>>, vector<1x128xf32>
    %add3A_85 = vector.broadcast %get3A_84 : vector<1x128xf32> to vector<632x128xf32>
    %add3A_86 = arith.addf %add3A_81, %add3A_85 : vector<632x128xf32>
    %swap3A = arith.constant 0 : index
    %swap3A_87 = arith.constant 0 : index
    %swap3A_88 = vector.load %arg13[%swap3A, %swap3A_87] : memref<632x128xf32, #tpu.memory_space<vmem>>, vector<632x128xf32>
    tpu.vector_store %arg13[%swap3A, %swap3A_87], %add3A_86 {strides = array<i32>} : memref<632x128xf32, #tpu.memory_space<vmem>>, vector<632x128xf32>,
    return
  }
  func.func @transform_0(%arg0: i32) -> (i32, i32) {
    %c0_i32 = arith.constant 0 : i32
    %c0_i32_0 = arith.constant 0 : i32
    return %arg0, %c0_i32 : i32, i32
  }
  func.func @transform_1(%arg0: i32) -> (i32, i32) {
    %c0_i32 = arith.constant 0 : i32
    %c0_i32_0 = arith.constant 0 : i32
    return %arg0, %c0_i32 : i32, i32
  }
  func.func @transform_2(%arg0: i32) -> (i32, i32) {
    %c0_i32 = arith.constant 0 : i32
    %c0_i32_0 = arith.constant 0 : i32
    return %arg0, %c0_i32 : i32, i32
  }
  func.func @transform_3(%arg0: i32) -> (i32, i32, i32) {
    %c0_i32 = arith.constant 0 : i32
    %c0_i32_0 = arith.constant 0 : i32
    %c0_i32_1 = arith.constant 0 : i32
    return %c0_i32, %arg0, %c0_i32_0 : i32, i32, i32
  }
  func.func @transform_4(%arg0: i32) -> (i32, i32) {
    %c0_i32 = arith.constant 0 : i32
    %c0_i32_0 = arith.constant 0 : i32
    %c0_i32_1 = arith.constant 0 : i32
    return %c0_i32, %c0_i32_0 : i32, i32
  }
  func.func @transform_5(%arg0: i32) -> (i32, i32) {
    %c0_i32 = arith.constant 0 : i32
    %c0_i32_0 = arith.constant 0 : i32
    %c0_i32_1 = arith.constant 0 : i32
    return %c0_i32, %c0_i32_0 : i32, i32
  }
  func.func @transform_6(%arg0: i32) -> (i32, i32) {
    %c0_i32 = arith.constant 0 : i32
    %c0_i32_0 = arith.constant 0 : i32
    %c0_i32_1 = arith.constant 0 : i32
    return %c0_i32, %c0_i32_0 : i32, i32
  }
  func.func @transform_7(%arg0: i32) -> (i32, i32) {
    %c0_i32 = arith.constant 0 : i32
    %c0_i32_0 = arith.constant 0 : i32
    %c0_i32_1 = arith.constant 0 : i32
    return %c0_i32, %c0_i32_0 : i32, i32
  }
  func.func @transform_8(%arg0: i32) -> (i32, i32) {
    %c0_i32 = arith.constant 0 : i32
    %c0_i32_0 = arith.constant 0 : i32
    %c0_i32_1 = arith.constant 0 : i32
    return %c0_i32, %c0_i32_0 : i32, i32
  }
  func.func @transform_9(%arg0: i32) -> (i32, i32) {
    %c0_i32 = arith.constant 0 : i32
    %c0_i32_0 = arith.constant 0 : i32
    %c0_i32_1 = arith.constant 0 : i32
    return %c0_i32, %c0_i32_0 : i32, i32
  }
  func.func @transform_10(%arg0: i32) -> (i32, i32) {
    %c0_i32 = arith.constant 0 : i32
    %c0_i32_0 = arith.constant 0 : i32
    %c0_i32_1 = arith.constant 0 : i32
    return %c0_i32, %c0_i32_0 : i32, i32
  }
  func.func @transform_11(%arg0: i32) -> (i32, i32) {
    %c0_i32 = arith.constant 0 : i32
    %c0_i32_0 = arith.constant 0 : i32
    %c0_i32_1 = arith.constant 0 : i32
    return %c0_i32, %c0_i32_0 : i32, i32
  }
  func.func @transform_12(%arg0: i32) -> (i32, i32) {
    %c0_i32 = arith.constant 0 : i32
    %c0_i32_0 = arith.constant 0 : i32
    return %arg0, %c0_i32 : i32, i32
  }
}

</mosaic_0001>

<sc_bundles>
// kernel: kernel.11.cloned.1.call-start
scs
__scs_entry_jumppad:
0x0: {  	(pc) =	sbr.rel $0x88, $3  }
0x1: {  	(tag) =	ssettag $0x0;
	lr =	simm.s32 $0x1  }
0x2: {  	[smem:$0x3F97] =	sst lr;
	_ =	strace $0xD0000000  }
0x3: {  	_ = 	snop  }
0x4: {  	_ = 	snop  }
0x5: {  	_ = 	snop  }
0x6: {  	_ = 	snop  }
0x7: {  	_ = 	snop  }
__scs_overlays_trampoline_lowered:
0x8: {  	[smem:$0x3FA6] =	sst s0  }
0x9: {  	[smem:$0x3FA7] =	sst s1  }
0xa: {  	[smem:$0x3FA8] =	sst s2  }
0xb: {  	[smem:$0x3FA9] =	sst s3  }
0xc: {  	[smem:$0x3FAA] =	sst s4  }
0xd: {  	[smem:$0x3FAB] =	sst s5  }
0xe: {  	[smem:$0x3FAC] =	sst s6  }
0xf: {  	[smem:$0x3FAD] =	sst s7  }
0x10: {  	[smem:$0x3FAE] =	sst s8  }
0x11: {  	[smem:$0x3FAF] =	sst s9;
	s0 =	simm.s32 @!p0 $0x0  }
0x12: {  	s1 =	sld [smem:$0x3F95];
	s0 =	simm.s32 @p0 $0x1  }
0x13: {  	[smem:$0x3FB0] =	sst s0;
	s0 =	simm.s32 @!p1 $0x0  }
0x14: {  	s2 =	sld [smem:$0x3F94];
	s0 =	simm.s32 @p1 $0x1  }
0x15: {  	[smem:$0x3FB1] =	sst s0;
	s0 =	simm.s32 @!p2 $0x0  }
0x16: {  	s3 =	sld [smem:$0x3FDB];
	s0 =	simm.s32 @p2 $0x1  }
0x17: {  	s4 =	simm.s32 $0x1BF5;
	[smem:$0x3FB3] =	sst s0  }
0x18: {  	s0 =	sld [smem:$0x3F96];
	_ =	swait.ge [sflag:s4], $0x0  }
0x19: {  	s7 =	sld [smem:$0x3F97]  }
0x1a: {  	s8 =	sadd.s32 $0xFFFFE003, lr  }
0x1b: {  	s9 =	sadd.s32 $0xFFFFFEF7, lr;
	s5 =	simm.s32 $0xFFFFFFFF;
	p2 =	slt.u32 s8, $0xFFFFF086  }
0x1c: {  	p1 =	slt.u32 s9, $0xF7A;
	s5 =	simm.s32 @!p2 $0x0  }
0x1d: {  	s5 =	simm.s32 @p1 $0x1;
	p0 =	seq.s32 s7, s2  }
0x1e: {  	s7 =	smul.u32 @!p0 $0xF7A, s2;
	p2 =	seq.s32 @!p0 s5, $0x0  }
0x1f: {  	s9 =	smul.u32 $0xF7A, s1;
	s8 =	simm.s32 @!p0 $0x1BF5;
	p2 =	por !p2, p0  }
0x20: {  	[sflag:s8] =	ssyncset.s32 @!p0 $0xFFFFF086;
	s6 =	sadd.s32 @!p0 s3, s7;
	s7 =	simm.s32 @!p0 $0x108  }
0x21: {  	s3 =	sadd.s32 s3, s9;
	s6 =	sadd.s32 @!p0 $0x88, s6;
	s7 =	simm.s32 @p2 $0x1082  }
0x22: {  	[simem:s7], [sflag:s8] =	dma.local @!p0 [hbm:s6], $0xF7A  }
0x23: {  	s9 =	sor.u32 $0xD0000000, s2;
	s6 =	simm.s32 $0x108;
	_ =	swait.ge @!p0 [sflag:s8], $0x0  }
0x24: {  	s3 =	sadd.s32 $0x88, s3;
	s6 =	simm.s32 @!p1 $0x1082;
	[sflag:s4] =	ssyncset.s32 $0xFFFFF086  }
0x25: {  	[simem:s6], [sflag:s4] =	dma.local [hbm:s3], $0xF7A  }
0x26: {  	[smem:$0x3F97] =	sst s1;
	(tag) =	ssettag s2;
	_ =	strace s9  }
0x27: {  	s1 =	sld [smem:$0x3FA7]  }
0x28: {  	s2 =	sld [smem:$0x3FA8]  }
0x29: {  	s4 =	sld [smem:$0x3FAA]  }
0x2a: {  	p0 =	seq.s32 s5, $0x0;
	s5 =	sld [smem:$0x3FAB]  }
0x2b: {  	s6 =	sld [smem:$0x3FAC]  }
0x2c: {  	s7 =	sld [smem:$0x3FAD]  }
0x2d: {  	s3 =	simm.s32 $0x108;
	s8 =	sld [smem:$0x3FAE]  }
0x2e: {  	s3 =	simm.s32 @!p0 $0x1082;
	s9 =	sld [smem:$0x3FAF]  }
0x2f: {  	lr =	sadd.s32 s0, s3;
	s0 =	sld [smem:$0x3FA6]  }
0x30: {  	s3 =	sld [smem:$0x3FA9]  }
0x31: {  	[smem:$0x3FB2] =	sst s10  }
0x32: {  	s10 =	sld [smem:$0x3FB0];
	_ =	sdelay $0x3  }
0x33: {  	p0 =	seq.s32 s10, $0x1;
	s10 =	sld [smem:$0x3FB2];
	_ =	sdelay $0x3  }
0x34: {  	[smem:$0x3FB2] =	sst s10  }
0x35: {  	s10 =	sld [smem:$0x3FB1];
	_ =	sdelay $0x3  }
0x36: {  	p1 =	seq.s32 s10, $0x1;
	s10 =	sld [smem:$0x3FB2];
	_ =	sdelay $0x3  }
0x37: {  	[smem:$0x3FB2] =	sst s10  }
0x38: {  	s10 =	sld [smem:$0x3FB3]  }
0x39: {  	_ = 	snop;
	(pc) =	sbr.ind lr, $3  }
0x3a: {  	_ = 	snop  }
0x3b: {  	_ = 	snop  }
0x3c: {  	p2 =	seq.s32 s10, $0x1;
	s10 =	sld [smem:$0x3FB2]  }
0x3d: {  	_ =	shalt  }
0x3e: {  	_ =	shalt  }
0x3f: {  	_ =	shalt  }
0x40: {  	_ =	shalt  }
0x41: {  	_ =	shalt  }
0x42: {  	_ =	shalt  }
0x43: {  	_ =	shalt  }
0x44: {  	_ =	shalt  }
0x45: {  	_ =	shalt  }
0x46: {  	_ =	shalt  }
0x47: {  	_ =	shalt  }
0x48: {  	_ =	shalt  }
0x49: {  	_ =	shalt  }
0x4a: {  	_ =	shalt  }
0x4b: {  	_ =	shalt  }
0x4c: {  	_ =	shalt  }
0x4d: {  	_ =	shalt  }
0x4e: {  	_ =	shalt  }
0x4f: {  	_ =	shalt  }
0x50: {  	_ =	shalt  }
0x51: {  	_ =	shalt  }
0x52: {  	_ =	shalt  }
0x53: {  	_ =	shalt  }
0x54: {  	_ =	shalt  }
0x55: {  	_ =	shalt  }
0x56: {  	_ =	shalt  }
0x57: {  	_ =	shalt  }
0x58: {  	_ =	shalt  }
0x59: {  	_ =	shalt  }
0x5a: {  	_ =	shalt  }
0x5b: {  	_ =	shalt  }
0x5c: {  	_ =	shalt  }
0x5d: {  	_ =	shalt  }
0x5e: {  	_ =	shalt  }
0x5f: {  	_ =	shalt  }
0x60: {  	_ =	shalt  }
0x61: {  	_ =	shalt  }
0x62: {  	_ =	shalt  }
0x63: {  	_ =	shalt  }
0x64: {  	_ =	shalt  }
0x65: {  	_ =	shalt  }
0x66: {  	_ =	shalt  }
0x67: {  	_ =	shalt  }
0x68: {  	_ =	shalt  }
0x69: {  	_ =	shalt  }
0x6a: {  	_ =	shalt  }
0x6b: {  	_ =	shalt  }
0x6c: {  	_ =	shalt  }
0x6d: {  	_ =	shalt  }
0x6e: {  	_ =	shalt  }
0x6f: {  	_ =	shalt  }
0x70: {  	_ =	shalt  }
0x71: {  	_ =	shalt  }
0x72: {  	_ =	shalt  }
0x73: {  	_ =	shalt  }
0x74: {  	_ =	shalt  }
0x75: {  	_ =	shalt  }
0x76: {  	_ =	shalt  }
0x77: {  	_ =	shalt  }
0x78: {  	_ =	shalt  }
0x79: {  	_ =	shalt  }
0x7a: {  	_ =	shalt  }
0x7b: {  	_ =	shalt  }
0x7c: {  	_ =	shalt  }
0x7d: {  	_ =	shalt  }
0x7e: {  	_ =	shalt  }
0x7f: {  	_ =	shalt  }
0x80: {  	_ =	shalt  }
0x81: {  	_ =	shalt  }
0x82: {  	_ =	shalt  }
0x83: {  	_ =	shalt  }
0x84: {  	_ =	shalt  }
0x85: {  	_ =	shalt  }
0x86: {  	_ =	shalt  }
0x87: {  	_ =	shalt  }
.Lfunc_end0:
.L_simem_size_0:
called_computation.1_lowered:
.L_overlay_start_0:
0x88: {  	s2 =	sld [smem:$0x3FD9]  }
0x89: {  	s3 =	sld [smem:$0x3FFE];
	_ =	sdelay $0x1  }
0x8a: {  	s1 =	srdreg.scid  }
0x8b: {  	s0 =	sand.u32 $0x1, s1  }
0x8c: {  	s17 =	sshll.u32 s0, $0xA;
	s2 =	sadd.s32 s3, s2  }
0x8d: {  	s2 =	sadd.s32 s2, s17  }
0x8e: {  	[smem:$0x3FBE] =	sst s2  }
0x8f: {  	_ = 	snop  }
0x90: {  	s2 =	sld [smem:$0x3FD0];
	(tm) =	ssettm $0x1  }
0x91: {  	s18 =	sld [smem:$0x3FFB];
	_ =	sdelay $0x3  }
0x92: {  	_ =	strace s18  }
0x93: {  	s3 =	sld [smem:$0x3FFC];
	_ =	sdelay $0x3  }
0x94: {  	_ =	strace s3  }
0x95: {  	s3 =	sld [smem:$0x3FFD];
	_ =	sdelay $0x3  }
0x96: {  	_ =	strace s3  }
0x97: {  	_ =	strace $0x8FFFFFFF  }
0x98: {  	s19 =	sld [smem:$0x3FDB];
	_ =	sdelay $0x1  }
0x99: {  	s4 =	simm.s32 $_scs_section_size  }
0x9a: {  	s5 =	simm.s32 $_size__tile_overlayer_lowered;
	s6 =	simm.s32 $_tile_overlayer_lowered  }
0x9b: {  	s22 =	simm.s32 $0x1BFF;
	s21 =	sshll.u32 s6, $0x1;
	s3 =	sadd.s32 s4, s19  }
0x9c: {  	s7 =	simm.s32 $0x0;
	s20 =	sshll.u32 s5, $0x1;
	s5 =	sadd.s32 s21, s3  }
0x9d: {  	[timem:s7], [sflag:s22] =	dma.local [hbm:s5], s20  }
0x9e: {  	_ =	swait.ge [sflag:s22], s20  }
0x9f: {  	s4 =	ssub.s32 $0x0, s20;
	[sflag:s22] =	ssyncset.done $0x0  }
0xa0: {  	[sflag:s22] =	ssyncadd.s32 s4;
	_ =	sdelay $0x1  }
0xa1: {  	s23 =	simm.s32 $0x1B8B  }
0xa2: {  	_ =	swait.ge [sflag:s23], $0x1  }
0xa3: {  	[sflag:s23] =	ssyncset.done $0x0  }
0xa4: {  	s25 =	simm.s32 $0x1B8E;
	s24 =	sld [smem:$0x3FFE];
	[sflag:s23] =	ssyncadd.s32 $0xFFFFFFFF  }
0xa5: {  	s26 =	simm.s32 $execute0_lowered;
	[smem:$0x3FD2] =	sst s25  }
0xa6: {  	s5 =	sshll.u32 s26, $0x1;
	_ =	strace $0x80000049;
	[dreg:$0x1] =	wrdreg $0xFFFFFFFF  }
0xa7: {  	s28 =	simm.s32 $_size_execute0_lowered;
	s3 =	sadd.s32 s3, s5;
	[dreg:$0x0] =	wrdreg $0x0  }
0xa8: {  	s5 =	sshll.u32 s28, $0x1;
	[dreg:$0x2] =	wrdreg s3  }
0xa9: {  	[dreg:$0x3] =	wrdreg s5  }
0xaa: {  	[dreg:$0x4] =	wrdreg $0xC0  }
0xab: {  	_ =	task [dreg:s7], $0x5FFFF  }
0xac: {  	[dreg:$0x1] =	wrdreg $0xFFFFFFFF  }
0xad: {  	[dreg:$0x0] =	wrdreg $0x60  }
0xae: {  	[dreg:$0x2] =	wrdreg s2  }
0xaf: {  	[dreg:$0x3] =	wrdreg s24  }
0xb0: {  	[dreg:$0x4] =	wrdreg $0xC3000  }
0xb1: {  	[dreg:$0x5] =	wrdreg $0x9  }
0xb2: {  	_ =	task.clear_ibuf [dreg:s7], $0x6FFFF;
	_ =	strace $0x90000049  }
0xb3: {  	s29 =	simm.s32 $0x9;
	_ =	strace $0x8000004B  }
0xb4: {  	_ =	swait.ge [sflag:s29], $0x1  }
0xb5: {  	[sflag:s29] =	ssyncadd.s32 $0xFFFFFFFF  }
0xb6: {  	_ =	strace $0x9000004B  }
0xb7: {  	_ =	sfence  }
0xb8: {  	s30 =	sld [smem:$0x0];
	_ =	sdelay $0x2  }
0xb9: {  	s31 =	sshll.u32 s1, $0xD;
	s1 =	sshrl.u32 s1, $0x2  }
0xba: {  	s3 =	sand.u32 $0x4000, s31;
	s1 =	sadd.s32 s1, s30  }
0xbb: {  	s0 =	sor.u32 s3, s0;
	s1 =	sshll.u32 s1, $0x11  }
0xbc: {  	s0 =	sor.u32 s1, s0  }
0xbd: {  	s0 =	sadd.s32 $0x8F2B, s0  }
0xbe: {  	[sflag:s0] =	ssyncadd.remote.s32 $0x1  }
0xbf: {  	_ =	sfence.sel $0xFFFF  }
0xc0: {  	[dreg:$0x0] =	wrdreg $0xFFFFFFFF;
	(pc) =	sbr.abs _section_cstart, $3  }
0xc1: {  	[dreg:$0x1] =	wrdreg $0xFFFFFFFF  }
0xc2: {  	_ =	task.clear_ibuf [dreg:s7], $0x2FFFF;
	_ =	strace $0x9FFFFFFF  }
0xc3: {  	(tm) =	ssettm $0x7FFFFFFF  }
tec
execute0_lowered:
.L_overlay_start_1:
0x0: {  	(tag) =	ssettag $0x1  }
0x1: {  	s2 =	rddreg [dreg:$0x0]  }
0x2: {  	s0 =	rddreg [dreg:$0x1]  }
0x3: {  	s3 =	rddreg [dreg:$0x2];
	s12 =	stileid.u32  }
0x4: {  	s1 =	srdreg.scid;
	s4 =	simm.s32 $0x0;
	s28 =	simm.s32 $0x2  }
0x5: {  	s29 =	simm.s32 $0x4300;
	s30 =	simm.s32 $0x3;
	s31 =	simm.s32 $0x8300  }
0x6: {  	s6 =	smul.u32 $0x13C00, s12;
	s1 =	sand.u32 $0x1, s1;
	[smem:$0x7FF] =	sst s4  }
0x7: {  	s5 =	sadd.s32 $0xD800, s0;
	s9 =	smul.u32 $0x4F000, s12;
	s11 =	sshll.u32 s12, $0x7  }
0x8: {  	s7 =	smul.u32 $0x13C000, s1;
	_ =	strace $0x8000004A;
	s26 =	ssub.s32 $0x2, s1  }
0x9: {  	s1 =	sshll.u32 s1, $0xB;
	s8 =	sshrl.u32 s6, $0x3;
	s10 =	sshrl.u32 s26, $0x1  }
0xa: {  	s9 =	sshrl.u32 s9, $0x2;
	s1 =	sor.u32 s11, s1;
	s11 =	sshll.u32 s12, $0x6  }
0xb: {  	s7 =	sadd.s32 s6, s7;
	s6 =	sadd.s32 $0x17A00, s0;
	s8 =	sadd.s32 s8, s0  }
0xc: {  	s9 =	sadd.s32 s9, s3;
	s12 =	sshrl.u32 s1, $0x3;
	[dreg:$0x9] =	wrdreg s11  }
0xd: {  	s13 =	sor.u32 $0x1C0D, s11;
	s17 =	sor.u32 $0x5000, s1;
	s20 =	sor.u32 $0x4000, s1  }
0xe: {  	s11 =	simm.s32 $0x9;
	s7 =	sshrl.u32 s7, $0x3;
	[dreg:$0x8] =	wrdreg s9  }
0xf: {  	s8 =	sadd.s32 $0x3F200, s8;
	[dreg:$0xb] =	wrdreg s13;
	s14 =	sadd.s32 s2, s12  }
0x10: {  	s15 =	sadd.s32 s5, s12;
	s16 =	sor.u32 $0x200, s12;
	s19 =	sshrl.u32 s17, $0x3  }
0x11: {  	s9 =	sor.u32 $0x400, s12;
	s21 =	sshrl.u32 s20, $0x3;
	[dreg:$0xa] =	wrdreg s8  }
0x12: {  	s20 =	simm.s32 $0x180;
	s12 =	simm.s32 $0x6;
	[dreg:$0xc] =	wrdreg s14  }
0x13: {  	s13 =	simm.s32 $0xA;
	[dreg:$0xd] =	wrdreg s15;
	s18 =	sadd.s32 s2, s16  }
0x14: {  	s0 =	sadd.s32 s7, s0;
	s8 =	sadd.s32 s5, s16;
	[dreg:$0xe] =	wrdreg s18  }
0x15: {  	s7 =	ssub.s32 s26, s10;
	s10 =	sadd.s32 s19, s5;
	[dreg:$0xf] =	wrdreg s8  }
0x16: {  	s22 =	sadd.s32 s2, s9;
	s23 =	sadd.s32 s21, s5;
	[dreg:$0x4] =	wrdreg s10  }
0x17: {  	s9 =	sadd.s32 s5, s9;
	s24 =	sadd.s32 s21, s2;
	[dreg:$0x10] =	wrdreg s22  }
0x18: {  	s26 =	sor.u32 $0x3000, s1;
	s21 =	simm.s32 $0x80;
	[dreg:$0x11] =	wrdreg s9  }
0x19: {  	s1 =	simm.s32 $0x7;
	s14 =	simm.s32 $0xB;
	[dreg:$0x6] =	wrdreg s23  }
0x1a: {  	s16 =	simm.s32 $0x0;
	s8 =	sadd.s32 s19, s2;
	[dreg:$0x7] =	wrdreg s24  }
0x1b: {  	s0 =	sadd.s32 $0x66A00, s0;
	s25 =	smax.u32 s7, $0x1;
	[dreg:$0x14] =	wrdreg s26  }
0x1c: {  	s22 =	simm.s32 $0x200;
	s23 =	simm.s32 $0x100;
	s24 =	simm.s32 $0x280  }
0x1d: {  	s26 =	simm.s32 $0x300;
	s7 =	simm.s32 $0x4;
	[dreg:$0x5] =	wrdreg s8  }
0x1e: {  	s9 =	simm.s32 $0x8;
	s10 =	simm.s32 $0x5;
	[dreg:$0x12] =	wrdreg s0  }
0x1f: {  	[dreg:$0x13] =	wrdreg s25;
	s25 =	simm.s32 $0x1;
	s8 =	simm.s32 $0xC  }
.LBB2_1:
0x20: {  	s0 =	rddreg [dreg:$0x8]  }
0x21: {  	s19 =	rddreg [dreg:$0xa]  }
0x22: {  	s15 =	rddreg [dreg:$0xb];
	s17 =	sshrl.u32 s0, $0x3  }
0x23: {  	[dreg:$0x15] =	wrdreg s17  }
0x24: {  	[spmem:s17], [sflag:s15] =	dma.local [hbm:s19], $0x2780  }
0x25: {  	s0 =	rddreg [dreg:$0xc]  }
0x26: {  	[tilespmem:s4], [sflag:$0x1] =	stream.linear.gather [hbm4b:s0+s4], $0x80, $0x38;
	[tilespmem:$0x1FF00] =	vst v63  }
0x27: {  	s17 =	rddreg [dreg:$0xd]  }
0x28: {  	[tilespmem:s20], [sflag:$0x4] =	stream.linear.gather [hbm4b:s17+s4], $0x80, $0x38;
	[tilespmem:$0x1FF00] =	vst v63  }
0x29: {  	s18 =	rddreg [dreg:$0xe]  }
0x2a: {  	[tilespmem:s21], [sflag:$0x2] =	stream.linear.gather [hbm4b:s18+s4], $0x80, $0x38;
	[tilespmem:$0x1FF00] =	vst v63  }
0x2b: {  	s19 =	rddreg [dreg:$0xf]  }
0x2c: {  	[tilespmem:s22], [sflag:$0x5] =	stream.linear.gather [hbm4b:s19+s4], $0x80, $0x38;
	[tilespmem:$0x1FF00] =	vst v63  }
0x2d: {  	s15 =	rddreg [dreg:$0x10]  }
0x2e: {  	[tilespmem:s23], [sflag:$0x3] =	stream.linear.gather [hbm4b:s15+s4], $0x80, $0x38;
	[tilespmem:$0x1FF00] =	vst v63  }
0x2f: {  	s17 =	rddreg [dreg:$0x11]  }
0x30: {  	[tilespmem:s24], [sflag:$0x6] =	stream.linear.gather [hbm4b:s17+s4], $0x80, $0x38;
	[tilespmem:$0x1FF00] =	vst v63  }
0x31: {  	_ =	swait.ge [sflag:s25], $0x80  }
0x32: {  	[sflag:s25] =	ssyncset.done $0x0  }
0x33: {  	[sflag:s25] =	ssyncadd.s32 $0xFFFFFF80  }
0x34: {  	[tilespmem:s26], [sflag:$0x7] =	stream.indirect.gather [hbm4b:s6+s21], $0x80, s4, s21, $0xb8;
	[tilespmem:$0x1FF00] =	vst v63  }
0x35: {  	_ =	swait.ge [sflag:s28], $0x80  }
0x36: {  	[sflag:s28] =	ssyncset.done $0x0  }
0x37: {  	[sflag:s28] =	ssyncadd.s32 $0xFFFFFF80  }
0x38: {  	[tilespmem:s29], [sflag:$0x8] =	stream.indirect.gather [hbm4b:s6+s21], $0x80, s21, s21, $0xb8;
	[tilespmem:$0x1FF00] =	vst v63  }
0x39: {  	_ =	swait.ge [sflag:s30], $0x80  }
0x3a: {  	[sflag:s30] =	ssyncset.done $0x0  }
0x3b: {  	s18 =	simm.s32 $0xD;
	[sflag:s30] =	ssyncadd.s32 $0xFFFFFF80  }
0x3c: {  	[tilespmem:s31], [sflag:$0x9] =	stream.indirect.gather [hbm4b:s6+s21], $0x80, s23, s21, $0xb8;
	[tilespmem:$0x1FF00] =	vst v63  }
0x3d: {  	_ =	swait.ge [sflag:s18], $0x2780  }
0x3e: {  	[sflag:s18] =	ssyncset.done $0x0  }
0x3f: {  	[sflag:s18] =	ssyncadd.s32 $0xFFFFD880  }
0x40: {  	[bflag:$0x0] =	sbarrier.arrive $0xFFFF  }
0x41: {  	_ =	swait.ge [sflag:s1], $0x4000  }
0x42: {  	[sflag:s1] =	ssyncset.done $0x0  }
0x43: {  	[sflag:s1] =	ssyncadd.s32 $0xFFFFC000  }
0x44: {  	_ =	swait.ge [sflag:s7], $0x80  }
0x45: {  	[sflag:s7] =	ssyncset.done $0x0;
	s17 =	rddreg [dreg:$0x14]  }
0x46: {  	[sflag:s7] =	ssyncadd.s32 $0xFFFFFF80;
	s0 =	sshrl.u32 s17, $0x3  }
0x47: {  	[spmem:s3] =	stream.indirect.scatter.add.f32 [tilespmem:s26], [sflag:$0xA], $0x80, s20, s21, $0xb8;
	[tilespmem:$0x1FF00] =	vst v63  }
0x48: {  	s19 =	sadd.s32 s2, s0  }
0x49: {  	[tilespmem:s4], [sflag:$0x1] =	stream.linear.gather [hbm4b:s19+s4], $0x80, $0x38;
	[tilespmem:$0x1FF00] =	vst v63  }
0x4a: {  	_ =	swait.ge [sflag:s9], $0x4000  }
0x4b: {  	[sflag:s9] =	ssyncset.done $0x0  }
0x4c: {  	[sflag:s9] =	ssyncadd.s32 $0xFFFFC000  }
0x4d: {  	_ =	swait.ge [sflag:s10], $0x80  }
0x4e: {  	[sflag:s10] =	ssyncset.done $0x0  }
0x4f: {  	s18 =	rddreg [dreg:$0x7];
	[sflag:s10] =	ssyncadd.s32 $0xFFFFFF80  }
0x50: {  	[spmem:s3] =	stream.indirect.scatter.add.f32 [tilespmem:s29], [sflag:$0xB], $0x80, s22, s21, $0xb8;
	[tilespmem:$0x1FF00] =	vst v63  }
0x51: {  	s15 =	sadd.s32 $0x0, s18  }
0x52: {  	[tilespmem:s21], [sflag:$0x2] =	stream.linear.gather [hbm4b:s15+s4], $0x80, $0x38;
	[tilespmem:$0x1FF00] =	vst v63  }
0x53: {  	_ =	swait.ge [sflag:s11], $0x4000  }
0x54: {  	[sflag:s11] =	ssyncset.done $0x0  }
0x55: {  	[sflag:s11] =	ssyncadd.s32 $0xFFFFC000  }
0x56: {  	_ =	swait.ge [sflag:s12], $0x80  }
0x57: {  	[sflag:s12] =	ssyncset.done $0x0  }
0x58: {  	s19 =	rddreg [dreg:$0x5];
	[sflag:s12] =	ssyncadd.s32 $0xFFFFFF80  }
0x59: {  	[spmem:s3] =	stream.indirect.scatter.add.f32 [tilespmem:s31], [sflag:$0xC], $0x80, s24, s21, $0xb8;
	[tilespmem:$0x1FF00] =	vst v63  }
0x5a: {  	s15 =	sadd.s32 $0x0, s19  }
0x5b: {  	[tilespmem:s23], [sflag:$0x3] =	stream.linear.gather [hbm4b:s15+s4], $0x80, $0x38;
	[tilespmem:$0x1FF00] =	vst v63  }
0x5c: {  	_ =	swait.ge [sflag:s13], $0x4000  }
0x5d: {  	[sflag:s13] =	ssyncset.done $0x0  }
0x5e: {  	s0 =	sadd.s32 s5, s0;
	[sflag:s13] =	ssyncadd.s32 $0xFFFFC000  }
0x5f: {  	[tilespmem:s20], [sflag:$0x4] =	stream.linear.gather [hbm4b:s0+s4], $0x80, $0x38;
	[tilespmem:$0x1FF00] =	vst v63  }
0x60: {  	_ =	swait.ge [sflag:s25], $0x80  }
0x61: {  	[sflag:s25] =	ssyncset.done $0x0  }
0x62: {  	[sflag:s25] =	ssyncadd.s32 $0xFFFFFF80  }
0x63: {  	[tilespmem:s26], [sflag:$0x7] =	stream.indirect.gather [hbm4b:s6+s21], $0x80, s4, s21, $0xb8;
	[tilespmem:$0x1FF00] =	vst v63  }
0x64: {  	_ =	swait.ge [sflag:s14], $0x4000  }
0x65: {  	s18 =	rddreg [dreg:$0x6];
	[sflag:s14] =	ssyncset.done $0x0  }
0x66: {  	[sflag:s14] =	ssyncadd.s32 $0xFFFFC000;
	s0 =	sadd.s32 $0x0, s18  }
0x67: {  	[tilespmem:s22], [sflag:$0x5] =	stream.linear.gather [hbm4b:s0+s4], $0x80, $0x38;
	[tilespmem:$0x1FF00] =	vst v63  }
0x68: {  	_ =	swait.ge [sflag:s28], $0x80  }
0x69: {  	[sflag:s28] =	ssyncset.done $0x0  }
0x6a: {  	[sflag:s28] =	ssyncadd.s32 $0xFFFFFF80  }
0x6b: {  	[tilespmem:s29], [sflag:$0x8] =	stream.indirect.gather [hbm4b:s6+s21], $0x80, s21, s21, $0xb8;
	[tilespmem:$0x1FF00] =	vst v63  }
0x6c: {  	_ =	swait.ge [sflag:s8], $0x4000  }
0x6d: {  	s19 =	rddreg [dreg:$0x4];
	[sflag:s8] =	ssyncset.done $0x0  }
0x6e: {  	[sflag:s8] =	ssyncadd.s32 $0xFFFFC000;
	s0 =	sadd.s32 $0x0, s19  }
0x6f: {  	[tilespmem:s24], [sflag:$0x6] =	stream.linear.gather [hbm4b:s0+s4], $0x80, $0x38;
	[tilespmem:$0x1FF00] =	vst v63  }
0x70: {  	_ =	swait.ge [sflag:s30], $0x80  }
0x71: {  	[sflag:s30] =	ssyncset.done $0x0  }
0x72: {  	s18 =	simm.s32 $0x600;
	s0 =	sadd.s32 $0x3000, s17;
	[sflag:s30] =	ssyncadd.s32 $0xFFFFFF80  }
.LBB2_2:
0x73: {  	[tilespmem:s31], [sflag:$0x9] =	stream.indirect.gather [hbm4b:s6+s21], $0x80, s23, s21, $0xb8;
	[tilespmem:$0x1FF00] =	vst v63  }
0x74: {  	_ =	swait.ge [sflag:s1], $0x4000  }
0x75: {  	[sflag:s1] =	ssyncset.done $0x0  }
0x76: {  	[sflag:s1] =	ssyncadd.s32 $0xFFFFC000  }
0x77: {  	_ =	swait.ge [sflag:s7], $0x80  }
0x78: {  	[sflag:s7] =	ssyncset.done $0x0  }
0x79: {  	s19 =	sshrl.u32 s0, $0x3;
	[sflag:s7] =	ssyncadd.s32 $0xFFFFFF80  }
0x7a: {  	[spmem:s3] =	stream.indirect.scatter.add.f32 [tilespmem:s26], [sflag:$0xA], $0x80, s20, s21, $0xb8;
	[tilespmem:$0x1FF00] =	vst v63  }
0x7b: {  	s17 =	sadd.s32 s2, s19  }
0x7c: {  	[tilespmem:s4], [sflag:$0x1] =	stream.linear.gather [hbm4b:s17+s4], $0x80, $0x38;
	[tilespmem:$0x1FF00] =	vst v63  }
0x7d: {  	_ =	swait.ge [sflag:s9], $0x4000  }
0x7e: {  	[sflag:s9] =	ssyncset.done $0x0  }
0x7f: {  	[sflag:s9] =	ssyncadd.s32 $0xFFFFC000  }
0x80: {  	_ =	swait.ge [sflag:s10], $0x80  }
0x81: {  	[sflag:s10] =	ssyncset.done $0x0  }
0x82: {  	s15 =	smov.u32 s18;
	s17 =	rddreg [dreg:$0x7];
	[sflag:s10] =	ssyncadd.s32 $0xFFFFFF80  }
0x83: {  	[spmem:s3] =	stream.indirect.scatter.add.f32 [tilespmem:s29], [sflag:$0xB], $0x80, s22, s21, $0xb8;
	[tilespmem:$0x1FF00] =	vst v63  }
0x84: {  	s17 =	sadd.s32 s15, s17  }
0x85: {  	[tilespmem:s21], [sflag:$0x2] =	stream.linear.gather [hbm4b:s17+s4], $0x80, $0x38;
	[tilespmem:$0x1FF00] =	vst v63  }
0x86: {  	_ =	swait.ge [sflag:s11], $0x4000  }
0x87: {  	[sflag:s11] =	ssyncset.done $0x0  }
0x88: {  	[sflag:s11] =	ssyncadd.s32 $0xFFFFC000  }
0x89: {  	_ =	swait.ge [sflag:s12], $0x80  }
0x8a: {  	[sflag:s12] =	ssyncset.done $0x0  }
0x8b: {  	s17 =	rddreg [dreg:$0x5];
	[sflag:s12] =	ssyncadd.s32 $0xFFFFFF80  }
0x8c: {  	[spmem:s3] =	stream.indirect.scatter.add.f32 [tilespmem:s31], [sflag:$0xC], $0x80, s24, s21, $0xb8;
	[tilespmem:$0x1FF00] =	vst v63  }
0x8d: {  	s17 =	sadd.s32 s15, s17  }
0x8e: {  	[tilespmem:s23], [sflag:$0x3] =	stream.linear.gather [hbm4b:s17+s4], $0x80, $0x38;
	[tilespmem:$0x1FF00] =	vst v63  }
0x8f: {  	_ =	swait.ge [sflag:s13], $0x4000  }
0x90: {  	[sflag:s13] =	ssyncset.done $0x0  }
0x91: {  	s19 =	sadd.s32 s5, s19;
	[sflag:s13] =	ssyncadd.s32 $0xFFFFC000  }
0x92: {  	[tilespmem:s20], [sflag:$0x4] =	stream.linear.gather [hbm4b:s19+s4], $0x80, $0x38;
	[tilespmem:$0x1FF00] =	vst v63  }
0x93: {  	_ =	swait.ge [sflag:s25], $0x80  }
0x94: {  	[sflag:s25] =	ssyncset.done $0x0  }
0x95: {  	[sflag:s25] =	ssyncadd.s32 $0xFFFFFF80  }
0x96: {  	[tilespmem:s26], [sflag:$0x7] =	stream.indirect.gather [hbm4b:s6+s21], $0x80, s4, s21, $0xb8;
	[tilespmem:$0x1FF00] =	vst v63  }
0x97: {  	_ =	swait.ge [sflag:s14], $0x4000  }
0x98: {  	s19 =	rddreg [dreg:$0x6];
	[sflag:s14] =	ssyncset.done $0x0  }
0x99: {  	[sflag:s14] =	ssyncadd.s32 $0xFFFFC000;
	s17 =	sadd.s32 s15, s19  }
0x9a: {  	[tilespmem:s22], [sflag:$0x5] =	stream.linear.gather [hbm4b:s17+s4], $0x80, $0x38;
	[tilespmem:$0x1FF00] =	vst v63  }
0x9b: {  	_ =	swait.ge [sflag:s28], $0x80  }
0x9c: {  	[sflag:s28] =	ssyncset.done $0x0  }
0x9d: {  	[sflag:s28] =	ssyncadd.s32 $0xFFFFFF80  }
0x9e: {  	[tilespmem:s29], [sflag:$0x8] =	stream.indirect.gather [hbm4b:s6+s21], $0x80, s21, s21, $0xb8;
	[tilespmem:$0x1FF00] =	vst v63  }
0x9f: {  	_ =	swait.ge [sflag:s8], $0x4000  }
0xa0: {  	p0 =	sne.s32 s18, $0x9600;
	s19 =	rddreg [dreg:$0x4];
	[sflag:s8] =	ssyncset.done $0x0  }
.Ltmp0:
0xa1: {  	[sflag:s8] =	ssyncadd.s32 $0xFFFFC000;
	s15 =	sadd.s32 s15, s19;
	(pc) =	sbr.rel @p0 .LBB2_2-.Ltmp0, $4  }
0xa2: {  	[tilespmem:s24], [sflag:$0x6] =	stream.linear.gather [hbm4b:s15+s4], $0x80, $0x38;
	[tilespmem:$0x1FF00] =	vst v63  }
0xa3: {  	_ =	swait.ge [sflag:s30], $0x80  }
0xa4: {  	[sflag:s30] =	ssyncset.done $0x0  }
0xa5: {  	s18 =	sadd.s32 $0x600, s18;
	s0 =	sadd.s32 $0x3000, s0;
	[sflag:s30] =	ssyncadd.s32 $0xFFFFFF80  }
0xa6: {  	[tilespmem:s31], [sflag:$0x9] =	stream.indirect.gather [hbm4b:s6+s21], $0x80, s23, s21, $0xb8;
	[tilespmem:$0x1FF00] =	vst v63  }
0xa7: {  	_ =	swait.ge [sflag:s1], $0x4000  }
0xa8: {  	[sflag:s1] =	ssyncset.done $0x0  }
0xa9: {  	[sflag:s1] =	ssyncadd.s32 $0xFFFFC000  }
0xaa: {  	_ =	swait.ge [sflag:s7], $0x80  }
0xab: {  	[sflag:s7] =	ssyncset.done $0x0  }
0xac: {  	[sflag:s7] =	ssyncadd.s32 $0xFFFFFF80  }
0xad: {  	[spmem:s3] =	stream.indirect.scatter.add.f32 [tilespmem:s26], [sflag:$0xA], $0x80, s20, s21, $0xb8;
	[tilespmem:$0x1FF00] =	vst v63  }
0xae: {  	_ =	swait.ge [sflag:s9], $0x4000  }
0xaf: {  	[sflag:s9] =	ssyncset.done $0x0  }
0xb0: {  	[sflag:s9] =	ssyncadd.s32 $0xFFFFC000  }
0xb1: {  	_ =	swait.ge [sflag:s10], $0x80  }
0xb2: {  	[sflag:s10] =	ssyncset.done $0x0  }
0xb3: {  	[sflag:s10] =	ssyncadd.s32 $0xFFFFFF80  }
0xb4: {  	[spmem:s3] =	stream.indirect.scatter.add.f32 [tilespmem:s29], [sflag:$0xB], $0x80, s22, s21, $0xb8;
	[tilespmem:$0x1FF00] =	vst v63  }
0xb5: {  	_ =	swait.ge [sflag:s11], $0x4000  }
0xb6: {  	[sflag:s11] =	ssyncset.done $0x0  }
0xb7: {  	[sflag:s11] =	ssyncadd.s32 $0xFFFFC000  }
0xb8: {  	_ =	swait.ge [sflag:s12], $0x80  }
0xb9: {  	[sflag:s12] =	ssyncset.done $0x0  }
0xba: {  	[sflag:s12] =	ssyncadd.s32 $0xFFFFFF80  }
0xbb: {  	[spmem:s3] =	stream.indirect.scatter.add.f32 [tilespmem:s31], [sflag:$0xC], $0x80, s24, s21, $0xb8;
	[tilespmem:$0x1FF00] =	vst v63  }
0xbc: {  	_ =	swait.ge [sflag:s13], $0x4000  }
0xbd: {  	[sflag:s13] =	ssyncset.done $0x0  }
0xbe: {  	[sflag:s13] =	ssyncadd.s32 $0xFFFFC000  }
0xbf: {  	_ =	swait.ge [sflag:s14], $0x4000  }
0xc0: {  	[sflag:s14] =	ssyncset.done $0x0  }
0xc1: {  	[sflag:s14] =	ssyncadd.s32 $0xFFFFC000  }
0xc2: {  	_ =	swait.ge [sflag:s8], $0x4000  }
0xc3: {  	[sflag:s8] =	ssyncset.done $0x0  }
0xc4: {  	[sflag:s8] =	ssyncadd.s32 $0xFFFFC000  }
0xc5: {  	[bflag:$0x0] =	sbarrier.arrive $0xFFFF  }
0xc6: {  	s0 =	rddreg [dreg:$0x9]  }
0xc7: {  	s15 =	rddreg [dreg:$0x12]  }
0xc8: {  	s18 =	simm.s32 $0xE;
	s17 =	rddreg [dreg:$0x15];
	s0 =	sor.u32 $0x1C0E, s0  }
0xc9: {  	[hbm:s15], [sflag:s0] =	dma.local [spmem:s17], $0x2780  }
0xca: {  	_ =	swait.ge [sflag:s18], $0x2780  }
0xcb: {  	s16 =	sadd.s32 $0x1, s16;
	s19 =	rddreg [dreg:$0x13]  }
0xcc: {  	p0 =	sne.s32 s16, s19  }
.Ltmp1:
0xcd: {  	_ = 	snop;
	(pc) =	sbr.rel @p0 .LBB2_1-.Ltmp1, $3  }
0xce: {  	_ =	sdelay $0x1  }
0xcf: {  	[sflag:s18] =	ssyncset.done $0x0  }
0xd0: {  	[sflag:s18] =	ssyncadd.s32 $0xFFFFD880  }
0xd1: {  	_ =	sfence.sel $0x180000  }
0xd2: {  	[bflag:$0x0] =	sbarrier.arrive $0xFFFF  }
0xd3: {  	_ =	strace $0x9000004A  }
0xd4: {  	s0 =	stileid.u32;
	[bflag:$0x2] =	sbarrier.arrive $0xFFFF  }
0xd5: {  	p0 =	sne.s32 s0, $0x0;
	s0 =	rddreg [dreg:$0x3]  }
0xd6: {  	s0 =	sadd.s32 @!p0 $0x100000, s0  }
0xd7: {  	[sflag:s0] =	ssyncadd.tile.s32 @!p0 $0x1;
	_ =	shalt  }
.Lfunc_end2:
_tile_overlayer_lowered:
.L_overlay_start_2:
0xd8: {  	(tag) =	ssettag $0x2  }
0xd9: {  	s0 =	rddreg [dreg:$0x0];
	s2 =	stileid.u32  }
0xda: {  	s1 =	rddreg [dreg:$0x1];
	p0 =	sne.s32 s2, $0x0  }
0xdb: {  	s3 =	rddreg [dreg:$0x2];
	[bflag:$0x3] =	sbarrier.arrive $0xFFFF;
	s2 =	simm.s32 @!p0 $0x1C0E  }
0xdc: {  	[timem:s3], [sflag:s2] =	dma.local @!p0 [hbm:s0], s1  }
0xdd: {  	s0 =	simm.s32 @!p0 $0xE  }
0xde: {  	_ =	swait.ge @!p0 [sflag:s0], s1  }
0xdf: {  	s1 =	ssub.s32 @!p0 $0x0, s1;
	[sflag:s0] =	ssyncset.done @!p0 $0x0  }
0xe0: {  	[sflag:s0] =	ssyncadd.s32 @!p0 s1  }
0xe1: {  	[bflag:$0x3] =	sbarrier.arrive $0xFFFF  }
0xe2: {  	_ =	shalt  }

// kernel: kernel.14.cloned.1.call-start
scs
__scs_entry_jumppad:
0x0: {  	(pc) =	sbr.rel $0x88, $3  }
0x1: {  	(tag) =	ssettag $0x0;
	lr =	simm.s32 $0x1  }
0x2: {  	[smem:$0x3F97] =	sst lr;
	_ =	strace $0xD0000000  }
0x3: {  	_ = 	snop  }
0x4: {  	_ = 	snop  }
0x5: {  	_ = 	snop  }
0x6: {  	_ = 	snop  }
0x7: {  	_ = 	snop  }
__scs_overlays_trampoline_lowered:
0x8: {  	[smem:$0x3FA6] =	sst s0  }
0x9: {  	[smem:$0x3FA7] =	sst s1  }
0xa: {  	[smem:$0x3FA8] =	sst s2  }
0xb: {  	[smem:$0x3FA9] =	sst s3  }
0xc: {  	[smem:$0x3FAA] =	sst s4  }
0xd: {  	[smem:$0x3FAB] =	sst s5  }
0xe: {  	[smem:$0x3FAC] =	sst s6  }
0xf: {  	[smem:$0x3FAD] =	sst s7  }
0x10: {  	[smem:$0x3FAE] =	sst s8  }
0x11: {  	[smem:$0x3FAF] =	sst s9;
	s0 =	simm.s32 @!p0 $0x0  }
0x12: {  	s1 =	sld [smem:$0x3F95];
	s0 =	simm.s32 @p0 $0x1  }
0x13: {  	[smem:$0x3FB0] =	sst s0;
	s0 =	simm.s32 @!p1 $0x0  }
0x14: {  	s2 =	sld [smem:$0x3F94];
	s0 =	simm.s32 @p1 $0x1  }
0x15: {  	[smem:$0x3FB1] =	sst s0;
	s0 =	simm.s32 @!p2 $0x0  }
0x16: {  	s3 =	sld [smem:$0x3FDB];
	s0 =	simm.s32 @p2 $0x1  }
0x17: {  	s4 =	simm.s32 $0x1BF5;
	[smem:$0x3FB3] =	sst s0  }
0x18: {  	s0 =	sld [smem:$0x3F96];
	_ =	swait.ge [sflag:s4], $0x0  }
0x19: {  	s7 =	sld [smem:$0x3F97]  }
0x1a: {  	s8 =	sadd.s32 $0xFFFFE003, lr  }
0x1b: {  	s9 =	sadd.s32 $0xFFFFFEF7, lr;
	s5 =	simm.s32 $0xFFFFFFFF;
	p2 =	slt.u32 s8, $0xFFFFF086  }
0x1c: {  	p1 =	slt.u32 s9, $0xF7A;
	s5 =	simm.s32 @!p2 $0x0  }
0x1d: {  	s5 =	simm.s32 @p1 $0x1;
	p0 =	seq.s32 s7, s2  }
0x1e: {  	s7 =	smul.u32 @!p0 $0xF7A, s2;
	p2 =	seq.s32 @!p0 s5, $0x0  }
0x1f: {  	s9 =	smul.u32 $0xF7A, s1;
	s8 =	simm.s32 @!p0 $0x1BF5;
	p2 =	por !p2, p0  }
0x20: {  	[sflag:s8] =	ssyncset.s32 @!p0 $0xFFFFF086;
	s6 =	sadd.s32 @!p0 s3, s7;
	s7 =	simm.s32 @!p0 $0x108  }
0x21: {  	s3 =	sadd.s32 s3, s9;
	s6 =	sadd.s32 @!p0 $0x88, s6;
	s7 =	simm.s32 @p2 $0x1082  }
0x22: {  	[simem:s7], [sflag:s8] =	dma.local @!p0 [hbm:s6], $0xF7A  }
0x23: {  	s9 =	sor.u32 $0xD0000000, s2;
	s6 =	simm.s32 $0x108;
	_ =	swait.ge @!p0 [sflag:s8], $0x0  }
0x24: {  	s3 =	sadd.s32 $0x88, s3;
	s6 =	simm.s32 @!p1 $0x1082;
	[sflag:s4] =	ssyncset.s32 $0xFFFFF086  }
0x25: {  	[simem:s6], [sflag:s4] =	dma.local [hbm:s3], $0xF7A  }
0x26: {  	[smem:$0x3F97] =	sst s1;
	(tag) =	ssettag s2;
	_ =	strace s9  }
0x27: {  	s1 =	sld [smem:$0x3FA7]  }
0x28: {  	s2 =	sld [smem:$0x3FA8]  }
0x29: {  	s4 =	sld [smem:$0x3FAA]  }
0x2a: {  	p0 =	seq.s32 s5, $0x0;
	s5 =	sld [smem:$0x3FAB]  }
0x2b: {  	s6 =	sld [smem:$0x3FAC]  }
0x2c: {  	s7 =	sld [smem:$0x3FAD]  }
0x2d: {  	s3 =	simm.s32 $0x108;
	s8 =	sld [smem:$0x3FAE]  }
0x2e: {  	s3 =	simm.s32 @!p0 $0x1082;
	s9 =	sld [smem:$0x3FAF]  }
0x2f: {  	lr =	sadd.s32 s0, s3;
	s0 =	sld [smem:$0x3FA6]  }
0x30: {  	s3 =	sld [smem:$0x3FA9]  }
0x31: {  	[smem:$0x3FB2] =	sst s10  }
0x32: {  	s10 =	sld [smem:$0x3FB0];
	_ =	sdelay $0x3  }
0x33: {  	p0 =	seq.s32 s10, $0x1;
	s10 =	sld [smem:$0x3FB2];
	_ =	sdelay $0x3  }
0x34: {  	[smem:$0x3FB2] =	sst s10  }
0x35: {  	s10 =	sld [smem:$0x3FB1];
	_ =	sdelay $0x3  }
0x36: {  	p1 =	seq.s32 s10, $0x1;
	s10 =	sld [smem:$0x3FB2];
	_ =	sdelay $0x3  }
0x37: {  	[smem:$0x3FB2] =	sst s10  }
0x38: {  	s10 =	sld [smem:$0x3FB3]  }
0x39: {  	_ = 	snop;
	(pc) =	sbr.ind lr, $3  }
0x3a: {  	_ = 	snop  }
0x3b: {  	_ = 	snop  }
0x3c: {  	p2 =	seq.s32 s10, $0x1;
	s10 =	sld [smem:$0x3FB2]  }
0x3d: {  	_ =	shalt  }
0x3e: {  	_ =	shalt  }
0x3f: {  	_ =	shalt  }
0x40: {  	_ =	shalt  }
0x41: {  	_ =	shalt  }
0x42: {  	_ =	shalt  }
0x43: {  	_ =	shalt  }
0x44: {  	_ =	shalt  }
0x45: {  	_ =	shalt  }
0x46: {  	_ =	shalt  }
0x47: {  	_ =	shalt  }
0x48: {  	_ =	shalt  }
0x49: {  	_ =	shalt  }
0x4a: {  	_ =	shalt  }
0x4b: {  	_ =	shalt  }
0x4c: {  	_ =	shalt  }
0x4d: {  	_ =	shalt  }
0x4e: {  	_ =	shalt  }
0x4f: {  	_ =	shalt  }
0x50: {  	_ =	shalt  }
0x51: {  	_ =	shalt  }
0x52: {  	_ =	shalt  }
0x53: {  	_ =	shalt  }
0x54: {  	_ =	shalt  }
0x55: {  	_ =	shalt  }
0x56: {  	_ =	shalt  }
0x57: {  	_ =	shalt  }
0x58: {  	_ =	shalt  }
0x59: {  	_ =	shalt  }
0x5a: {  	_ =	shalt  }
0x5b: {  	_ =	shalt  }
0x5c: {  	_ =	shalt  }
0x5d: {  	_ =	shalt  }
0x5e: {  	_ =	shalt  }
0x5f: {  	_ =	shalt  }
0x60: {  	_ =	shalt  }
0x61: {  	_ =	shalt  }
0x62: {  	_ =	shalt  }
0x63: {  	_ =	shalt  }
0x64: {  	_ =	shalt  }
0x65: {  	_ =	shalt  }
0x66: {  	_ =	shalt  }
0x67: {  	_ =	shalt  }
0x68: {  	_ =	shalt  }
0x69: {  	_ =	shalt  }
0x6a: {  	_ =	shalt  }
0x6b: {  	_ =	shalt  }
0x6c: {  	_ =	shalt  }
0x6d: {  	_ =	shalt  }
0x6e: {  	_ =	shalt  }
0x6f: {  	_ =	shalt  }
0x70: {  	_ =	shalt  }
0x71: {  	_ =	shalt  }
0x72: {  	_ =	shalt  }
0x73: {  	_ =	shalt  }
0x74: {  	_ =	shalt  }
0x75: {  	_ =	shalt  }
0x76: {  	_ =	shalt  }
0x77: {  	_ =	shalt  }
0x78: {  	_ =	shalt  }
0x79: {  	_ =	shalt  }
0x7a: {  	_ =	shalt  }
0x7b: {  	_ =	shalt  }
0x7c: {  	_ =	shalt  }
0x7d: {  	_ =	shalt  }
0x7e: {  	_ =	shalt  }
0x7f: {  	_ =	shalt  }
0x80: {  	_ =	shalt  }
0x81: {  	_ =	shalt  }
0x82: {  	_ =	shalt  }
0x83: {  	_ =	shalt  }
0x84: {  	_ =	shalt  }
0x85: {  	_ =	shalt  }
0x86: {  	_ =	shalt  }
0x87: {  	_ =	shalt  }
.Lfunc_end0:
.L_simem_size_0:
called_computation.2_lowered:
.L_overlay_start_0:
0x88: {  	s2 =	sld [smem:$0x3FD9]  }
0x89: {  	s3 =	sld [smem:$0x3FFE];
	_ =	sdelay $0x1  }
0x8a: {  	s1 =	srdreg.scid  }
0x8b: {  	s0 =	sand.u32 $0x1, s1  }
0x8c: {  	s17 =	sshll.u32 s0, $0xA;
	s2 =	sadd.s32 s3, s2  }
0x8d: {  	s2 =	sadd.s32 s2, s17  }
0x8e: {  	[smem:$0x3FBE] =	sst s2  }
0x8f: {  	_ = 	snop  }
0x90: {  	s2 =	sld [smem:$0x3FD0];
	(tm) =	ssettm $0x1  }
0x91: {  	s18 =	sld [smem:$0x3FFB];
	_ =	sdelay $0x3  }
0x92: {  	_ =	strace s18  }
0x93: {  	s3 =	sld [smem:$0x3FFC];
	_ =	sdelay $0x3  }
0x94: {  	_ =	strace s3  }
0x95: {  	s3 =	sld [smem:$0x3FFD];
	_ =	sdelay $0x3  }
0x96: {  	_ =	strace s3  }
0x97: {  	_ =	strace $0x8FFFFFFF  }
0x98: {  	s19 =	sld [smem:$0x3FDB];
	_ =	sdelay $0x1  }
0x99: {  	s4 =	simm.s32 $_scs_section_size  }
0x9a: {  	s5 =	simm.s32 $_size__tile_overlayer_lowered;
	s6 =	simm.s32 $_tile_overlayer_lowered  }
0x9b: {  	s22 =	simm.s32 $0x1BFF;
	s21 =	sshll.u32 s6, $0x1;
	s3 =	sadd.s32 s4, s19  }
0x9c: {  	s7 =	simm.s32 $0x0;
	s20 =	sshll.u32 s5, $0x1;
	s5 =	sadd.s32 s21, s3  }
0x9d: {  	[timem:s7], [sflag:s22] =	dma.local [hbm:s5], s20  }
0x9e: {  	_ =	swait.ge [sflag:s22], s20  }
0x9f: {  	s4 =	ssub.s32 $0x0, s20;
	[sflag:s22] =	ssyncset.done $0x0  }
0xa0: {  	[sflag:s22] =	ssyncadd.s32 s4;
	_ =	sdelay $0x1  }
0xa1: {  	s23 =	simm.s32 $0x1B8B  }
0xa2: {  	_ =	swait.ge [sflag:s23], $0x1  }
0xa3: {  	[sflag:s23] =	ssyncset.done $0x0  }
0xa4: {  	s25 =	simm.s32 $0x1B8E;
	s24 =	sld [smem:$0x3FFE];
	[sflag:s23] =	ssyncadd.s32 $0xFFFFFFFF  }
0xa5: {  	s26 =	simm.s32 $execute0_lowered;
	[smem:$0x3FD2] =	sst s25  }
0xa6: {  	s5 =	sshll.u32 s26, $0x1;
	_ =	strace $0x8000004C;
	[dreg:$0x1] =	wrdreg $0xFFFFFFFF  }
0xa7: {  	s28 =	simm.s32 $_size_execute0_lowered;
	s3 =	sadd.s32 s3, s5;
	[dreg:$0x0] =	wrdreg $0x0  }
0xa8: {  	s5 =	sshll.u32 s28, $0x1;
	[dreg:$0x2] =	wrdreg s3  }
0xa9: {  	[dreg:$0x3] =	wrdreg s5  }
0xaa: {  	[dreg:$0x4] =	wrdreg $0xC0  }
0xab: {  	_ =	task [dreg:s7], $0x5FFFF  }
0xac: {  	[dreg:$0x1] =	wrdreg $0xFFFFFFFF  }
0xad: {  	[dreg:$0x0] =	wrdreg $0x60  }
0xae: {  	[dreg:$0x2] =	wrdreg s2  }
0xaf: {  	[dreg:$0x3] =	wrdreg s24  }
0xb0: {  	[dreg:$0x4] =	wrdreg $0xC3000  }
0xb1: {  	[dreg:$0x5] =	wrdreg $0x9  }
0xb2: {  	_ =	task.clear_ibuf [dreg:s7], $0x6FFFF;
	_ =	strace $0x9000004C  }
0xb3: {  	s29 =	simm.s32 $0x9;
	_ =	strace $0x8000004E  }
0xb4: {  	_ =	swait.ge [sflag:s29], $0x1  }
0xb5: {  	[sflag:s29] =	ssyncadd.s32 $0xFFFFFFFF  }
0xb6: {  	_ =	strace $0x9000004E  }
0xb7: {  	_ =	sfence  }
0xb8: {  	s30 =	sld [smem:$0x0];
	_ =	sdelay $0x2  }
0xb9: {  	s31 =	sshll.u32 s1, $0xD;
	s1 =	sshrl.u32 s1, $0x2  }
0xba: {  	s3 =	sand.u32 $0x4000, s31;
	s1 =	sadd.s32 s1, s30  }
0xbb: {  	s0 =	sor.u32 s3, s0;
	s1 =	sshll.u32 s1, $0x11  }
0xbc: {  	s0 =	sor.u32 s1, s0  }
0xbd: {  	s0 =	sadd.s32 $0x8F2B, s0  }
0xbe: {  	[sflag:s0] =	ssyncadd.remote.s32 $0x1  }
0xbf: {  	_ =	sfence.sel $0xFFFF  }
0xc0: {  	[dreg:$0x0] =	wrdreg $0xFFFFFFFF;
	(pc) =	sbr.abs _section_cstart, $3  }
0xc1: {  	[dreg:$0x1] =	wrdreg $0xFFFFFFFF  }
0xc2: {  	_ =	task.clear_ibuf [dreg:s7], $0x2FFFF;
	_ =	strace $0x9FFFFFFF  }
0xc3: {  	(tm) =	ssettm $0x7FFFFFFF  }
tec
execute0_lowered:
.L_overlay_start_1:
0x0: {  	(tag) =	ssettag $0x1  }
0x1: {  	s2 =	rddreg [dreg:$0x0]  }
0x2: {  	s0 =	rddreg [dreg:$0x1]  }
0x3: {  	s3 =	rddreg [dreg:$0x2];
	s12 =	stileid.u32  }
0x4: {  	s1 =	srdreg.scid;
	s4 =	simm.s32 $0x0;
	s28 =	simm.s32 $0x2  }
0x5: {  	s29 =	simm.s32 $0x4300;
	s30 =	simm.s32 $0x3;
	s31 =	simm.s32 $0x8300  }
0x6: {  	s6 =	smul.u32 $0x13C00, s12;
	s1 =	sand.u32 $0x1, s1;
	[smem:$0x7FF] =	sst s4  }
0x7: {  	s5 =	sadd.s32 $0xD800, s0;
	s9 =	smul.u32 $0x4F000, s12;
	s11 =	sshll.u32 s12, $0x7  }
0x8: {  	s7 =	smul.u32 $0x13C000, s1;
	_ =	strace $0x8000004D;
	s26 =	ssub.s32 $0x2, s1  }
0x9: {  	s1 =	sshll.u32 s1, $0xB;
	s8 =	sshrl.u32 s6, $0x3;
	s10 =	sshrl.u32 s26, $0x1  }
0xa: {  	s9 =	sshrl.u32 s9, $0x2;
	s1 =	sor.u32 s11, s1;
	s11 =	sshll.u32 s12, $0x6  }
0xb: {  	s7 =	sadd.s32 s6, s7;
	s6 =	sadd.s32 $0x17A00, s0;
	s8 =	sadd.s32 s8, s0  }
0xc: {  	s9 =	sadd.s32 s9, s3;
	s12 =	sshrl.u32 s1, $0x3;
	[dreg:$0x9] =	wrdreg s11  }
0xd: {  	s13 =	sor.u32 $0x1C0D, s11;
	s17 =	sor.u32 $0x5000, s1;
	s20 =	sor.u32 $0x4000, s1  }
0xe: {  	s11 =	simm.s32 $0x9;
	s7 =	sshrl.u32 s7, $0x3;
	[dreg:$0x8] =	wrdreg s9  }
0xf: {  	s8 =	sadd.s32 $0x3F200, s8;
	[dreg:$0xb] =	wrdreg s13;
	s14 =	sadd.s32 s2, s12  }
0x10: {  	s15 =	sadd.s32 s5, s12;
	s16 =	sor.u32 $0x200, s12;
	s19 =	sshrl.u32 s17, $0x3  }
0x11: {  	s9 =	sor.u32 $0x400, s12;
	s21 =	sshrl.u32 s20, $0x3;
	[dreg:$0xa] =	wrdreg s8  }
0x12: {  	s20 =	simm.s32 $0x180;
	s12 =	simm.s32 $0x6;
	[dreg:$0xc] =	wrdreg s14  }
0x13: {  	s13 =	simm.s32 $0xA;
	[dreg:$0xd] =	wrdreg s15;
	s18 =	sadd.s32 s2, s16  }
0x14: {  	s0 =	sadd.s32 s7, s0;
	s8 =	sadd.s32 s5, s16;
	[dreg:$0xe] =	wrdreg s18  }
0x15: {  	s7 =	ssub.s32 s26, s10;
	s10 =	sadd.s32 s19, s5;
	[dreg:$0xf] =	wrdreg s8  }
0x16: {  	s22 =	sadd.s32 s2, s9;
	s23 =	sadd.s32 s21, s5;
	[dreg:$0x4] =	wrdreg s10  }
0x17: {  	s9 =	sadd.s32 s5, s9;
	s24 =	sadd.s32 s21, s2;
	[dreg:$0x10] =	wrdreg s22  }
0x18: {  	s26 =	sor.u32 $0x3000, s1;
	s21 =	simm.s32 $0x80;
	[dreg:$0x11] =	wrdreg s9  }
0x19: {  	s1 =	simm.s32 $0x7;
	s14 =	simm.s32 $0xB;
	[dreg:$0x6] =	wrdreg s23  }
0x1a: {  	s16 =	simm.s32 $0x0;
	s8 =	sadd.s32 s19, s2;
	[dreg:$0x7] =	wrdreg s24  }
0x1b: {  	s0 =	sadd.s32 $0x66A00, s0;
	s25 =	smax.u32 s7, $0x1;
	[dreg:$0x14] =	wrdreg s26  }
0x1c: {  	s22 =	simm.s32 $0x200;
	s23 =	simm.s32 $0x100;
	s24 =	simm.s32 $0x280  }
0x1d: {  	s26 =	simm.s32 $0x300;
	s7 =	simm.s32 $0x4;
	[dreg:$0x5] =	wrdreg s8  }
0x1e: {  	s9 =	simm.s32 $0x8;
	s10 =	simm.s32 $0x5;
	[dreg:$0x12] =	wrdreg s0  }
0x1f: {  	[dreg:$0x13] =	wrdreg s25;
	s25 =	simm.s32 $0x1;
	s8 =	simm.s32 $0xC  }
.LBB2_1:
0x20: {  	s0 =	rddreg [dreg:$0x8]  }
0x21: {  	s19 =	rddreg [dreg:$0xa]  }
0x22: {  	s15 =	rddreg [dreg:$0xb];
	s17 =	sshrl.u32 s0, $0x3  }
0x23: {  	[dreg:$0x15] =	wrdreg s17  }
0x24: {  	[spmem:s17], [sflag:s15] =	dma.local [hbm:s19], $0x2780  }
0x25: {  	s0 =	rddreg [dreg:$0xc]  }
0x26: {  	[tilespmem:s4], [sflag:$0x1] =	stream.linear.gather [hbm4b:s0+s4], $0x80, $0x38;
	[tilespmem:$0x1FF00] =	vst v63  }
0x27: {  	s17 =	rddreg [dreg:$0xd]  }
0x28: {  	[tilespmem:s20], [sflag:$0x4] =	stream.linear.gather [hbm4b:s17+s4], $0x80, $0x38;
	[tilespmem:$0x1FF00] =	vst v63  }
0x29: {  	s18 =	rddreg [dreg:$0xe]  }
0x2a: {  	[tilespmem:s21], [sflag:$0x2] =	stream.linear.gather [hbm4b:s18+s4], $0x80, $0x38;
	[tilespmem:$0x1FF00] =	vst v63  }
0x2b: {  	s19 =	rddreg [dreg:$0xf]  }
0x2c: {  	[tilespmem:s22], [sflag:$0x5] =	stream.linear.gather [hbm4b:s19+s4], $0x80, $0x38;
	[tilespmem:$0x1FF00] =	vst v63  }
0x2d: {  	s15 =	rddreg [dreg:$0x10]  }
0x2e: {  	[tilespmem:s23], [sflag:$0x3] =	stream.linear.gather [hbm4b:s15+s4], $0x80, $0x38;
	[tilespmem:$0x1FF00] =	vst v63  }
0x2f: {  	s17 =	rddreg [dreg:$0x11]  }
0x30: {  	[tilespmem:s24], [sflag:$0x6] =	stream.linear.gather [hbm4b:s17+s4], $0x80, $0x38;
	[tilespmem:$0x1FF00] =	vst v63  }
0x31: {  	_ =	swait.ge [sflag:s25], $0x80  }
0x32: {  	[sflag:s25] =	ssyncset.done $0x0  }
0x33: {  	[sflag:s25] =	ssyncadd.s32 $0xFFFFFF80  }
0x34: {  	[tilespmem:s26], [sflag:$0x7] =	stream.indirect.gather [hbm4b:s6+s21], $0x80, s4, s21, $0xb8;
	[tilespmem:$0x1FF00] =	vst v63  }
0x35: {  	_ =	swait.ge [sflag:s28], $0x80  }
0x36: {  	[sflag:s28] =	ssyncset.done $0x0  }
0x37: {  	[sflag:s28] =	ssyncadd.s32 $0xFFFFFF80  }
0x38: {  	[tilespmem:s29], [sflag:$0x8] =	stream.indirect.gather [hbm4b:s6+s21], $0x80, s21, s21, $0xb8;
	[tilespmem:$0x1FF00] =	vst v63  }
0x39: {  	_ =	swait.ge [sflag:s30], $0x80  }
0x3a: {  	[sflag:s30] =	ssyncset.done $0x0  }
0x3b: {  	s18 =	simm.s32 $0xD;
	[sflag:s30] =	ssyncadd.s32 $0xFFFFFF80  }
0x3c: {  	[tilespmem:s31], [sflag:$0x9] =	stream.indirect.gather [hbm4b:s6+s21], $0x80, s23, s21, $0xb8;
	[tilespmem:$0x1FF00] =	vst v63  }
0x3d: {  	_ =	swait.ge [sflag:s18], $0x2780  }
0x3e: {  	[sflag:s18] =	ssyncset.done $0x0  }
0x3f: {  	[sflag:s18] =	ssyncadd.s32 $0xFFFFD880  }
0x40: {  	[bflag:$0x0] =	sbarrier.arrive $0xFFFF  }
0x41: {  	_ =	swait.ge [sflag:s1], $0x4000  }
0x42: {  	[sflag:s1] =	ssyncset.done $0x0  }
0x43: {  	[sflag:s1] =	ssyncadd.s32 $0xFFFFC000  }
0x44: {  	_ =	swait.ge [sflag:s7], $0x80  }
0x45: {  	[sflag:s7] =	ssyncset.done $0x0;
	s17 =	rddreg [dreg:$0x14]  }
0x46: {  	[sflag:s7] =	ssyncadd.s32 $0xFFFFFF80;
	s0 =	sshrl.u32 s17, $0x3  }
0x47: {  	[spmem:s3] =	stream.indirect.scatter.add.f32 [tilespmem:s26], [sflag:$0xA], $0x80, s20, s21, $0xb8;
	[tilespmem:$0x1FF00] =	vst v63  }
0x48: {  	s19 =	sadd.s32 s2, s0  }
0x49: {  	[tilespmem:s4], [sflag:$0x1] =	stream.linear.gather [hbm4b:s19+s4], $0x80, $0x38;
	[tilespmem:$0x1FF00] =	vst v63  }
0x4a: {  	_ =	swait.ge [sflag:s9], $0x4000  }
0x4b: {  	[sflag:s9] =	ssyncset.done $0x0  }
0x4c: {  	[sflag:s9] =	ssyncadd.s32 $0xFFFFC000  }
0x4d: {  	_ =	swait.ge [sflag:s10], $0x80  }
0x4e: {  	[sflag:s10] =	ssyncset.done $0x0  }
0x4f: {  	s18 =	rddreg [dreg:$0x7];
	[sflag:s10] =	ssyncadd.s32 $0xFFFFFF80  }
0x50: {  	[spmem:s3] =	stream.indirect.scatter.add.f32 [tilespmem:s29], [sflag:$0xB], $0x80, s22, s21, $0xb8;
	[tilespmem:$0x1FF00] =	vst v63  }
0x51: {  	s15 =	sadd.s32 $0x0, s18  }
0x52: {  	[tilespmem:s21], [sflag:$0x2] =	stream.linear.gather [hbm4b:s15+s4], $0x80, $0x38;
	[tilespmem:$0x1FF00] =	vst v63  }
0x53: {  	_ =	swait.ge [sflag:s11], $0x4000  }
0x54: {  	[sflag:s11] =	ssyncset.done $0x0  }
0x55: {  	[sflag:s11] =	ssyncadd.s32 $0xFFFFC000  }
0x56: {  	_ =	swait.ge [sflag:s12], $0x80  }
0x57: {  	[sflag:s12] =	ssyncset.done $0x0  }
0x58: {  	s19 =	rddreg [dreg:$0x5];
	[sflag:s12] =	ssyncadd.s32 $0xFFFFFF80  }
0x59: {  	[spmem:s3] =	stream.indirect.scatter.add.f32 [tilespmem:s31], [sflag:$0xC], $0x80, s24, s21, $0xb8;
	[tilespmem:$0x1FF00] =	vst v63  }
0x5a: {  	s15 =	sadd.s32 $0x0, s19  }
0x5b: {  	[tilespmem:s23], [sflag:$0x3] =	stream.linear.gather [hbm4b:s15+s4], $0x80, $0x38;
	[tilespmem:$0x1FF00] =	vst v63  }
0x5c: {  	_ =	swait.ge [sflag:s13], $0x4000  }
0x5d: {  	[sflag:s13] =	ssyncset.done $0x0  }
0x5e: {  	s0 =	sadd.s32 s5, s0;
	[sflag:s13] =	ssyncadd.s32 $0xFFFFC000  }
0x5f: {  	[tilespmem:s20], [sflag:$0x4] =	stream.linear.gather [hbm4b:s0+s4], $0x80, $0x38;
	[tilespmem:$0x1FF00] =	vst v63  }
0x60: {  	_ =	swait.ge [sflag:s25], $0x80  }
0x61: {  	[sflag:s25] =	ssyncset.done $0x0  }
0x62: {  	[sflag:s25] =	ssyncadd.s32 $0xFFFFFF80  }
0x63: {  	[tilespmem:s26], [sflag:$0x7] =	stream.indirect.gather [hbm4b:s6+s21], $0x80, s4, s21, $0xb8;
	[tilespmem:$0x1FF00] =	vst v63  }
0x64: {  	_ =	swait.ge [sflag:s14], $0x4000  }
0x65: {  	s18 =	rddreg [dreg:$0x6];
	[sflag:s14] =	ssyncset.done $0x0  }
0x66: {  	[sflag:s14] =	ssyncadd.s32 $0xFFFFC000;
	s0 =	sadd.s32 $0x0, s18  }
0x67: {  	[tilespmem:s22], [sflag:$0x5] =	stream.linear.gather [hbm4b:s0+s4], $0x80, $0x38;
	[tilespmem:$0x1FF00] =	vst v63  }
0x68: {  	_ =	swait.ge [sflag:s28], $0x80  }
0x69: {  	[sflag:s28] =	ssyncset.done $0x0  }
0x6a: {  	[sflag:s28] =	ssyncadd.s32 $0xFFFFFF80  }
0x6b: {  	[tilespmem:s29], [sflag:$0x8] =	stream.indirect.gather [hbm4b:s6+s21], $0x80, s21, s21, $0xb8;
	[tilespmem:$0x1FF00] =	vst v63  }
0x6c: {  	_ =	swait.ge [sflag:s8], $0x4000  }
0x6d: {  	s19 =	rddreg [dreg:$0x4];
	[sflag:s8] =	ssyncset.done $0x0  }
0x6e: {  	[sflag:s8] =	ssyncadd.s32 $0xFFFFC000;
	s0 =	sadd.s32 $0x0, s19  }
0x6f: {  	[tilespmem:s24], [sflag:$0x6] =	stream.linear.gather [hbm4b:s0+s4], $0x80, $0x38;
	[tilespmem:$0x1FF00] =	vst v63  }
0x70: {  	_ =	swait.ge [sflag:s30], $0x80  }
0x71: {  	[sflag:s30] =	ssyncset.done $0x0  }
0x72: {  	s18 =	simm.s32 $0x600;
	s0 =	sadd.s32 $0x3000, s17;
	[sflag:s30] =	ssyncadd.s32 $0xFFFFFF80  }
.LBB2_2:
0x73: {  	[tilespmem:s31], [sflag:$0x9] =	stream.indirect.gather [hbm4b:s6+s21], $0x80, s23, s21, $0xb8;
	[tilespmem:$0x1FF00] =	vst v63  }
0x74: {  	_ =	swait.ge [sflag:s1], $0x4000  }
0x75: {  	[sflag:s1] =	ssyncset.done $0x0  }
0x76: {  	[sflag:s1] =	ssyncadd.s32 $0xFFFFC000  }
0x77: {  	_ =	swait.ge [sflag:s7], $0x80  }
0x78: {  	[sflag:s7] =	ssyncset.done $0x0  }
0x79: {  	s19 =	sshrl.u32 s0, $0x3;
	[sflag:s7] =	ssyncadd.s32 $0xFFFFFF80  }
0x7a: {  	[spmem:s3] =	stream.indirect.scatter.add.f32 [tilespmem:s26], [sflag:$0xA], $0x80, s20, s21, $0xb8;
	[tilespmem:$0x1FF00] =	vst v63  }
0x7b: {  	s17 =	sadd.s32 s2, s19  }
0x7c: {  	[tilespmem:s4], [sflag:$0x1] =	stream.linear.gather [hbm4b:s17+s4], $0x80, $0x38;
	[tilespmem:$0x1FF00] =	vst v63  }
0x7d: {  	_ =	swait.ge [sflag:s9], $0x4000  }
0x7e: {  	[sflag:s9] =	ssyncset.done $0x0  }
0x7f: {  	[sflag:s9] =	ssyncadd.s32 $0xFFFFC000  }
0x80: {  	_ =	swait.ge [sflag:s10], $0x80  }
0x81: {  	[sflag:s10] =	ssyncset.done $0x0  }
0x82: {  	s15 =	smov.u32 s18;
	s17 =	rddreg [dreg:$0x7];
	[sflag:s10] =	ssyncadd.s32 $0xFFFFFF80  }
0x83: {  	[spmem:s3] =	stream.indirect.scatter.add.f32 [tilespmem:s29], [sflag:$0xB], $0x80, s22, s21, $0xb8;
	[tilespmem:$0x1FF00] =	vst v63  }
0x84: {  	s17 =	sadd.s32 s15, s17  }
0x85: {  	[tilespmem:s21], [sflag:$0x2] =	stream.linear.gather [hbm4b:s17+s4], $0x80, $0x38;
	[tilespmem:$0x1FF00] =	vst v63  }
0x86: {  	_ =	swait.ge [sflag:s11], $0x4000  }
0x87: {  	[sflag:s11] =	ssyncset.done $0x0  }
0x88: {  	[sflag:s11] =	ssyncadd.s32 $0xFFFFC000  }
0x89: {  	_ =	swait.ge [sflag:s12], $0x80  }
0x8a: {  	[sflag:s12] =	ssyncset.done $0x0  }
0x8b: {  	s17 =	rddreg [dreg:$0x5];
	[sflag:s12] =	ssyncadd.s32 $0xFFFFFF80  }
0x8c: {  	[spmem:s3] =	stream.indirect.scatter.add.f32 [tilespmem:s31], [sflag:$0xC], $0x80, s24, s21, $0xb8;
	[tilespmem:$0x1FF00] =	vst v63  }
0x8d: {  	s17 =	sadd.s32 s15, s17  }
0x8e: {  	[tilespmem:s23], [sflag:$0x3] =	stream.linear.gather [hbm4b:s17+s4], $0x80, $0x38;
	[tilespmem:$0x1FF00] =	vst v63  }
0x8f: {  	_ =	swait.ge [sflag:s13], $0x4000  }
0x90: {  	[sflag:s13] =	ssyncset.done $0x0  }
0x91: {  	s19 =	sadd.s32 s5, s19;
	[sflag:s13] =	ssyncadd.s32 $0xFFFFC000  }
0x92: {  	[tilespmem:s20], [sflag:$0x4] =	stream.linear.gather [hbm4b:s19+s4], $0x80, $0x38;
	[tilespmem:$0x1FF00] =	vst v63  }
0x93: {  	_ =	swait.ge [sflag:s25], $0x80  }
0x94: {  	[sflag:s25] =	ssyncset.done $0x0  }
0x95: {  	[sflag:s25] =	ssyncadd.s32 $0xFFFFFF80  }
0x96: {  	[tilespmem:s26], [sflag:$0x7] =	stream.indirect.gather [hbm4b:s6+s21], $0x80, s4, s21, $0xb8;
	[tilespmem:$0x1FF00] =	vst v63  }
0x97: {  	_ =	swait.ge [sflag:s14], $0x4000  }
0x98: {  	s19 =	rddreg [dreg:$0x6];
	[sflag:s14] =	ssyncset.done $0x0  }
0x99: {  	[sflag:s14] =	ssyncadd.s32 $0xFFFFC000;
	s17 =	sadd.s32 s15, s19  }
0x9a: {  	[tilespmem:s22], [sflag:$0x5] =	stream.linear.gather [hbm4b:s17+s4], $0x80, $0x38;
	[tilespmem:$0x1FF00] =	vst v63  }
0x9b: {  	_ =	swait.ge [sflag:s28], $0x80  }
0x9c: {  	[sflag:s28] =	ssyncset.done $0x0  }
0x9d: {  	[sflag:s28] =	ssyncadd.s32 $0xFFFFFF80  }
0x9e: {  	[tilespmem:s29], [sflag:$0x8] =	stream.indirect.gather [hbm4b:s6+s21], $0x80, s21, s21, $0xb8;
	[tilespmem:$0x1FF00] =	vst v63  }
0x9f: {  	_ =	swait.ge [sflag:s8], $0x4000  }
0xa0: {  	p0 =	sne.s32 s18, $0x9600;
	s19 =	rddreg [dreg:$0x4];
	[sflag:s8] =	ssyncset.done $0x0  }
.Ltmp0:
0xa1: {  	[sflag:s8] =	ssyncadd.s32 $0xFFFFC000;
	s15 =	sadd.s32 s15, s19;
	(pc) =	sbr.rel @p0 .LBB2_2-.Ltmp0, $4  }
0xa2: {  	[tilespmem:s24], [sflag:$0x6] =	stream.linear.gather [hbm4b:s15+s4], $0x80, $0x38;
	[tilespmem:$0x1FF00] =	vst v63  }
0xa3: {  	_ =	swait.ge [sflag:s30], $0x80  }
0xa4: {  	[sflag:s30] =	ssyncset.done $0x0  }
0xa5: {  	s18 =	sadd.s32 $0x600, s18;
	s0 =	sadd.s32 $0x3000, s0;
	[sflag:s30] =	ssyncadd.s32 $0xFFFFFF80  }
0xa6: {  	[tilespmem:s31], [sflag:$0x9] =	stream.indirect.gather [hbm4b:s6+s21], $0x80, s23, s21, $0xb8;
	[tilespmem:$0x1FF00] =	vst v63  }
0xa7: {  	_ =	swait.ge [sflag:s1], $0x4000  }
0xa8: {  	[sflag:s1] =	ssyncset.done $0x0  }
0xa9: {  	[sflag:s1] =	ssyncadd.s32 $0xFFFFC000  }
0xaa: {  	_ =	swait.ge [sflag:s7], $0x80  }
0xab: {  	[sflag:s7] =	ssyncset.done $0x0  }
0xac: {  	[sflag:s7] =	ssyncadd.s32 $0xFFFFFF80  }
0xad: {  	[spmem:s3] =	stream.indirect.scatter.add.f32 [tilespmem:s26], [sflag:$0xA], $0x80, s20, s21, $0xb8;
	[tilespmem:$0x1FF00] =	vst v63  }
0xae: {  	_ =	swait.ge [sflag:s9], $0x4000  }
0xaf: {  	[sflag:s9] =	ssyncset.done $0x0  }
0xb0: {  	[sflag:s9] =	ssyncadd.s32 $0xFFFFC000  }
0xb1: {  	_ =	swait.ge [sflag:s10], $0x80  }
0xb2: {  	[sflag:s10] =	ssyncset.done $0x0  }
0xb3: {  	[sflag:s10] =	ssyncadd.s32 $0xFFFFFF80  }
0xb4: {  	[spmem:s3] =	stream.indirect.scatter.add.f32 [tilespmem:s29], [sflag:$0xB], $0x80, s22, s21, $0xb8;
	[tilespmem:$0x1FF00] =	vst v63  }
0xb5: {  	_ =	swait.ge [sflag:s11], $0x4000  }
0xb6: {  	[sflag:s11] =	ssyncset.done $0x0  }
0xb7: {  	[sflag:s11] =	ssyncadd.s32 $0xFFFFC000  }
0xb8: {  	_ =	swait.ge [sflag:s12], $0x80  }
0xb9: {  	[sflag:s12] =	ssyncset.done $0x0  }
0xba: {  	[sflag:s12] =	ssyncadd.s32 $0xFFFFFF80  }
0xbb: {  	[spmem:s3] =	stream.indirect.scatter.add.f32 [tilespmem:s31], [sflag:$0xC], $0x80, s24, s21, $0xb8;
	[tilespmem:$0x1FF00] =	vst v63  }
0xbc: {  	_ =	swait.ge [sflag:s13], $0x4000  }
0xbd: {  	[sflag:s13] =	ssyncset.done $0x0  }
0xbe: {  	[sflag:s13] =	ssyncadd.s32 $0xFFFFC000  }
0xbf: {  	_ =	swait.ge [sflag:s14], $0x4000  }
0xc0: {  	[sflag:s14] =	ssyncset.done $0x0  }
0xc1: {  	[sflag:s14] =	ssyncadd.s32 $0xFFFFC000  }
0xc2: {  	_ =	swait.ge [sflag:s8], $0x4000  }
0xc3: {  	[sflag:s8] =	ssyncset.done $0x0  }
0xc4: {  	[sflag:s8] =	ssyncadd.s32 $0xFFFFC000  }
0xc5: {  	[bflag:$0x0] =	sbarrier.arrive $0xFFFF  }
0xc6: {  	s0 =	rddreg [dreg:$0x9]  }
0xc7: {  	s15 =	rddreg [dreg:$0x12]  }
0xc8: {  	s18 =	simm.s32 $0xE;
	s17 =	rddreg [dreg:$0x15];
	s0 =	sor.u32 $0x1C0E, s0  }
0xc9: {  	[hbm:s15], [sflag:s0] =	dma.local [spmem:s17], $0x2780  }
0xca: {  	_ =	swait.ge [sflag:s18], $0x2780  }
0xcb: {  	s16 =	sadd.s32 $0x1, s16;
	s19 =	rddreg [dreg:$0x13]  }
0xcc: {  	p0 =	sne.s32 s16, s19  }
.Ltmp1:
0xcd: {  	_ = 	snop;
	(pc) =	sbr.rel @p0 .LBB2_1-.Ltmp1, $3  }
0xce: {  	_ =	sdelay $0x1  }
0xcf: {  	[sflag:s18] =	ssyncset.done $0x0  }
0xd0: {  	[sflag:s18] =	ssyncadd.s32 $0xFFFFD880  }
0xd1: {  	_ =	sfence.sel $0x180000  }
0xd2: {  	[bflag:$0x0] =	sbarrier.arrive $0xFFFF  }
0xd3: {  	_ =	strace $0x9000004D  }
0xd4: {  	s0 =	stileid.u32;
	[bflag:$0x2] =	sbarrier.arrive $0xFFFF  }
0xd5: {  	p0 =	sne.s32 s0, $0x0;
	s0 =	rddreg [dreg:$0x3]  }
0xd6: {  	s0 =	sadd.s32 @!p0 $0x100000, s0  }
0xd7: {  	[sflag:s0] =	ssyncadd.tile.s32 @!p0 $0x1;
	_ =	shalt  }
.Lfunc_end2:
_tile_overlayer_lowered:
.L_overlay_start_2:
0xd8: {  	(tag) =	ssettag $0x2  }
0xd9: {  	s0 =	rddreg [dreg:$0x0];
	s2 =	stileid.u32  }
0xda: {  	s1 =	rddreg [dreg:$0x1];
	p0 =	sne.s32 s2, $0x0  }
0xdb: {  	s3 =	rddreg [dreg:$0x2];
	[bflag:$0x3] =	sbarrier.arrive $0xFFFF;
	s2 =	simm.s32 @!p0 $0x1C0E  }
0xdc: {  	[timem:s3], [sflag:s2] =	dma.local @!p0 [hbm:s0], s1  }
0xdd: {  	s0 =	simm.s32 @!p0 $0xE  }
0xde: {  	_ =	swait.ge @!p0 [sflag:s0], s1  }
0xdf: {  	s1 =	ssub.s32 @!p0 $0x0, s1;
	[sflag:s0] =	ssyncset.done @!p0 $0x0  }
0xe0: {  	[sflag:s0] =	ssyncadd.s32 @!p0 s1  }
0xe1: {  	[bflag:$0x3] =	sbarrier.arrive $0xFFFF  }
0xe2: {  	_ =	shalt  }

// kernel: kernel.8.cloned.1.call-start
scs
__scs_entry_jumppad:
0x0: {  	(pc) =	sbr.rel $0x88, $3  }
0x1: {  	(tag) =	ssettag $0x0;
	lr =	simm.s32 $0x1  }
0x2: {  	[smem:$0x3F97] =	sst lr;
	_ =	strace $0xD0000000  }
0x3: {  	_ = 	snop  }
0x4: {  	_ = 	snop  }
0x5: {  	_ = 	snop  }
0x6: {  	_ = 	snop  }
0x7: {  	_ = 	snop  }
__scs_overlays_trampoline_lowered:
0x8: {  	[smem:$0x3FA6] =	sst s0  }
0x9: {  	[smem:$0x3FA7] =	sst s1  }
0xa: {  	[smem:$0x3FA8] =	sst s2  }
0xb: {  	[smem:$0x3FA9] =	sst s3  }
0xc: {  	[smem:$0x3FAA] =	sst s4  }
0xd: {  	[smem:$0x3FAB] =	sst s5  }
0xe: {  	[smem:$0x3FAC] =	sst s6  }
0xf: {  	[smem:$0x3FAD] =	sst s7  }
0x10: {  	[smem:$0x3FAE] =	sst s8  }
0x11: {  	[smem:$0x3FAF] =	sst s9;
	s0 =	simm.s32 @!p0 $0x0  }
0x12: {  	s1 =	sld [smem:$0x3F95];
	s0 =	simm.s32 @p0 $0x1  }
0x13: {  	[smem:$0x3FB0] =	sst s0;
	s0 =	simm.s32 @!p1 $0x0  }
0x14: {  	s2 =	sld [smem:$0x3F94];
	s0 =	simm.s32 @p1 $0x1  }
0x15: {  	[smem:$0x3FB1] =	sst s0;
	s0 =	simm.s32 @!p2 $0x0  }
0x16: {  	s3 =	sld [smem:$0x3FDB];
	s0 =	simm.s32 @p2 $0x1  }
0x17: {  	s4 =	simm.s32 $0x1BF5;
	[smem:$0x3FB3] =	sst s0  }
0x18: {  	s0 =	sld [smem:$0x3F96];
	_ =	swait.ge [sflag:s4], $0x0  }
0x19: {  	s7 =	sld [smem:$0x3F97]  }
0x1a: {  	s8 =	sadd.s32 $0xFFFFE003, lr  }
0x1b: {  	s9 =	sadd.s32 $0xFFFFFEF7, lr;
	s5 =	simm.s32 $0xFFFFFFFF;
	p2 =	slt.u32 s8, $0xFFFFF086  }
0x1c: {  	p1 =	slt.u32 s9, $0xF7A;
	s5 =	simm.s32 @!p2 $0x0  }
0x1d: {  	s5 =	simm.s32 @p1 $0x1;
	p0 =	seq.s32 s7, s2  }
0x1e: {  	s7 =	smul.u32 @!p0 $0xF7A, s2;
	p2 =	seq.s32 @!p0 s5, $0x0  }
0x1f: {  	s9 =	smul.u32 $0xF7A, s1;
	s8 =	simm.s32 @!p0 $0x1BF5;
	p2 =	por !p2, p0  }
0x20: {  	[sflag:s8] =	ssyncset.s32 @!p0 $0xFFFFF086;
	s6 =	sadd.s32 @!p0 s3, s7;
	s7 =	simm.s32 @!p0 $0x108  }
0x21: {  	s3 =	sadd.s32 s3, s9;
	s6 =	sadd.s32 @!p0 $0x88, s6;
	s7 =	simm.s32 @p2 $0x1082  }
0x22: {  	[simem:s7], [sflag:s8] =	dma.local @!p0 [hbm:s6], $0xF7A  }
0x23: {  	s9 =	sor.u32 $0xD0000000, s2;
	s6 =	simm.s32 $0x108;
	_ =	swait.ge @!p0 [sflag:s8], $0x0  }
0x24: {  	s3 =	sadd.s32 $0x88, s3;
	s6 =	simm.s32 @!p1 $0x1082;
	[sflag:s4] =	ssyncset.s32 $0xFFFFF086  }
0x25: {  	[simem:s6], [sflag:s4] =	dma.local [hbm:s3], $0xF7A  }
0x26: {  	[smem:$0x3F97] =	sst s1;
	(tag) =	ssettag s2;
	_ =	strace s9  }
0x27: {  	s1 =	sld [smem:$0x3FA7]  }
0x28: {  	s2 =	sld [smem:$0x3FA8]  }
0x29: {  	s4 =	sld [smem:$0x3FAA]  }
0x2a: {  	p0 =	seq.s32 s5, $0x0;
	s5 =	sld [smem:$0x3FAB]  }
0x2b: {  	s6 =	sld [smem:$0x3FAC]  }
0x2c: {  	s7 =	sld [smem:$0x3FAD]  }
0x2d: {  	s3 =	simm.s32 $0x108;
	s8 =	sld [smem:$0x3FAE]  }
0x2e: {  	s3 =	simm.s32 @!p0 $0x1082;
	s9 =	sld [smem:$0x3FAF]  }
0x2f: {  	lr =	sadd.s32 s0, s3;
	s0 =	sld [smem:$0x3FA6]  }
0x30: {  	s3 =	sld [smem:$0x3FA9]  }
0x31: {  	[smem:$0x3FB2] =	sst s10  }
0x32: {  	s10 =	sld [smem:$0x3FB0];
	_ =	sdelay $0x3  }
0x33: {  	p0 =	seq.s32 s10, $0x1;
	s10 =	sld [smem:$0x3FB2];
	_ =	sdelay $0x3  }
0x34: {  	[smem:$0x3FB2] =	sst s10  }
0x35: {  	s10 =	sld [smem:$0x3FB1];
	_ =	sdelay $0x3  }
0x36: {  	p1 =	seq.s32 s10, $0x1;
	s10 =	sld [smem:$0x3FB2];
	_ =	sdelay $0x3  }
0x37: {  	[smem:$0x3FB2] =	sst s10  }
0x38: {  	s10 =	sld [smem:$0x3FB3]  }
0x39: {  	_ = 	snop;
	(pc) =	sbr.ind lr, $3  }
0x3a: {  	_ = 	snop  }
0x3b: {  	_ = 	snop  }
0x3c: {  	p2 =	seq.s32 s10, $0x1;
	s10 =	sld [smem:$0x3FB2]  }
0x3d: {  	_ =	shalt  }
0x3e: {  	_ =	shalt  }
0x3f: {  	_ =	shalt  }
0x40: {  	_ =	shalt  }
0x41: {  	_ =	shalt  }
0x42: {  	_ =	shalt  }
0x43: {  	_ =	shalt  }
0x44: {  	_ =	shalt  }
0x45: {  	_ =	shalt  }
0x46: {  	_ =	shalt  }
0x47: {  	_ =	shalt  }
0x48: {  	_ =	shalt  }
0x49: {  	_ =	shalt  }
0x4a: {  	_ =	shalt  }
0x4b: {  	_ =	shalt  }
0x4c: {  	_ =	shalt  }
0x4d: {  	_ =	shalt  }
0x4e: {  	_ =	shalt  }
0x4f: {  	_ =	shalt  }
0x50: {  	_ =	shalt  }
0x51: {  	_ =	shalt  }
0x52: {  	_ =	shalt  }
0x53: {  	_ =	shalt  }
0x54: {  	_ =	shalt  }
0x55: {  	_ =	shalt  }
0x56: {  	_ =	shalt  }
0x57: {  	_ =	shalt  }
0x58: {  	_ =	shalt  }
0x59: {  	_ =	shalt  }
0x5a: {  	_ =	shalt  }
0x5b: {  	_ =	shalt  }
0x5c: {  	_ =	shalt  }
0x5d: {  	_ =	shalt  }
0x5e: {  	_ =	shalt  }
0x5f: {  	_ =	shalt  }
0x60: {  	_ =	shalt  }
0x61: {  	_ =	shalt  }
0x62: {  	_ =	shalt  }
0x63: {  	_ =	shalt  }
0x64: {  	_ =	shalt  }
0x65: {  	_ =	shalt  }
0x66: {  	_ =	shalt  }
0x67: {  	_ =	shalt  }
0x68: {  	_ =	shalt  }
0x69: {  	_ =	shalt  }
0x6a: {  	_ =	shalt  }
0x6b: {  	_ =	shalt  }
0x6c: {  	_ =	shalt  }
0x6d: {  	_ =	shalt  }
0x6e: {  	_ =	shalt  }
0x6f: {  	_ =	shalt  }
0x70: {  	_ =	shalt  }
0x71: {  	_ =	shalt  }
0x72: {  	_ =	shalt  }
0x73: {  	_ =	shalt  }
0x74: {  	_ =	shalt  }
0x75: {  	_ =	shalt  }
0x76: {  	_ =	shalt  }
0x77: {  	_ =	shalt  }
0x78: {  	_ =	shalt  }
0x79: {  	_ =	shalt  }
0x7a: {  	_ =	shalt  }
0x7b: {  	_ =	shalt  }
0x7c: {  	_ =	shalt  }
0x7d: {  	_ =	shalt  }
0x7e: {  	_ =	shalt  }
0x7f: {  	_ =	shalt  }
0x80: {  	_ =	shalt  }
0x81: {  	_ =	shalt  }
0x82: {  	_ =	shalt  }
0x83: {  	_ =	shalt  }
0x84: {  	_ =	shalt  }
0x85: {  	_ =	shalt  }
0x86: {  	_ =	shalt  }
0x87: {  	_ =	shalt  }
.Lfunc_end0:
.L_simem_size_0:
called_computation_lowered:
.L_overlay_start_0:
0x88: {  	s2 =	sld [smem:$0x3FD9]  }
0x89: {  	s3 =	sld [smem:$0x3FFE];
	_ =	sdelay $0x1  }
0x8a: {  	s1 =	srdreg.scid  }
0x8b: {  	s0 =	sand.u32 $0x1, s1  }
0x8c: {  	s16 =	sshll.u32 s0, $0xA;
	s2 =	sadd.s32 s3, s2  }
0x8d: {  	s2 =	sadd.s32 s2, s16  }
0x8e: {  	[smem:$0x3FBE] =	sst s2  }
0x8f: {  	_ = 	snop  }
0x90: {  	(tm) =	ssettm $0x1  }
0x91: {  	s17 =	sld [smem:$0x3FFB];
	_ =	sdelay $0x3  }
0x92: {  	_ =	strace s17  }
0x93: {  	s2 =	sld [smem:$0x3FFC];
	_ =	sdelay $0x3  }
0x94: {  	_ =	strace s2  }
0x95: {  	s2 =	sld [smem:$0x3FFD];
	_ =	sdelay $0x3  }
0x96: {  	_ =	strace s2  }
0x97: {  	_ =	strace $0x8FFFFFFF  }
0x98: {  	s18 =	sld [smem:$0x3FDB];
	_ =	sdelay $0x1  }
0x99: {  	s19 =	simm.s32 $_scs_section_size  }
0x9a: {  	s4 =	simm.s32 $_size__tile_overlayer_lowered;
	s5 =	simm.s32 $_tile_overlayer_lowered  }
0x9b: {  	s22 =	simm.s32 $0x1BFF;
	s21 =	sshll.u32 s5, $0x1;
	s2 =	sadd.s32 s19, s18  }
0x9c: {  	s6 =	simm.s32 $0x0;
	s20 =	sshll.u32 s4, $0x1;
	s4 =	sadd.s32 s21, s2  }
0x9d: {  	[timem:s6], [sflag:s22] =	dma.local [hbm:s4], s20  }
0x9e: {  	_ =	swait.ge [sflag:s22], s20  }
0x9f: {  	s3 =	ssub.s32 $0x0, s20;
	[sflag:s22] =	ssyncset.done $0x0  }
0xa0: {  	[sflag:s22] =	ssyncadd.s32 s3;
	_ =	sdelay $0x1  }
0xa1: {  	s23 =	simm.s32 $0x1B8B  }
0xa2: {  	_ =	swait.ge [sflag:s23], $0x1  }
0xa3: {  	[sflag:s23] =	ssyncset.done $0x0  }
0xa4: {  	s25 =	simm.s32 $0x1B8E;
	s24 =	sld [smem:$0x3FFE];
	[sflag:s23] =	ssyncadd.s32 $0xFFFFFFFF  }
0xa5: {  	s26 =	simm.s32 $execute0_lowered;
	[smem:$0x3FD2] =	sst s25  }
0xa6: {  	s4 =	sshll.u32 s26, $0x1;
	_ =	strace $0x80000046;
	[dreg:$0x1] =	wrdreg $0xFFFFFFFF  }
0xa7: {  	s28 =	simm.s32 $_size_execute0_lowered;
	s2 =	sadd.s32 s2, s4;
	[dreg:$0x0] =	wrdreg $0x0  }
0xa8: {  	s4 =	sshll.u32 s28, $0x1;
	[dreg:$0x2] =	wrdreg s2  }
0xa9: {  	[dreg:$0x3] =	wrdreg s4  }
0xaa: {  	[dreg:$0x4] =	wrdreg $0xC0  }
0xab: {  	_ =	task [dreg:s6], $0x5FFFF  }
0xac: {  	[dreg:$0x1] =	wrdreg $0xFFFFFFFF  }
0xad: {  	[dreg:$0x0] =	wrdreg $0x60  }
0xae: {  	[dreg:$0x2] =	wrdreg s24  }
0xaf: {  	[dreg:$0x3] =	wrdreg $0x28800  }
0xb0: {  	[dreg:$0x4] =	wrdreg $0x9  }
0xb1: {  	_ =	task.clear_ibuf [dreg:s6], $0x5FFFF;
	_ =	strace $0x90000046  }
0xb2: {  	s29 =	simm.s32 $0x9;
	_ =	strace $0x80000048  }
0xb3: {  	_ =	swait.ge [sflag:s29], $0x1  }
0xb4: {  	[sflag:s29] =	ssyncadd.s32 $0xFFFFFFFF  }
0xb5: {  	_ =	strace $0x90000048  }
0xb6: {  	_ =	sfence  }
0xb7: {  	s30 =	sld [smem:$0x0];
	_ =	sdelay $0x2  }
0xb8: {  	s31 =	sshll.u32 s1, $0xD;
	s1 =	sshrl.u32 s1, $0x2  }
0xb9: {  	s3 =	sand.u32 $0x4000, s31;
	s1 =	sadd.s32 s1, s30  }
0xba: {  	s0 =	sor.u32 s3, s0;
	s1 =	sshll.u32 s1, $0x11  }
0xbb: {  	s0 =	sor.u32 s1, s0  }
0xbc: {  	s0 =	sadd.s32 $0x8F2B, s0  }
0xbd: {  	[sflag:s0] =	ssyncadd.remote.s32 $0x1  }
0xbe: {  	_ =	sfence.sel $0xFFFF  }
0xbf: {  	[dreg:$0x0] =	wrdreg $0xFFFFFFFF;
	(pc) =	sbr.abs _section_cstart, $3  }
0xc0: {  	[dreg:$0x1] =	wrdreg $0xFFFFFFFF  }
0xc1: {  	_ =	task.clear_ibuf [dreg:s6], $0x2FFFF;
	_ =	strace $0x9FFFFFFF  }
0xc2: {  	(tm) =	ssettm $0x7FFFFFFF  }
0xc3: {  	_ =	shalt  }
tec
execute0_lowered:
.L_overlay_start_1:
0x0: {  	(tag) =	ssettag $0x1  }
0x1: {  	s7 =	rddreg [dreg:$0x0]  }
0x2: {  	s0 =	srdreg.scid;
	s2 =	rddreg [dreg:$0x1]  }
0x3: {  	s3 =	simm.s32 $0x0;
	s16 =	simm.s32 $0x80;
	s17 =	simm.s32 $0x1  }
0x4: {  	s18 =	simm.s32 $0x2;
	s19 =	simm.s32 $0x0;
	s5 =	sand.u32 $0x1, s0  }
0x5: {  	s0 =	stileid.u32;
	[smem:$0x7FF] =	sst s3;
	s11 =	sadd.s32 $0xCE00, s7  }
0x6: {  	s1 =	sshll.u32 s5, $0x4;
	s8 =	smul.u32 $0x280, s0;
	s10 =	ssub.s32 $0x2, s5  }
0x7: {  	s13 =	smul.u32 $0x2780, s5;
	p0 =	seq.s32 s0, $0xF;
	s1 =	sor.u32 s0, s1  }
0x8: {  	s12 =	sshrl.u32 s10, $0x1;
	s14 =	sshll.u32 @!p0 s0, $0x6;
	s4 =	smul.u32 $0x500, s1  }
0x9: {  	s1 =	rddreg [dreg:$0x2];
	_ =	strace $0x80000047;
	s9 =	sshrl.u32 s8, $0x3  }
0xa: {  	s10 =	ssub.s32 s10, s12;
	s15 =	sadd.s32 s8, s2;
	s8 =	sadd.s32 s8, s13  }
0xb: {  	s31 =	sshrl.u32 s13, $0x3;
	s13 =	sadd.s32 $0x2580, s2;
	s12 =	simm.s32 $0x3  }
0xc: {  	s14 =	sor.u32 @!p0 $0x1C03, s14;
	s9 =	sadd.s32 s9, s7;
	s8 =	sshrl.u32 s8, $0x3  }
0xd: {  	s10 =	smax.u32 s10, $0x1;
	s13 =	sshrl.u32 @p0 s13, $0x3;
	s15 =	sshrl.u32 @!p0 s15, $0x3  }
0xe: {  	s6 =	sadd.s32 s4, s7;
	s4 =	sadd.s32 $0xCC00, s7;
	s7 =	sadd.s32 $0xCAB0, s7  }
0xf: {  	s5 =	sadd.s32 $0x2600, s6;
	s6 =	sadd.s32 $0xC600, s9;
	s9 =	sadd.s32 s11, s31  }
0x10: {  	s8 =	sadd.s32 s11, s8;
	s11 =	simm.s32 $0x2800;
	s9 =	sadd.s32 $0x4B0, s9  }
.LBB2_1:
0x11: {  	[tilespmem:s11], [sflag:$0x3] =	stream.linear.gather [hbm4b:s4+s3], $0x80, $0x38;
	[tilespmem:$0x2AF8] =	vst v63  }
0x12: {  	_ =	swait.ge [sflag:s12], $0x80  }
0x13: {  	[sflag:s12] =	ssyncset.done $0x0  }
0x14: {  	[sflag:s12] =	ssyncadd.s32 $0xFFFFFF80  }
0x15: {  	[tilespmem:s3], [sflag:$0x3] =	stream.linear.gather [hbm4b:s5+s3], $0x2800, $0x38;
	[tilespmem:$0x2AF8] =	vst v63  }
0x16: {  	_ =	swait.ge [sflag:s12], $0x2800  }
0x17: {  	[sflag:s12] =	ssyncset.done $0x0  }
0x18: {  	s20 =	simm.s32 @p0 $0x1FC3;
	[sflag:s12] =	ssyncadd.s32 $0xFFFFD800  }
0x19: {  	[spmem:s13], [sflag:s20] =	dma.local @p0 [hbm:s7], $0x40  }
0x1a: {  	s20 =	simm.s32 @p0 $0x3  }
0x1b: {  	_ =	swait.ge @p0 [sflag:s20], $0x40  }
0x1c: {  	[sflag:s20] =	ssyncset.done @p0 $0x0  }
0x1d: {  	[sflag:s20] =	ssyncadd.s32 @p0 $0xFFFFFFC0;
	s20 =	simm.s32 @!p0 $0x3  }
0x1e: {  	[spmem:s15], [sflag:s14] =	dma.local @!p0 [hbm:s6], $0x50  }
0x1f: {  	_ =	swait.ge @!p0 [sflag:s20], $0x50  }
0x20: {  	[sflag:s20] =	ssyncset.done @!p0 $0x0  }
0x21: {  	[sflag:s20] =	ssyncadd.s32 @!p0 $0xFFFFFFB0  }
0x22: {  	s30 =	simm.s32 $0x0;
	[bflag:$0x0] =	sbarrier.arrive $0xFFFF  }
0x23: {  	[spmem:s2] =	stream.indirect.scatter.add.f32 [tilespmem:s11], [sflag:$0x1], $0x1, s30, s16, $0xb8;
	[tilespmem:$0x2AF8] =	vst v63  }
0x24: {  	s31 =	simm.s32 $0x80  }
0x25: {  	[spmem:s2] =	stream.indirect.scatter.add.f32 [tilespmem:s11], [sflag:$0x2], $0x1, s31, s16, $0xb8;
	[tilespmem:$0x2AF8] =	vst v63  }
0x26: {  	_ =	swait.ge [sflag:s17], $0x80  }
0x27: {  	[sflag:s17] =	ssyncset.done $0x0  }
0x28: {  	[sflag:s17] =	ssyncadd.s32 $0xFFFFFF80  }
0x29: {  	_ =	swait.ge [sflag:s18], $0x80  }
0x2a: {  	s21 =	simm.s32 $0x800;
	s20 =	simm.s32 $0x400;
	[sflag:s18] =	ssyncset.done $0x0  }
.LBB2_2:
0x2b: {  	s22 =	sshra.s32 s20, $0x2  }
0x2c: {  	[sflag:s18] =	ssyncadd.s32 $0xFFFFFF80;
	s20 =	smov.u32 s21;
	s23 =	sadd.s32 $0x400, s21  }
0x2d: {  	[spmem:s2] =	stream.indirect.scatter.add.f32 [tilespmem:s11], [sflag:$0x1], $0x1, s22, s16, $0xb8;
	[tilespmem:$0x2AF8] =	vst v63  }
0x2e: {  	p1 =	sne.s32 s21, $0x9C00;
	s21 =	sadd.s32 $0x80, s22  }
0x2f: {  	[spmem:s2] =	stream.indirect.scatter.add.f32 [tilespmem:s11], [sflag:$0x2], $0x1, s21, s16, $0xb8;
	[tilespmem:$0x2AF8] =	vst v63  }
.Ltmp0:
0x30: {  	_ =	swait.ge [sflag:s17], $0x80;
	(pc) =	sbr.rel @p1 .LBB2_2-.Ltmp0, $4  }
0x31: {  	[sflag:s17] =	ssyncset.done $0x0  }
0x32: {  	[sflag:s17] =	ssyncadd.s32 $0xFFFFFF80  }
0x33: {  	_ =	swait.ge [sflag:s18], $0x80  }
0x34: {  	s21 =	smov.u32 s23;
	[sflag:s18] =	ssyncset.done $0x0  }
0x35: {  	s20 =	sshra.s32 s20, $0x2;
	[sflag:s18] =	ssyncadd.s32 $0xFFFFFF80  }
0x36: {  	[spmem:s2] =	stream.indirect.scatter.add.f32 [tilespmem:s11], [sflag:$0x1], $0x1, s20, s16, $0xb8;
	[tilespmem:$0x2AF8] =	vst v63  }
0x37: {  	s20 =	sadd.s32 $0x80, s20  }
0x38: {  	[spmem:s2] =	stream.indirect.scatter.add.f32 [tilespmem:s11], [sflag:$0x2], $0x1, s20, s16, $0xb8;
	[tilespmem:$0x2AF8] =	vst v63  }
0x39: {  	_ =	swait.ge [sflag:s17], $0x80  }
0x3a: {  	[sflag:s17] =	ssyncset.done $0x0  }
0x3b: {  	[sflag:s17] =	ssyncadd.s32 $0xFFFFFF80  }
0x3c: {  	_ =	swait.ge [sflag:s18], $0x80  }
0x3d: {  	[sflag:s18] =	ssyncset.done $0x0  }
0x3e: {  	[sflag:s18] =	ssyncadd.s32 $0xFFFFFF80  }
0x3f: {  	s20 =	simm.s32 @p0 $0x1FC3;
	[bflag:$0x0] =	sbarrier.arrive $0xFFFF  }
0x40: {  	[hbm:s9], [sflag:s20] =	dma.local @p0 [spmem:s13], $0x40  }
0x41: {  	s20 =	simm.s32 @p0 $0x3  }
0x42: {  	s19 =	sadd.s32 $0x1, s19;
	_ =	swait.ge @p0 [sflag:s20], $0x40  }
0x43: {  	p1 =	sne.s32 s19, s10;
	[sflag:s20] =	ssyncset.done @p0 $0x0  }
.Ltmp1:
0x44: {  	[sflag:s20] =	ssyncadd.s32 @p0 $0xFFFFFFC0;
	s20 =	simm.s32 @!p0 $0x3;
	(pc) =	sbr.rel @p1 .LBB2_1-.Ltmp1, $4  }
0x45: {  	[hbm:s8], [sflag:s14] =	dma.local @!p0 [spmem:s15], $0x50  }
0x46: {  	_ =	swait.ge @!p0 [sflag:s20], $0x50  }
0x47: {  	[sflag:s20] =	ssyncset.done @!p0 $0x0  }
0x48: {  	[sflag:s20] =	ssyncadd.s32 @!p0 $0xFFFFFFB0  }
0x49: {  	_ =	sfence.sel $0x180000  }
0x4a: {  	[bflag:$0x0] =	sbarrier.arrive $0xFFFF  }
0x4b: {  	p0 =	sne.s32 s0, $0x0;
	_ =	strace $0x90000047  }
0x4c: {  	s0 =	sadd.s32 @!p0 $0x100000, s1;
	[bflag:$0x2] =	sbarrier.arrive $0xFFFF  }
0x4d: {  	[sflag:s0] =	ssyncadd.tile.s32 @!p0 $0x1;
	_ =	shalt  }
.Lfunc_end2:
_tile_overlayer_lowered:
.L_overlay_start_2:
0x4e: {  	(tag) =	ssettag $0x2  }
0x4f: {  	s0 =	rddreg [dreg:$0x0];
	s2 =	stileid.u32  }
0x50: {  	s1 =	rddreg [dreg:$0x1];
	p0 =	sne.s32 s2, $0x0  }
0x51: {  	s3 =	rddreg [dreg:$0x2];
	[bflag:$0x3] =	sbarrier.arrive $0xFFFF;
	s2 =	simm.s32 @!p0 $0x1C03  }
0x52: {  	[timem:s3], [sflag:s2] =	dma.local @!p0 [hbm:s0], s1  }
0x53: {  	s0 =	simm.s32 @!p0 $0x3  }
0x54: {  	_ =	swait.ge @!p0 [sflag:s0], s1  }
0x55: {  	s1 =	ssub.s32 @!p0 $0x0, s1;
	[sflag:s0] =	ssyncset.done @!p0 $0x0  }
0x56: {  	[sflag:s0] =	ssyncadd.s32 @!p0 s1  }
0x57: {  	[bflag:$0x3] =	sbarrier.arrive $0xFFFF  }
0x58: {  	_ =	shalt  }

</sc_bundles>
